<compile_context>
chip_gen: v7x
topology: tpu7x:2x2x1
jax: 0.10.2.dev20260603
libtpu: 0.0.44.dev20260713+nightly
codegen_flags: <defaults>
</compile_context>

<pallas_src>
import functools

import jax
import jax.numpy as jnp
from jax import lax
from jax.experimental import pallas as pl
from jax.experimental.pallas import tpu as pltpu
from jax.experimental.pallas import tpu_sc as plsc

N = 10000
E = 320000
DF = 128
DC = 40
EPS = 1e-5

NC, NS = 2, 16
NW = NC * NS
EW = E // NW
C = 80
K = EW // C
KB = 25
NB = K // KB
S = 10240
SCH = S // NS
NP_ = 10112
RP = NP_ // NS

_mesh = plsc.VectorSubcoreMesh(core_axis_name="c", subcore_axis_name="s")



def _make_deg_kernel():
    @functools.partial(
        pl.kernel,
        out_type=jax.ShapeDtypeStruct((NC, 2, 1, S), jnp.float32),
        mesh=_mesh,
        scratch_types=[
            pltpu.VMEM((KB, C), jnp.int32),
            pltpu.VMEM((KB, C), jnp.int32),
            pltpu.VMEM((C,), jnp.float32),
            pltpu.VMEM_SHARED((S,), jnp.float32),
            pltpu.VMEM_SHARED((S,), jnp.float32),
            pltpu.SemaphoreType.DMA,
        ],
    )
    def deg_kernel(nb_hbm, ones_hbm, zeros_hbm, out_hbm,
                   idx0_v, idx1_v, ones_v, acc0, acc1, sem):
        c = lax.axis_index("c")
        s = lax.axis_index("s")
        wid = c * NS + s
        idx_bufs = (idx0_v, idx1_v)
        accs = (acc0, acc1)
        pltpu.sync_copy(zeros_hbm.at[0, 0, pl.ds(s * SCH, SCH)],
                        acc0.at[pl.ds(s * SCH, SCH)])
        pltpu.sync_copy(zeros_hbm.at[0, 0, pl.ds(s * SCH, SCH)],
                        acc1.at[pl.ds(s * SCH, SCH)])
        pltpu.sync_copy(ones_hbm, ones_v)
        plsc.subcore_barrier()

        for l in range(2):
            for b in range(NB):
                k = l * NB + b
                buf = idx_bufs[k % 2]
                acc = accs[l]
                if k >= 2:
                    def drain(j, carry):
                        pltpu.make_async_copy(
                            ones_v, acc0.at[idx0_v.at[0]], sem).wait()
                        return carry

                    lax.fori_loop(0, KB, drain, 0)
                pltpu.sync_copy(nb_hbm.at[l, 1, wid, b], buf)

                def body(j, carry, buf=buf, acc=acc):
                    pltpu.async_copy(ones_v, acc.at[buf.at[j]], sem,
                                     add=True)
                    return carry

                lax.fori_loop(0, KB, body, 0)

        def drain_tail(j, carry):
            pltpu.make_async_copy(ones_v, acc0.at[idx0_v.at[0]], sem).wait()
            return carry

        lax.fori_loop(0, 2 * KB, drain_tail, 0)
        plsc.subcore_barrier()
        pltpu.sync_copy(acc0.at[pl.ds(s * SCH, SCH)],
                        out_hbm.at[c, 0, 0, pl.ds(s * SCH, SCH)])
        pltpu.sync_copy(acc1.at[pl.ds(s * SCH, SCH)],
                        out_hbm.at[c, 1, 0, pl.ds(s * SCH, SCH)])

    return deg_kernel


def _make_edge_kernel(d, layer, tc_tiling=True):
    @functools.partial(
        pl.kernel,
        out_type=jax.ShapeDtypeStruct((NC, NP_, d), jnp.float32),
        mesh=_mesh,
        compiler_params=pltpu.CompilerParams(use_tc_tiling_on_sc=tc_tiling),
        scratch_types=[
            pltpu.VMEM((KB, C), jnp.int32),
            pltpu.VMEM((KB, C), jnp.int32),
            pltpu.VMEM((C, d), jnp.float32),
            pltpu.VMEM((C, d), jnp.float32),
            pltpu.VMEM((C, d), jnp.float32),
            pltpu.VMEM_SHARED((NP_, d), jnp.float32),
            pltpu.SemaphoreType.DMA,
            pltpu.SemaphoreType.DMA,
        ],
    )
    def edge_kernel(nb_hbm, ms_hbm, zeros_hbm, out_hbm,
                    src_v, dst_v, rows0_v, rows1_v, rows2_v, acc,
                    gsem, ssem):
        c = lax.axis_index("c")
        s = lax.axis_index("s")
        wid = c * NS + s
        bufs = (rows0_v, rows1_v, rows2_v)
        pltpu.sync_copy(zeros_hbm.at[pl.ds(s * RP, RP)],
                        acc.at[pl.ds(s * RP, RP)])
        plsc.subcore_barrier()

        def step(cur, nxt, j):
            pltpu.make_async_copy(ms_hbm.at[src_v.at[j]], cur, gsem).wait()

            @pl.when(j >= 2)
            def _():
                pltpu.make_async_copy(nxt, acc.at[dst_v.at[0]], ssem).wait()

            @pl.when(j + 1 < KB)
            def _():
                pltpu.async_copy(ms_hbm.at[src_v.at[j + 1]], nxt, gsem)

            pltpu.async_copy(cur, acc.at[dst_v.at[j]], ssem, add=True)

        def inner(j, carry):
            for r in range(3):
                @pl.when(j % 3 == r)
                def _(r=r):
                    step(bufs[r], bufs[(r + 1) % 3], j)

            return carry

        def block(b, carry):
            pltpu.sync_copy(nb_hbm.at[layer, 0, wid, b], src_v)
            pltpu.sync_copy(nb_hbm.at[layer, 1, wid, b], dst_v)
            pltpu.async_copy(ms_hbm.at[src_v.at[0]], rows0_v, gsem)
            lax.fori_loop(0, KB, inner, 0)

            def drain(j, carry2):
                pltpu.make_async_copy(rows0_v, acc.at[dst_v.at[0]],
                                      ssem).wait()
                return carry2

            lax.fori_loop(0, 2, drain, 0)
            return carry

        lax.fori_loop(0, NB, block, 0)
        plsc.subcore_barrier()
        pltpu.sync_copy(acc.at[pl.ds(s * RP, RP)],
                        out_hbm.at[c, pl.ds(s * RP, RP)])

    return edge_kernel


def _make_edge_kernel_sp(d, layer):
    @functools.partial(
        pl.kernel,
        out_type=jax.ShapeDtypeStruct((NC, NP_, d), jnp.float32),
        mesh=_mesh,
        compiler_params=pltpu.CompilerParams(use_tc_tiling_on_sc=False),
        scratch_types=[
            pltpu.VMEM((KB, C), jnp.int32),
            pltpu.VMEM((KB, C), jnp.int32),
            pltpu.VMEM((C, d), jnp.float32),
            pltpu.VMEM((C, d), jnp.float32),
            pltpu.VMEM((C, d), jnp.float32),
            pltpu.VMEM_SHARED((N, d), jnp.float32),
            pltpu.VMEM_SHARED((NP_, d), jnp.float32),
            pltpu.SemaphoreType.DMA,
            pltpu.SemaphoreType.DMA,
        ],
    )
    def edge_kernel(nb_hbm, ms_hbm, zeros_hbm, out_hbm,
                    src_v, dst_v, rows0_v, rows1_v, rows2_v, ms_sh, acc,
                    gsem, ssem):
        c = lax.axis_index("c")
        s = lax.axis_index("s")
        wid = c * NS + s
        bufs = (rows0_v, rows1_v, rows2_v)
        mrp = N // NS
        pltpu.sync_copy(zeros_hbm.at[pl.ds(s * RP, RP)],
                        acc.at[pl.ds(s * RP, RP)])
        pltpu.sync_copy(ms_hbm.at[pl.ds(s * mrp, mrp)],
                        ms_sh.at[pl.ds(s * mrp, mrp)])
        plsc.subcore_barrier()

        def step(cur, nxt, j):
            pltpu.make_async_copy(ms_sh.at[src_v.at[j]], cur, gsem).wait()

            @pl.when(j >= 2)
            def _():
                pltpu.make_async_copy(nxt, acc.at[dst_v.at[0]], ssem).wait()

            @pl.when(j + 1 < KB)
            def _():
                pltpu.async_copy(ms_sh.at[src_v.at[j + 1]], nxt, gsem)

            pltpu.async_copy(cur, acc.at[dst_v.at[j]], ssem, add=True)

        def inner(j, carry):
            for r in range(3):
                @pl.when(j % 3 == r)
                def _(r=r):
                    step(bufs[r], bufs[(r + 1) % 3], j)

            return carry

        def block(b, carry):
            pltpu.sync_copy(nb_hbm.at[layer, 0, wid, b], src_v)
            pltpu.sync_copy(nb_hbm.at[layer, 1, wid, b], dst_v)
            pltpu.async_copy(ms_sh.at[src_v.at[0]], rows0_v, gsem)
            lax.fori_loop(0, KB, inner, 0)

            def drain(j, carry2):
                pltpu.make_async_copy(rows0_v, acc.at[dst_v.at[0]],
                                      ssem).wait()
                return carry2

            lax.fori_loop(0, 2, drain, 0)
            return carry

        lax.fori_loop(0, NB, block, 0)
        plsc.subcore_barrier()
        pltpu.sync_copy(acc.at[pl.ds(s * RP, RP)],
                        out_hbm.at[c, pl.ds(s * RP, RP)])

    return edge_kernel


_deg_call = _make_deg_kernel()
_edge_call_1 = _make_edge_kernel(DF, 0, tc_tiling=False)
_edge_call_2 = _make_edge_kernel_sp(DC, 1)



def _tc_front_body(x_ref, w1_ref, degp_ref, ms1_ref, dinv1_ref, dinv2_ref):
    x = x_ref[...]
    mean = jnp.mean(x, axis=0, keepdims=True)
    var = jnp.mean((x - mean) * (x - mean), axis=0, keepdims=True)
    h = (x - mean) * lax.rsqrt(var + EPS)
    m1 = jnp.dot(h, w1_ref[...], preferred_element_type=jnp.float32)
    degp = degp_ref[...]
    deg = degp[0] + degp[1] + 1.0
    dinv = lax.rsqrt(deg)
    d1 = dinv[0, :N]
    d2 = dinv[1, :N]
    ms1_ref[...] = m1 * d1[:, None]
    dinv1_ref[...] = d1[:, None]
    dinv2_ref[...] = d2[:, None]


def _tc_front(x, w1, degp):
    return pl.pallas_call(
        _tc_front_body,
        out_shape=[
            jax.ShapeDtypeStruct((N, DF), jnp.float32),
            jax.ShapeDtypeStruct((N, 1), jnp.float32),
            jax.ShapeDtypeStruct((N, 1), jnp.float32),
        ],
    )(x, w1, degp)


def _tc_mid_body(p1_ref, ms1_ref, dinv1_ref, b1_ref, w2_ref, dinv2_ref,
                 ms2_ref):
    p = p1_ref[0, :N, :] + p1_ref[1, :N, :] + ms1_ref[...]
    h1 = jnp.maximum(p * dinv1_ref[...] + b1_ref[...][None, :], 0.0)
    m2 = jnp.dot(h1, w2_ref[...], preferred_element_type=jnp.float32)
    ms2_ref[...] = m2 * dinv2_ref[...]


def _tc_mid(p1, ms1, dinv1, b1, w2, dinv2):
    return pl.pallas_call(
        _tc_mid_body,
        out_shape=jax.ShapeDtypeStruct((N, DC), jnp.float32),
    )(p1, ms1, dinv1, b1, w2, dinv2)


def _tc_final_body(p2_ref, ms2_ref, dinv2_ref, b2_ref, out_ref):
    p = (p2_ref[0, :N, :] + p2_ref[1, :N, :] + ms2_ref[...]) * dinv2_ref[...]
    out_ref[...] = p + b2_ref[...][None, :]


def _tc_final(p2, ms2, dinv2, b2):
    return pl.pallas_call(
        _tc_final_body,
        out_shape=jax.ShapeDtypeStruct((N, DC), jnp.float32),
    )(p2, ms2, dinv2, b2)



@jax.jit
def _run(nodeblocks, x, w1, b1, w2, b2):
    nb6 = nodeblocks.astype(jnp.int32).reshape(2, 2, NW, NB, KB, C)

    zeros_deg = jnp.zeros((1, 1, S), jnp.float32)
    zeros_f = jnp.zeros((NP_, DF), jnp.float32)
    zeros_c = jnp.zeros((NP_, DC), jnp.float32)
    ones_c = jnp.ones((C,), jnp.float32)

    degp = _deg_call(nb6, ones_c, zeros_deg)
    ms1, dinv1, dinv2 = _tc_front(x, w1, degp.reshape(NC, 2, S))
    p1 = _edge_call_1(nb6, ms1, zeros_f)
    ms2 = _tc_mid(p1, ms1, dinv1, b1, w2, dinv2)
    p2 = _edge_call_2(nb6, ms2, zeros_c)
    return _tc_final(p2, ms2, dinv2, b2)


def kernel(nodeblocks, x, W1, b1, W2, b2):
    return _run(nodeblocks, x, W1, b1, W2, b2)

# --- scband reference (transcript-rebuilt; emitter-appended) ---
"""Pipeline reference for scband-gcn-paper-78529182040088 (READ-ONLY COPY).

The authoritative reference and input builder live on the scoring server;
editing this copy changes nothing except your own understanding.
"""

import jax, jax.numpy as jnp
import numpy as np

N_NODES = 10000
N_EDGES = 320000
D_FEAT = 128
D_HID = 128
N_CLASSES = 40
NUM_LAYERS = 2
EPS = 1e-5


def setup_inputs(seed: int = 0) -> dict:
    key = jax.random.key(seed)
    k1, k2, k3, k4, k5 = jax.random.split(key, 5)
    # nodeblocks: one edge_index [2, E] per layer, stacked -> [num_layers, 2, E]
    nodeblocks = jax.random.randint(k1, (NUM_LAYERS, 2, N_EDGES), 0, N_NODES, dtype=jnp.int64)
    x = jax.random.normal(k2, (N_NODES, D_FEAT), dtype=jnp.float32)
    # GCN layer parameters (Kipf init ~ glorot)
    W1 = jax.random.normal(k3, (D_FEAT, D_HID), dtype=jnp.float32) * (1.0 / np.sqrt(D_FEAT))
    b1 = jnp.zeros((D_HID,), dtype=jnp.float32)
    W2 = jax.random.normal(k4, (D_HID, N_CLASSES), dtype=jnp.float32) * (1.0 / np.sqrt(D_HID))
    b2 = jnp.zeros((N_CLASSES,), dtype=jnp.float32)
    return {"nodeblocks": nodeblocks, "x": x, "W1": W1, "b1": b1, "W2": W2, "b2": b2}


def _batch_norm(x):
    # nn.BatchNorm1d(features_dim, affine=False), training-mode batch statistics
    mean = jnp.mean(x, axis=0, keepdims=True)
    var = jnp.var(x, axis=0, keepdims=True)
    return (x - mean) / jnp.sqrt(var + EPS)


def _gcn_layer(edge_index, h, W, b):
    n = h.shape[0]
    src = edge_index[0]
    dst = edge_index[1]
    # add self-loops (Kipf et al. renormalization trick: A_hat = A + I)
    loop = jnp.arange(n, dtype=edge_index.dtype)
    src = jnp.concatenate([src, loop])
    dst = jnp.concatenate([dst, loop])
    ones = jnp.ones(src.shape[0], dtype=h.dtype)
    deg = jnp.zeros((n,), dtype=h.dtype).at[dst].add(ones)
    dinv = 1.0 / jnp.sqrt(jnp.clip(deg, 1.0))
    m = h @ W  # dense transform first (out_dim <= in_dim)
    coef = dinv[src] * dinv[dst]
    msg = m[src] * coef[:, None]  # gather
    out = jnp.zeros((n, W.shape[1]), dtype=h.dtype).at[dst].add(msg)  # scatter-add
    return out + b


def reference(nodeblocks, x, W1, b1, W2, b2):
    h = _batch_norm(x)
    # dropout p=0 -> identity
    h = _gcn_layer(nodeblocks[0], h, W1, b1)
    h = jax.nn.relu(h)  # activation between layers, not after last
    h = _gcn_layer(nodeblocks[1], h, W2, b2)
    return h

if __name__ == "__main__":
    import jax
    _d = setup_inputs()
    print(jax.jit(kernel)(*tuple(_d.values())))

</pallas_src>

<mosaic_0001>
#map = affine_map<(d0, d1) -> (0, 0, 0, 0, 0, 0)>
#map1 = affine_map<(d0, d1) -> (0, 0)>
#map2 = affine_map<(d0, d1) -> (0, 0, 0)>
module attributes {stable_mosaic.version = 14 : i64} {
  func.func @edge_kernel(%arg0: i32, %arg1: i32, %arg2: memref<2x2x32x5x25x80xi32, #tpu.memory_space<hbm>>, %arg3: memref<10000x128xf32, #tpu.memory_space<hbm>>, %arg4: memref<10112x128xf32, #tpu.memory_space<hbm>>, %arg5: memref<2x10112x128xf32, #tpu.memory_space<hbm>>, %arg6: memref<25x80xi32, #tpu.memory_space<vmem>>, %arg7: memref<25x80xi32, #tpu.memory_space<vmem>>, %arg8: memref<80x128xf32, #tpu.memory_space<vmem>>, %arg9: memref<80x128xf32, #tpu.memory_space<vmem>>, %arg10: memref<80x128xf32, #tpu.memory_space<vmem>>, %arg11: memref<10112x128xf32, #tpu.memory_space<vmem_shared>>, %arg12: memref<!tpu.dma_semaphore, #tpu.memory_space<semaphore_mem>>, %arg13: memref<!tpu.dma_semaphore, #tpu.memory_space<semaphore_mem>>) attributes {dimension_semantics = [#tpu.dimension_semantics<core_parallel>, #tpu.dimension_semantics<subcore_parallel>], iteration_bounds = array<i64: 2, 16>, scalar_prefetch = 0 : i64, scratch_operands = 8 : i64, tpu.core_type = #tpu.core_type<sc_vector_subcore>, window_params = [{transform_indices = #map}, {transform_indices = #map1}, {transform_indices = #map1}, {transform_indices = #map2}]} {
    %mul3A = arith.constant 16 : i32
    %mul3A_0 = arith.muli %arg0, %mul3A : i32
    %add3A = arith.addi %mul3A_0, %arg1 : i32
    %mul3A_1 = arith.constant 632 : i32
    %mul3A_2 = arith.muli %arg1, %mul3A_1 : i32
    %mul3A_3 = arith.constant 632 : i32
    %mul3A_4 = arith.muli %arg1, %mul3A_3 : i32
    "tpu.region"() ({
      %run_scoped3A = tpu.sem_alloc : memref<!tpu.dma_semaphore, #tpu.memory_space<semaphore_mem>>
      %dma_start3A = arith.constant 0 : i32
      %dma_start3A_15 = tpu.memref_slice %arg11[%mul3A_4, %dma_start3A] : memref<10112x128xf32, #tpu.memory_space<vmem_shared>> -> memref<632x128xf32, #tpu.memory_space<vmem_shared>>
      %dma_start3A_16 = arith.constant 0 : i32
      %dma_start3A_17 = tpu.memref_slice %arg4[%mul3A_2, %dma_start3A_16] : memref<10112x128xf32, #tpu.memory_space<hbm>> -> memref<632x128xf32, #tpu.memory_space<hbm>>
      tpu.enqueue_dma source(%dma_start3A_17 : memref<632x128xf32, #tpu.memory_space<hbm>>) target(%dma_start3A_15 : memref<632x128xf32, #tpu.memory_space<vmem_shared>>) target_semaphore(%run_scoped3A : memref<!tpu.dma_semaphore, #tpu.memory_space<semaphore_mem>>)
      %dma_wait3A = arith.constant 0 : i32
      %dma_wait3A_18 = tpu.memref_slice %arg11[%mul3A_4, %dma_wait3A] : memref<10112x128xf32, #tpu.memory_space<vmem_shared>> -> memref<632x128xf32, #tpu.memory_space<vmem_shared>>
      %dma_wait3A_19 = arith.constant 0 : i32
      %dma_wait3A_20 = tpu.memref_slice %arg4[%mul3A_2, %dma_wait3A_19] : memref<10112x128xf32, #tpu.memory_space<hbm>> -> memref<632x128xf32, #tpu.memory_space<hbm>>
      tpu.wait_dma2 semaphore(%run_scoped3A : memref<!tpu.dma_semaphore, #tpu.memory_space<semaphore_mem>>) src(%dma_wait3A_20 : memref<632x128xf32, #tpu.memory_space<hbm>>) dst(%dma_wait3A_18 : memref<632x128xf32, #tpu.memory_space<vmem_shared>>)
      tpu.yield
    }) : () -> ()
    %barrier3A = arith.constant 0 : index
    tpu.barrier barrier_id(%barrier3A)
    %scan3A = arith.constant 0 : i32
    %scan3A_5 = arith.constant 0 : i32
    %scan3A_6 = arith.constant 5 : i32
    %scan3A_7 = arith.addi %scan3A_5, %scan3A_6 : i32
    %scan3A_8 = arith.constant 1 : i32
    scf.for %scan3A_15 = %scan3A_5 to %scan3A_7 step %scan3A_8  : i32 {
      %run_scoped3A = arith.constant 0 : i32
      %run_scoped3A_16 = arith.constant 0 : i32
      "tpu.region"() ({
        %run_scoped3A_37 = tpu.sem_alloc : memref<!tpu.dma_semaphore, #tpu.memory_space<semaphore_mem>>
        %dma_start3A_38 = arith.constant 0 : i32
        %dma_start3A_39 = arith.constant 0 : i32
        %dma_start3A_40 = tpu.memref_slice %arg2[%run_scoped3A, %run_scoped3A_16, %add3A, %scan3A_15, %dma_start3A_38, %dma_start3A_39] : memref<2x2x32x5x25x80xi32, #tpu.memory_space<hbm>> -> memref<1x1x1x1x25x80xi32, #tpu.memory_space<hbm>>
        %dma_start3A_41 = tpu.memref_squeeze %dma_start3A_40 : memref<1x1x1x1x25x80xi32, #tpu.memory_space<hbm>> -> memref<25x80xi32, #tpu.memory_space<hbm>>
        %dma_start3A_42 = arith.constant 0 : i32
        %dma_start3A_43 = arith.constant 0 : i32
        %dma_start3A_44 = tpu.memref_slice %arg2[%run_scoped3A, %run_scoped3A_16, %add3A, %scan3A_15, %dma_start3A_42, %dma_start3A_43] : memref<2x2x32x5x25x80xi32, #tpu.memory_space<hbm>> -> memref<1x1x1x1x25x80xi32, #tpu.memory_space<hbm>>
        %dma_start3A_45 = tpu.memref_squeeze %dma_start3A_44 : memref<1x1x1x1x25x80xi32, #tpu.memory_space<hbm>> -> memref<25x80xi32, #tpu.memory_space<hbm>>
        tpu.enqueue_dma source(%dma_start3A_45 : memref<25x80xi32, #tpu.memory_space<hbm>>) target(%arg6 : memref<25x80xi32, #tpu.memory_space<vmem>>) target_semaphore(%run_scoped3A_37 : memref<!tpu.dma_semaphore, #tpu.memory_space<semaphore_mem>>)
        %dma_wait3A = arith.constant 0 : i32
        %dma_wait3A_46 = arith.constant 0 : i32
        %dma_wait3A_47 = tpu.memref_slice %arg2[%run_scoped3A, %run_scoped3A_16, %add3A, %scan3A_15, %dma_wait3A, %dma_wait3A_46] : memref<2x2x32x5x25x80xi32, #tpu.memory_space<hbm>> -> memref<1x1x1x1x25x80xi32, #tpu.memory_space<hbm>>
        %dma_wait3A_48 = tpu.memref_squeeze %dma_wait3A_47 : memref<1x1x1x1x25x80xi32, #tpu.memory_space<hbm>> -> memref<25x80xi32, #tpu.memory_space<hbm>>
        %dma_wait3A_49 = arith.constant 0 : i32
        %dma_wait3A_50 = arith.constant 0 : i32
        %dma_wait3A_51 = tpu.memref_slice %arg2[%run_scoped3A, %run_scoped3A_16, %add3A, %scan3A_15, %dma_wait3A_49, %dma_wait3A_50] : memref<2x2x32x5x25x80xi32, #tpu.memory_space<hbm>> -> memref<1x1x1x1x25x80xi32, #tpu.memory_space<hbm>>
        %dma_wait3A_52 = tpu.memref_squeeze %dma_wait3A_51 : memref<1x1x1x1x25x80xi32, #tpu.memory_space<hbm>> -> memref<25x80xi32, #tpu.memory_space<hbm>>
        tpu.wait_dma2 semaphore(%run_scoped3A_37 : memref<!tpu.dma_semaphore, #tpu.memory_space<semaphore_mem>>) src(%dma_wait3A_52 : memref<25x80xi32, #tpu.memory_space<hbm>>) dst(%arg6 : memref<25x80xi32, #tpu.memory_space<vmem>>)
        tpu.yield
      }) : () -> ()
      %run_scoped3A_17 = arith.constant 0 : i32
      %run_scoped3A_18 = arith.constant 1 : i32
      "tpu.region"() ({
        %run_scoped3A_37 = tpu.sem_alloc : memref<!tpu.dma_semaphore, #tpu.memory_space<semaphore_mem>>
        %dma_start3A_38 = arith.constant 0 : i32
        %dma_start3A_39 = arith.constant 0 : i32
        %dma_start3A_40 = tpu.memref_slice %arg2[%run_scoped3A_17, %run_scoped3A_18, %add3A, %scan3A_15, %dma_start3A_38, %dma_start3A_39] : memref<2x2x32x5x25x80xi32, #tpu.memory_space<hbm>> -> memref<1x1x1x1x25x80xi32, #tpu.memory_space<hbm>>
        %dma_start3A_41 = tpu.memref_squeeze %dma_start3A_40 : memref<1x1x1x1x25x80xi32, #tpu.memory_space<hbm>> -> memref<25x80xi32, #tpu.memory_space<hbm>>
        %dma_start3A_42 = arith.constant 0 : i32
        %dma_start3A_43 = arith.constant 0 : i32
        %dma_start3A_44 = tpu.memref_slice %arg2[%run_scoped3A_17, %run_scoped3A_18, %add3A, %scan3A_15, %dma_start3A_42, %dma_start3A_43] : memref<2x2x32x5x25x80xi32, #tpu.memory_space<hbm>> -> memref<1x1x1x1x25x80xi32, #tpu.memory_space<hbm>>
        %dma_start3A_45 = tpu.memref_squeeze %dma_start3A_44 : memref<1x1x1x1x25x80xi32, #tpu.memory_space<hbm>> -> memref<25x80xi32, #tpu.memory_space<hbm>>
        tpu.enqueue_dma source(%dma_start3A_45 : memref<25x80xi32, #tpu.memory_space<hbm>>) target(%arg7 : memref<25x80xi32, #tpu.memory_space<vmem>>) target_semaphore(%run_scoped3A_37 : memref<!tpu.dma_semaphore, #tpu.memory_space<semaphore_mem>>)
        %dma_wait3A = arith.constant 0 : i32
        %dma_wait3A_46 = arith.constant 0 : i32
        %dma_wait3A_47 = tpu.memref_slice %arg2[%run_scoped3A_17, %run_scoped3A_18, %add3A, %scan3A_15, %dma_wait3A, %dma_wait3A_46] : memref<2x2x32x5x25x80xi32, #tpu.memory_space<hbm>> -> memref<1x1x1x1x25x80xi32, #tpu.memory_space<hbm>>
        %dma_wait3A_48 = tpu.memref_squeeze %dma_wait3A_47 : memref<1x1x1x1x25x80xi32, #tpu.memory_space<hbm>> -> memref<25x80xi32, #tpu.memory_space<hbm>>
        %dma_wait3A_49 = arith.constant 0 : i32
        %dma_wait3A_50 = arith.constant 0 : i32
        %dma_wait3A_51 = tpu.memref_slice %arg2[%run_scoped3A_17, %run_scoped3A_18, %add3A, %scan3A_15, %dma_wait3A_49, %dma_wait3A_50] : memref<2x2x32x5x25x80xi32, #tpu.memory_space<hbm>> -> memref<1x1x1x1x25x80xi32, #tpu.memory_space<hbm>>
        %dma_wait3A_52 = tpu.memref_squeeze %dma_wait3A_51 : memref<1x1x1x1x25x80xi32, #tpu.memory_space<hbm>> -> memref<25x80xi32, #tpu.memory_space<hbm>>
        tpu.wait_dma2 semaphore(%run_scoped3A_37 : memref<!tpu.dma_semaphore, #tpu.memory_space<semaphore_mem>>) src(%dma_wait3A_52 : memref<25x80xi32, #tpu.memory_space<hbm>>) dst(%arg7 : memref<25x80xi32, #tpu.memory_space<vmem>>)
        tpu.yield
      }) : () -> ()
      %dma_start3A = arith.constant 0 : i32
      %dma_start3A_19 = arith.constant 0 : i32
      %dma_start3A_20 = tpu.memref_slice %arg6[%dma_start3A, %dma_start3A_19] : memref<25x80xi32, #tpu.memory_space<vmem>> -> memref<1x80xi32, #tpu.memory_space<vmem>>
      %dma_start3A_21 = tpu.memref_squeeze %dma_start3A_20 : memref<1x80xi32, #tpu.memory_space<vmem>> -> memref<80xi32, #tpu.memory_space<vmem>>
      %dma_start3A_22 = arith.constant 0 : i32
      %dma_start3A_23 = arith.constant 0 : i32
      %dma_start3A_24 = tpu.memref_slice %arg3[%dma_start3A_22, %dma_start3A_23] : memref<10000x128xf32, #tpu.memory_space<hbm>> -> memref<10000x128xf32, #tpu.memory_space<hbm>>
      tpu.enqueue_indirect_dma source(%dma_start3A_24 : memref<10000x128xf32, #tpu.memory_space<hbm>>) target(%arg8 : memref<80x128xf32, #tpu.memory_space<vmem>>) offsets(%dma_start3A_21 : memref<80xi32, #tpu.memory_space<vmem>>) semaphore(%arg12 : memref<!tpu.dma_semaphore, #tpu.memory_space<semaphore_mem>>)
      %scan3A_25 = arith.constant 0 : i32
      %scan3A_26 = arith.constant 0 : i32
      %scan3A_27 = arith.constant 25 : i32
      %scan3A_28 = arith.addi %scan3A_26, %scan3A_27 : i32
      %scan3A_29 = arith.constant 1 : i32
      scf.for %scan3A_37 = %scan3A_26 to %scan3A_28 step %scan3A_29  : i32 {
        %jit3A = arith.constant 3 : i32
        %eq3A = arith.constant 0 : i32
        %eq3A_38 = arith.cmpi eq, %jit3A, %eq3A : i32
        %jit3A_39 = arith.constant 1 : i32
        %select_n3A = arith.select %eq3A_38, %jit3A_39, %jit3A : i32
        %rem3A = arith.remsi %scan3A_37, %select_n3A : i32
        %ne3A = arith.constant 0 : i32
        %ne3A_40 = arith.cmpi ne, %rem3A, %ne3A : i32
        %lt3A = arith.constant 0 : i32
        %lt3A_41 = arith.cmpi slt, %rem3A, %lt3A : i32
        %lt3A_42 = arith.constant 0 : i32
        %lt3A_43 = arith.cmpi slt, %select_n3A, %lt3A_42 : i32
        %ne3A_44 = arith.xori %lt3A_41, %lt3A_43 : i1
        %and3A = arith.andi %ne3A_44, %ne3A_40 : i1
        %add3A_45 = arith.addi %rem3A, %select_n3A : i32
        %select_n3A_46 = arith.select %and3A, %add3A_45, %rem3A : i32
        %eq3A_47 = arith.constant 0 : i32
        %eq3A_48 = arith.cmpi eq, %select_n3A_46, %eq3A_47 : i32
        %convert_element_type3A = arith.extui %eq3A_48 : i1 to i32
        %cond3A = arith.constant 0 : i32
        %cond3A_49 = arith.cmpi ne, %convert_element_type3A, %cond3A : i32
        scf.if %cond3A_49 {
          %dma_wait3A = arith.constant 0 : i32
          %dma_wait3A_92 = tpu.memref_slice %arg6[%scan3A_37, %dma_wait3A] : memref<25x80xi32, #tpu.memory_space<vmem>> -> memref<1x80xi32, #tpu.memory_space<vmem>>
          %dma_wait3A_93 = tpu.memref_squeeze %dma_wait3A_92 : memref<1x80xi32, #tpu.memory_space<vmem>> -> memref<80xi32, #tpu.memory_space<vmem>>
          %dma_wait3A_94 = arith.constant 0 : i32
          %dma_wait3A_95 = arith.constant 0 : i32
          %dma_wait3A_96 = tpu.memref_slice %arg3[%dma_wait3A_94, %dma_wait3A_95] : memref<10000x128xf32, #tpu.memory_space<hbm>> -> memref<10000x128xf32, #tpu.memory_space<hbm>>
          tpu.wait_indirect_dma semaphore(%arg12 : memref<!tpu.dma_semaphore, #tpu.memory_space<semaphore_mem>>) src(%dma_wait3A_96 : memref<10000x128xf32, #tpu.memory_space<hbm>>) dst(%arg8 : memref<80x128xf32, #tpu.memory_space<vmem>>)
          %ge3A = arith.constant 2 : i32
          %ge3A_97 = arith.cmpi sge, %scan3A_37, %ge3A : i32
          %convert_element_type3A_98 = arith.extui %ge3A_97 : i1 to i32
          %cond3A_99 = arith.constant 0 : i32
          %cond3A_100 = arith.cmpi ne, %convert_element_type3A_98, %cond3A_99 : i32
          scf.if %cond3A_100 {
            %dma_wait3A_114 = arith.constant 0 : i32
            %dma_wait3A_115 = arith.constant 0 : i32
            %dma_wait3A_116 = tpu.memref_slice %arg7[%dma_wait3A_114, %dma_wait3A_115] : memref<25x80xi32, #tpu.memory_space<vmem>> -> memref<1x80xi32, #tpu.memory_space<vmem>>
            %dma_wait3A_117 = tpu.memref_squeeze %dma_wait3A_116 : memref<1x80xi32, #tpu.memory_space<vmem>> -> memref<80xi32, #tpu.memory_space<vmem>>
            %dma_wait3A_118 = arith.constant 0 : i32
            %dma_wait3A_119 = arith.constant 0 : i32
            %dma_wait3A_120 = tpu.memref_slice %arg11[%dma_wait3A_118, %dma_wait3A_119] : memref<10112x128xf32, #tpu.memory_space<vmem_shared>> -> memref<10112x128xf32, #tpu.memory_space<vmem_shared>>
            tpu.wait_indirect_dma semaphore(%arg13 : memref<!tpu.dma_semaphore, #tpu.memory_space<semaphore_mem>>) src(%arg9 : memref<80x128xf32, #tpu.memory_space<vmem>>) dst(%dma_wait3A_120 : memref<10112x128xf32, #tpu.memory_space<vmem_shared>>)
          } else {
          }
          %add3A_101 = arith.constant 1 : i32
          %add3A_102 = arith.addi %scan3A_37, %add3A_101 : i32
          %lt3A_103 = arith.constant 25 : i32
          %lt3A_104 = arith.cmpi slt, %add3A_102, %lt3A_103 : i32
          %convert_element_type3A_105 = arith.extui %lt3A_104 : i1 to i32
          %cond3A_106 = arith.constant 0 : i32
          %cond3A_107 = arith.cmpi ne, %convert_element_type3A_105, %cond3A_106 : i32
          scf.if %cond3A_107 {
            %add3A_114 = arith.constant 1 : i32
            %add3A_115 = arith.addi %scan3A_37, %add3A_114 : i32
            %dma_start3A_116 = arith.constant 0 : i32
            %dma_start3A_117 = tpu.memref_slice %arg6[%add3A_115, %dma_start3A_116] : memref<25x80xi32, #tpu.memory_space<vmem>> -> memref<1x80xi32, #tpu.memory_space<vmem>>
            %dma_start3A_118 = tpu.memref_squeeze %dma_start3A_117 : memref<1x80xi32, #tpu.memory_space<vmem>> -> memref<80xi32, #tpu.memory_space<vmem>>
            %dma_start3A_119 = arith.constant 0 : i32
            %dma_start3A_120 = arith.constant 0 : i32
            %dma_start3A_121 = tpu.memref_slice %arg3[%dma_start3A_119, %dma_start3A_120] : memref<10000x128xf32, #tpu.memory_space<hbm>> -> memref<10000x128xf32, #tpu.memory_space<hbm>>
            tpu.enqueue_indirect_dma source(%dma_start3A_121 : memref<10000x128xf32, #tpu.memory_space<hbm>>) target(%arg9 : memref<80x128xf32, #tpu.memory_space<vmem>>) offsets(%dma_start3A_118 : memref<80xi32, #tpu.memory_space<vmem>>) semaphore(%arg12 : memref<!tpu.dma_semaphore, #tpu.memory_space<semaphore_mem>>)
          } else {
          }
          %dma_start3A_108 = arith.constant 0 : i32
          %dma_start3A_109 = tpu.memref_slice %arg7[%scan3A_37, %dma_start3A_108] : memref<25x80xi32, #tpu.memory_space<vmem>> -> memref<1x80xi32, #tpu.memory_space<vmem>>
          %dma_start3A_110 = tpu.memref_squeeze %dma_start3A_109 : memref<1x80xi32, #tpu.memory_space<vmem>> -> memref<80xi32, #tpu.memory_space<vmem>>
          %dma_start3A_111 = arith.constant 0 : i32
          %dma_start3A_112 = arith.constant 0 : i32
          %dma_start3A_113 = tpu.memref_slice %arg11[%dma_start3A_111, %dma_start3A_112] : memref<10112x128xf32, #tpu.memory_space<vmem_shared>> -> memref<10112x128xf32, #tpu.memory_space<vmem_shared>>
          tpu.enqueue_indirect_dma source(%arg8 : memref<80x128xf32, #tpu.memory_space<vmem>>) target(%dma_start3A_113 : memref<10112x128xf32, #tpu.memory_space<vmem_shared>>) offsets(%dma_start3A_110 : memref<80xi32, #tpu.memory_space<vmem>>) semaphore(%arg13 : memref<!tpu.dma_semaphore, #tpu.memory_space<semaphore_mem>>) {add = true}
        } else {
        }
        %jit3A_50 = arith.constant 3 : i32
        %eq3A_51 = arith.constant 0 : i32
        %eq3A_52 = arith.cmpi eq, %jit3A_50, %eq3A_51 : i32
        %jit3A_53 = arith.constant 1 : i32
        %select_n3A_54 = arith.select %eq3A_52, %jit3A_53, %jit3A_50 : i32
        %rem3A_55 = arith.remsi %scan3A_37, %select_n3A_54 : i32
        %ne3A_56 = arith.constant 0 : i32
        %ne3A_57 = arith.cmpi ne, %rem3A_55, %ne3A_56 : i32
        %lt3A_58 = arith.constant 0 : i32
        %lt3A_59 = arith.cmpi slt, %rem3A_55, %lt3A_58 : i32
        %lt3A_60 = arith.constant 0 : i32
        %lt3A_61 = arith.cmpi slt, %select_n3A_54, %lt3A_60 : i32
        %ne3A_62 = arith.xori %lt3A_59, %lt3A_61 : i1
        %and3A_63 = arith.andi %ne3A_62, %ne3A_57 : i1
        %add3A_64 = arith.addi %rem3A_55, %select_n3A_54 : i32
        %select_n3A_65 = arith.select %and3A_63, %add3A_64, %rem3A_55 : i32
        %eq3A_66 = arith.constant 1 : i32
        %eq3A_67 = arith.cmpi eq, %select_n3A_65, %eq3A_66 : i32
        %convert_element_type3A_68 = arith.extui %eq3A_67 : i1 to i32
        %cond3A_69 = arith.constant 0 : i32
        %cond3A_70 = arith.cmpi ne, %convert_element_type3A_68, %cond3A_69 : i32
        scf.if %cond3A_70 {
          %dma_wait3A = arith.constant 0 : i32
          %dma_wait3A_92 = tpu.memref_slice %arg6[%scan3A_37, %dma_wait3A] : memref<25x80xi32, #tpu.memory_space<vmem>> -> memref<1x80xi32, #tpu.memory_space<vmem>>
          %dma_wait3A_93 = tpu.memref_squeeze %dma_wait3A_92 : memref<1x80xi32, #tpu.memory_space<vmem>> -> memref<80xi32, #tpu.memory_space<vmem>>
          %dma_wait3A_94 = arith.constant 0 : i32
          %dma_wait3A_95 = arith.constant 0 : i32
          %dma_wait3A_96 = tpu.memref_slice %arg3[%dma_wait3A_94, %dma_wait3A_95] : memref<10000x128xf32, #tpu.memory_space<hbm>> -> memref<10000x128xf32, #tpu.memory_space<hbm>>
          tpu.wait_indirect_dma semaphore(%arg12 : memref<!tpu.dma_semaphore, #tpu.memory_space<semaphore_mem>>) src(%dma_wait3A_96 : memref<10000x128xf32, #tpu.memory_space<hbm>>) dst(%arg9 : memref<80x128xf32, #tpu.memory_space<vmem>>)
          %ge3A = arith.constant 2 : i32
          %ge3A_97 = arith.cmpi sge, %scan3A_37, %ge3A : i32
          %convert_element_type3A_98 = arith.extui %ge3A_97 : i1 to i32
          %cond3A_99 = arith.constant 0 : i32
          %cond3A_100 = arith.cmpi ne, %convert_element_type3A_98, %cond3A_99 : i32
          scf.if %cond3A_100 {
            %dma_wait3A_114 = arith.constant 0 : i32
            %dma_wait3A_115 = arith.constant 0 : i32
            %dma_wait3A_116 = tpu.memref_slice %arg7[%dma_wait3A_114, %dma_wait3A_115] : memref<25x80xi32, #tpu.memory_space<vmem>> -> memref<1x80xi32, #tpu.memory_space<vmem>>
            %dma_wait3A_117 = tpu.memref_squeeze %dma_wait3A_116 : memref<1x80xi32, #tpu.memory_space<vmem>> -> memref<80xi32, #tpu.memory_space<vmem>>
            %dma_wait3A_118 = arith.constant 0 : i32
            %dma_wait3A_119 = arith.constant 0 : i32
            %dma_wait3A_120 = tpu.memref_slice %arg11[%dma_wait3A_118, %dma_wait3A_119] : memref<10112x128xf32, #tpu.memory_space<vmem_shared>> -> memref<10112x128xf32, #tpu.memory_space<vmem_shared>>
            tpu.wait_indirect_dma semaphore(%arg13 : memref<!tpu.dma_semaphore, #tpu.memory_space<semaphore_mem>>) src(%arg10 : memref<80x128xf32, #tpu.memory_space<vmem>>) dst(%dma_wait3A_120 : memref<10112x128xf32, #tpu.memory_space<vmem_shared>>)
          } else {
          }
          %add3A_101 = arith.constant 1 : i32
          %add3A_102 = arith.addi %scan3A_37, %add3A_101 : i32
          %lt3A_103 = arith.constant 25 : i32
          %lt3A_104 = arith.cmpi slt, %add3A_102, %lt3A_103 : i32
          %convert_element_type3A_105 = arith.extui %lt3A_104 : i1 to i32
          %cond3A_106 = arith.constant 0 : i32
          %cond3A_107 = arith.cmpi ne, %convert_element_type3A_105, %cond3A_106 : i32
          scf.if %cond3A_107 {
            %add3A_114 = arith.constant 1 : i32
            %add3A_115 = arith.addi %scan3A_37, %add3A_114 : i32
            %dma_start3A_116 = arith.constant 0 : i32
            %dma_start3A_117 = tpu.memref_slice %arg6[%add3A_115, %dma_start3A_116] : memref<25x80xi32, #tpu.memory_space<vmem>> -> memref<1x80xi32, #tpu.memory_space<vmem>>
            %dma_start3A_118 = tpu.memref_squeeze %dma_start3A_117 : memref<1x80xi32, #tpu.memory_space<vmem>> -> memref<80xi32, #tpu.memory_space<vmem>>
            %dma_start3A_119 = arith.constant 0 : i32
            %dma_start3A_120 = arith.constant 0 : i32
            %dma_start3A_121 = tpu.memref_slice %arg3[%dma_start3A_119, %dma_start3A_120] : memref<10000x128xf32, #tpu.memory_space<hbm>> -> memref<10000x128xf32, #tpu.memory_space<hbm>>
            tpu.enqueue_indirect_dma source(%dma_start3A_121 : memref<10000x128xf32, #tpu.memory_space<hbm>>) target(%arg10 : memref<80x128xf32, #tpu.memory_space<vmem>>) offsets(%dma_start3A_118 : memref<80xi32, #tpu.memory_space<vmem>>) semaphore(%arg12 : memref<!tpu.dma_semaphore, #tpu.memory_space<semaphore_mem>>)
          } else {
          }
          %dma_start3A_108 = arith.constant 0 : i32
          %dma_start3A_109 = tpu.memref_slice %arg7[%scan3A_37, %dma_start3A_108] : memref<25x80xi32, #tpu.memory_space<vmem>> -> memref<1x80xi32, #tpu.memory_space<vmem>>
          %dma_start3A_110 = tpu.memref_squeeze %dma_start3A_109 : memref<1x80xi32, #tpu.memory_space<vmem>> -> memref<80xi32, #tpu.memory_space<vmem>>
          %dma_start3A_111 = arith.constant 0 : i32
          %dma_start3A_112 = arith.constant 0 : i32
          %dma_start3A_113 = tpu.memref_slice %arg11[%dma_start3A_111, %dma_start3A_112] : memref<10112x128xf32, #tpu.memory_space<vmem_shared>> -> memref<10112x128xf32, #tpu.memory_space<vmem_shared>>
          tpu.enqueue_indirect_dma source(%arg9 : memref<80x128xf32, #tpu.memory_space<vmem>>) target(%dma_start3A_113 : memref<10112x128xf32, #tpu.memory_space<vmem_shared>>) offsets(%dma_start3A_110 : memref<80xi32, #tpu.memory_space<vmem>>) semaphore(%arg13 : memref<!tpu.dma_semaphore, #tpu.memory_space<semaphore_mem>>) {add = true}
        } else {
        }
        %jit3A_71 = arith.constant 3 : i32
        %eq3A_72 = arith.constant 0 : i32
        %eq3A_73 = arith.cmpi eq, %jit3A_71, %eq3A_72 : i32
        %jit3A_74 = arith.constant 1 : i32
        %select_n3A_75 = arith.select %eq3A_73, %jit3A_74, %jit3A_71 : i32
        %rem3A_76 = arith.remsi %scan3A_37, %select_n3A_75 : i32
        %ne3A_77 = arith.constant 0 : i32
        %ne3A_78 = arith.cmpi ne, %rem3A_76, %ne3A_77 : i32
        %lt3A_79 = arith.constant 0 : i32
        %lt3A_80 = arith.cmpi slt, %rem3A_76, %lt3A_79 : i32
        %lt3A_81 = arith.constant 0 : i32
        %lt3A_82 = arith.cmpi slt, %select_n3A_75, %lt3A_81 : i32
        %ne3A_83 = arith.xori %lt3A_80, %lt3A_82 : i1
        %and3A_84 = arith.andi %ne3A_83, %ne3A_78 : i1
        %add3A_85 = arith.addi %rem3A_76, %select_n3A_75 : i32
        %select_n3A_86 = arith.select %and3A_84, %add3A_85, %rem3A_76 : i32
        %eq3A_87 = arith.constant 2 : i32
        %eq3A_88 = arith.cmpi eq, %select_n3A_86, %eq3A_87 : i32
        %convert_element_type3A_89 = arith.extui %eq3A_88 : i1 to i32
        %cond3A_90 = arith.constant 0 : i32
        %cond3A_91 = arith.cmpi ne, %convert_element_type3A_89, %cond3A_90 : i32
        scf.if %cond3A_91 {
          %dma_wait3A = arith.constant 0 : i32
          %dma_wait3A_92 = tpu.memref_slice %arg6[%scan3A_37, %dma_wait3A] : memref<25x80xi32, #tpu.memory_space<vmem>> -> memref<1x80xi32, #tpu.memory_space<vmem>>
          %dma_wait3A_93 = tpu.memref_squeeze %dma_wait3A_92 : memref<1x80xi32, #tpu.memory_space<vmem>> -> memref<80xi32, #tpu.memory_space<vmem>>
          %dma_wait3A_94 = arith.constant 0 : i32
          %dma_wait3A_95 = arith.constant 0 : i32
          %dma_wait3A_96 = tpu.memref_slice %arg3[%dma_wait3A_94, %dma_wait3A_95] : memref<10000x128xf32, #tpu.memory_space<hbm>> -> memref<10000x128xf32, #tpu.memory_space<hbm>>
          tpu.wait_indirect_dma semaphore(%arg12 : memref<!tpu.dma_semaphore, #tpu.memory_space<semaphore_mem>>) src(%dma_wait3A_96 : memref<10000x128xf32, #tpu.memory_space<hbm>>) dst(%arg10 : memref<80x128xf32, #tpu.memory_space<vmem>>)
          %ge3A = arith.constant 2 : i32
          %ge3A_97 = arith.cmpi sge, %scan3A_37, %ge3A : i32
          %convert_element_type3A_98 = arith.extui %ge3A_97 : i1 to i32
          %cond3A_99 = arith.constant 0 : i32
          %cond3A_100 = arith.cmpi ne, %convert_element_type3A_98, %cond3A_99 : i32
          scf.if %cond3A_100 {
            %dma_wait3A_114 = arith.constant 0 : i32
            %dma_wait3A_115 = arith.constant 0 : i32
            %dma_wait3A_116 = tpu.memref_slice %arg7[%dma_wait3A_114, %dma_wait3A_115] : memref<25x80xi32, #tpu.memory_space<vmem>> -> memref<1x80xi32, #tpu.memory_space<vmem>>
            %dma_wait3A_117 = tpu.memref_squeeze %dma_wait3A_116 : memref<1x80xi32, #tpu.memory_space<vmem>> -> memref<80xi32, #tpu.memory_space<vmem>>
            %dma_wait3A_118 = arith.constant 0 : i32
            %dma_wait3A_119 = arith.constant 0 : i32
            %dma_wait3A_120 = tpu.memref_slice %arg11[%dma_wait3A_118, %dma_wait3A_119] : memref<10112x128xf32, #tpu.memory_space<vmem_shared>> -> memref<10112x128xf32, #tpu.memory_space<vmem_shared>>
            tpu.wait_indirect_dma semaphore(%arg13 : memref<!tpu.dma_semaphore, #tpu.memory_space<semaphore_mem>>) src(%arg8 : memref<80x128xf32, #tpu.memory_space<vmem>>) dst(%dma_wait3A_120 : memref<10112x128xf32, #tpu.memory_space<vmem_shared>>)
          } else {
          }
          %add3A_101 = arith.constant 1 : i32
          %add3A_102 = arith.addi %scan3A_37, %add3A_101 : i32
          %lt3A_103 = arith.constant 25 : i32
          %lt3A_104 = arith.cmpi slt, %add3A_102, %lt3A_103 : i32
          %convert_element_type3A_105 = arith.extui %lt3A_104 : i1 to i32
          %cond3A_106 = arith.constant 0 : i32
          %cond3A_107 = arith.cmpi ne, %convert_element_type3A_105, %cond3A_106 : i32
          scf.if %cond3A_107 {
            %add3A_114 = arith.constant 1 : i32
            %add3A_115 = arith.addi %scan3A_37, %add3A_114 : i32
            %dma_start3A_116 = arith.constant 0 : i32
            %dma_start3A_117 = tpu.memref_slice %arg6[%add3A_115, %dma_start3A_116] : memref<25x80xi32, #tpu.memory_space<vmem>> -> memref<1x80xi32, #tpu.memory_space<vmem>>
            %dma_start3A_118 = tpu.memref_squeeze %dma_start3A_117 : memref<1x80xi32, #tpu.memory_space<vmem>> -> memref<80xi32, #tpu.memory_space<vmem>>
            %dma_start3A_119 = arith.constant 0 : i32
            %dma_start3A_120 = arith.constant 0 : i32
            %dma_start3A_121 = tpu.memref_slice %arg3[%dma_start3A_119, %dma_start3A_120] : memref<10000x128xf32, #tpu.memory_space<hbm>> -> memref<10000x128xf32, #tpu.memory_space<hbm>>
            tpu.enqueue_indirect_dma source(%dma_start3A_121 : memref<10000x128xf32, #tpu.memory_space<hbm>>) target(%arg8 : memref<80x128xf32, #tpu.memory_space<vmem>>) offsets(%dma_start3A_118 : memref<80xi32, #tpu.memory_space<vmem>>) semaphore(%arg12 : memref<!tpu.dma_semaphore, #tpu.memory_space<semaphore_mem>>)
          } else {
          }
          %dma_start3A_108 = arith.constant 0 : i32
          %dma_start3A_109 = tpu.memref_slice %arg7[%scan3A_37, %dma_start3A_108] : memref<25x80xi32, #tpu.memory_space<vmem>> -> memref<1x80xi32, #tpu.memory_space<vmem>>
          %dma_start3A_110 = tpu.memref_squeeze %dma_start3A_109 : memref<1x80xi32, #tpu.memory_space<vmem>> -> memref<80xi32, #tpu.memory_space<vmem>>
          %dma_start3A_111 = arith.constant 0 : i32
          %dma_start3A_112 = arith.constant 0 : i32
          %dma_start3A_113 = tpu.memref_slice %arg11[%dma_start3A_111, %dma_start3A_112] : memref<10112x128xf32, #tpu.memory_space<vmem_shared>> -> memref<10112x128xf32, #tpu.memory_space<vmem_shared>>
          tpu.enqueue_indirect_dma source(%arg10 : memref<80x128xf32, #tpu.memory_space<vmem>>) target(%dma_start3A_113 : memref<10112x128xf32, #tpu.memory_space<vmem_shared>>) offsets(%dma_start3A_110 : memref<80xi32, #tpu.memory_space<vmem>>) semaphore(%arg13 : memref<!tpu.dma_semaphore, #tpu.memory_space<semaphore_mem>>) {add = true}
        } else {
        }
      }
      %scan3A_30 = arith.constant 25 : i32
      %scan3A_31 = arith.constant 0 : i32
      %scan3A_32 = arith.constant 0 : i32
      %scan3A_33 = arith.constant 2 : i32
      %scan3A_34 = arith.addi %scan3A_32, %scan3A_33 : i32
      %scan3A_35 = arith.constant 1 : i32
      scf.for %scan3A_37 = %scan3A_32 to %scan3A_34 step %scan3A_35  : i32 {
        %dma_wait3A = arith.constant 0 : i32
        %dma_wait3A_38 = arith.constant 0 : i32
        %dma_wait3A_39 = tpu.memref_slice %arg7[%dma_wait3A, %dma_wait3A_38] : memref<25x80xi32, #tpu.memory_space<vmem>> -> memref<1x80xi32, #tpu.memory_space<vmem>>
        %dma_wait3A_40 = tpu.memref_squeeze %dma_wait3A_39 : memref<1x80xi32, #tpu.memory_space<vmem>> -> memref<80xi32, #tpu.memory_space<vmem>>
        %dma_wait3A_41 = arith.constant 0 : i32
        %dma_wait3A_42 = arith.constant 0 : i32
        %dma_wait3A_43 = tpu.memref_slice %arg11[%dma_wait3A_41, %dma_wait3A_42] : memref<10112x128xf32, #tpu.memory_space<vmem_shared>> -> memref<10112x128xf32, #tpu.memory_space<vmem_shared>>
        tpu.wait_indirect_dma semaphore(%arg13 : memref<!tpu.dma_semaphore, #tpu.memory_space<semaphore_mem>>) src(%arg8 : memref<80x128xf32, #tpu.memory_space<vmem>>) dst(%dma_wait3A_43 : memref<10112x128xf32, #tpu.memory_space<vmem_shared>>)
      }
      %scan3A_36 = arith.constant 2 : i32
    }
    %scan3A_9 = arith.constant 5 : i32
    %barrier3A_10 = arith.constant 0 : index
    tpu.barrier barrier_id(%barrier3A_10)
    %mul3A_11 = arith.constant 632 : i32
    %mul3A_12 = arith.muli %arg1, %mul3A_11 : i32
    %mul3A_13 = arith.constant 632 : i32
    %mul3A_14 = arith.muli %arg1, %mul3A_13 : i32
    "tpu.region"() ({
      %run_scoped3A = tpu.sem_alloc : memref<!tpu.dma_semaphore, #tpu.memory_space<semaphore_mem>>
      %dma_start3A = arith.constant 0 : i32
      %dma_start3A_15 = tpu.memref_slice %arg5[%arg0, %mul3A_14, %dma_start3A] : memref<2x10112x128xf32, #tpu.memory_space<hbm>> -> memref<1x632x128xf32, #tpu.memory_space<hbm>>
      %dma_start3A_16 = tpu.memref_squeeze %dma_start3A_15 : memref<1x632x128xf32, #tpu.memory_space<hbm>> -> memref<632x128xf32, #tpu.memory_space<hbm>>
      %dma_start3A_17 = arith.constant 0 : i32
      %dma_start3A_18 = tpu.memref_slice %arg11[%mul3A_12, %dma_start3A_17] : memref<10112x128xf32, #tpu.memory_space<vmem_shared>> -> memref<632x128xf32, #tpu.memory_space<vmem_shared>>
      tpu.enqueue_dma source(%dma_start3A_18 : memref<632x128xf32, #tpu.memory_space<vmem_shared>>) target(%dma_start3A_16 : memref<632x128xf32, #tpu.memory_space<hbm>>) target_semaphore(%run_scoped3A : memref<!tpu.dma_semaphore, #tpu.memory_space<semaphore_mem>>)
      %dma_wait3A = arith.constant 0 : i32
      %dma_wait3A_19 = tpu.memref_slice %arg5[%arg0, %mul3A_14, %dma_wait3A] : memref<2x10112x128xf32, #tpu.memory_space<hbm>> -> memref<1x632x128xf32, #tpu.memory_space<hbm>>
      %dma_wait3A_20 = tpu.memref_squeeze %dma_wait3A_19 : memref<1x632x128xf32, #tpu.memory_space<hbm>> -> memref<632x128xf32, #tpu.memory_space<hbm>>
      %dma_wait3A_21 = arith.constant 0 : i32
      %dma_wait3A_22 = tpu.memref_slice %arg11[%mul3A_12, %dma_wait3A_21] : memref<10112x128xf32, #tpu.memory_space<vmem_shared>> -> memref<632x128xf32, #tpu.memory_space<vmem_shared>>
      tpu.wait_dma2 semaphore(%run_scoped3A : memref<!tpu.dma_semaphore, #tpu.memory_space<semaphore_mem>>) src(%dma_wait3A_22 : memref<632x128xf32, #tpu.memory_space<vmem_shared>>) dst(%dma_wait3A_20 : memref<632x128xf32, #tpu.memory_space<hbm>>)
      tpu.yield
    }) : () -> ()
    return
  }
}

#map = affine_map<(d0, d1) -> (0, 0, 0, 0, 0, 0)>
#map1 = affine_map<(d0, d1) -> (0, 0)>
#map2 = affine_map<(d0, d1) -> (0, 0, 0)>
module attributes {stable_mosaic.version = 14 : i64} {
  func.func @edge_kernel(%arg0: i32, %arg1: i32, %arg2: memref<2x2x32x5x25x80xi32, #tpu.memory_space<hbm>>, %arg3: memref<10000x40xf32, #tpu.memory_space<hbm>>, %arg4: memref<10112x40xf32, #tpu.memory_space<hbm>>, %arg5: memref<2x10112x40xf32, #tpu.memory_space<hbm>>, %arg6: memref<25x80xi32, #tpu.memory_space<vmem>>, %arg7: memref<25x80xi32, #tpu.memory_space<vmem>>, %arg8: memref<80x40xf32, #tpu.memory_space<vmem>>, %arg9: memref<80x40xf32, #tpu.memory_space<vmem>>, %arg10: memref<80x40xf32, #tpu.memory_space<vmem>>, %arg11: memref<10000x40xf32, #tpu.memory_space<vmem_shared>>, %arg12: memref<10112x40xf32, #tpu.memory_space<vmem_shared>>, %arg13: memref<!tpu.dma_semaphore, #tpu.memory_space<semaphore_mem>>, %arg14: memref<!tpu.dma_semaphore, #tpu.memory_space<semaphore_mem>>) attributes {dimension_semantics = [#tpu.dimension_semantics<core_parallel>, #tpu.dimension_semantics<subcore_parallel>], iteration_bounds = array<i64: 2, 16>, scalar_prefetch = 0 : i64, scratch_operands = 9 : i64, tpu.core_type = #tpu.core_type<sc_vector_subcore>, window_params = [{transform_indices = #map}, {transform_indices = #map1}, {transform_indices = #map1}, {transform_indices = #map2}]} {
    %mul3A = arith.constant 16 : i32
    %mul3A_0 = arith.muli %arg0, %mul3A : i32
    %add3A = arith.addi %mul3A_0, %arg1 : i32
    %mul3A_1 = arith.constant 632 : i32
    %mul3A_2 = arith.muli %arg1, %mul3A_1 : i32
    %mul3A_3 = arith.constant 632 : i32
    %mul3A_4 = arith.muli %arg1, %mul3A_3 : i32
    "tpu.region"() ({
      %run_scoped3A = tpu.sem_alloc : memref<!tpu.dma_semaphore, #tpu.memory_space<semaphore_mem>>
      %dma_start3A = arith.constant 0 : i32
      %dma_start3A_19 = tpu.memref_slice %arg12[%mul3A_4, %dma_start3A] : memref<10112x40xf32, #tpu.memory_space<vmem_shared>> -> memref<632x40xf32, #tpu.memory_space<vmem_shared>>
      %dma_start3A_20 = arith.constant 0 : i32
      %dma_start3A_21 = tpu.memref_slice %arg4[%mul3A_2, %dma_start3A_20] : memref<10112x40xf32, #tpu.memory_space<hbm>> -> memref<632x40xf32, #tpu.memory_space<hbm>>
      tpu.enqueue_dma source(%dma_start3A_21 : memref<632x40xf32, #tpu.memory_space<hbm>>) target(%dma_start3A_19 : memref<632x40xf32, #tpu.memory_space<vmem_shared>>) target_semaphore(%run_scoped3A : memref<!tpu.dma_semaphore, #tpu.memory_space<semaphore_mem>>)
      %dma_wait3A = arith.constant 0 : i32
      %dma_wait3A_22 = tpu.memref_slice %arg12[%mul3A_4, %dma_wait3A] : memref<10112x40xf32, #tpu.memory_space<vmem_shared>> -> memref<632x40xf32, #tpu.memory_space<vmem_shared>>
      %dma_wait3A_23 = arith.constant 0 : i32
      %dma_wait3A_24 = tpu.memref_slice %arg4[%mul3A_2, %dma_wait3A_23] : memref<10112x40xf32, #tpu.memory_space<hbm>> -> memref<632x40xf32, #tpu.memory_space<hbm>>
      tpu.wait_dma2 semaphore(%run_scoped3A : memref<!tpu.dma_semaphore, #tpu.memory_space<semaphore_mem>>) src(%dma_wait3A_24 : memref<632x40xf32, #tpu.memory_space<hbm>>) dst(%dma_wait3A_22 : memref<632x40xf32, #tpu.memory_space<vmem_shared>>)
      tpu.yield
    }) : () -> ()
    %mul3A_5 = arith.constant 625 : i32
    %mul3A_6 = arith.muli %arg1, %mul3A_5 : i32
    %mul3A_7 = arith.constant 625 : i32
    %mul3A_8 = arith.muli %arg1, %mul3A_7 : i32
    "tpu.region"() ({
      %run_scoped3A = tpu.sem_alloc : memref<!tpu.dma_semaphore, #tpu.memory_space<semaphore_mem>>
      %dma_start3A = arith.constant 0 : i32
      %dma_start3A_19 = tpu.memref_slice %arg11[%mul3A_8, %dma_start3A] : memref<10000x40xf32, #tpu.memory_space<vmem_shared>> -> memref<625x40xf32, #tpu.memory_space<vmem_shared>>
      %dma_start3A_20 = arith.constant 0 : i32
      %dma_start3A_21 = tpu.memref_slice %arg3[%mul3A_6, %dma_start3A_20] : memref<10000x40xf32, #tpu.memory_space<hbm>> -> memref<625x40xf32, #tpu.memory_space<hbm>>
      tpu.enqueue_dma source(%dma_start3A_21 : memref<625x40xf32, #tpu.memory_space<hbm>>) target(%dma_start3A_19 : memref<625x40xf32, #tpu.memory_space<vmem_shared>>) target_semaphore(%run_scoped3A : memref<!tpu.dma_semaphore, #tpu.memory_space<semaphore_mem>>)
      %dma_wait3A = arith.constant 0 : i32
      %dma_wait3A_22 = tpu.memref_slice %arg11[%mul3A_8, %dma_wait3A] : memref<10000x40xf32, #tpu.memory_space<vmem_shared>> -> memref<625x40xf32, #tpu.memory_space<vmem_shared>>
      %dma_wait3A_23 = arith.constant 0 : i32
      %dma_wait3A_24 = tpu.memref_slice %arg3[%mul3A_6, %dma_wait3A_23] : memref<10000x40xf32, #tpu.memory_space<hbm>> -> memref<625x40xf32, #tpu.memory_space<hbm>>
      tpu.wait_dma2 semaphore(%run_scoped3A : memref<!tpu.dma_semaphore, #tpu.memory_space<semaphore_mem>>) src(%dma_wait3A_24 : memref<625x40xf32, #tpu.memory_space<hbm>>) dst(%dma_wait3A_22 : memref<625x40xf32, #tpu.memory_space<vmem_shared>>)
      tpu.yield
    }) : () -> ()
    %barrier3A = arith.constant 0 : index
    tpu.barrier barrier_id(%barrier3A)
    %scan3A = arith.constant 0 : i32
    %scan3A_9 = arith.constant 0 : i32
    %scan3A_10 = arith.constant 5 : i32
    %scan3A_11 = arith.addi %scan3A_9, %scan3A_10 : i32
    %scan3A_12 = arith.constant 1 : i32
    scf.for %scan3A_19 = %scan3A_9 to %scan3A_11 step %scan3A_12  : i32 {
      %run_scoped3A = arith.constant 1 : i32
      %run_scoped3A_20 = arith.constant 0 : i32
      "tpu.region"() ({
        %run_scoped3A_41 = tpu.sem_alloc : memref<!tpu.dma_semaphore, #tpu.memory_space<semaphore_mem>>
        %dma_start3A_42 = arith.constant 0 : i32
        %dma_start3A_43 = arith.constant 0 : i32
        %dma_start3A_44 = tpu.memref_slice %arg2[%run_scoped3A, %run_scoped3A_20, %add3A, %scan3A_19, %dma_start3A_42, %dma_start3A_43] : memref<2x2x32x5x25x80xi32, #tpu.memory_space<hbm>> -> memref<1x1x1x1x25x80xi32, #tpu.memory_space<hbm>>
        %dma_start3A_45 = tpu.memref_squeeze %dma_start3A_44 : memref<1x1x1x1x25x80xi32, #tpu.memory_space<hbm>> -> memref<25x80xi32, #tpu.memory_space<hbm>>
        %dma_start3A_46 = arith.constant 0 : i32
        %dma_start3A_47 = arith.constant 0 : i32
        %dma_start3A_48 = tpu.memref_slice %arg2[%run_scoped3A, %run_scoped3A_20, %add3A, %scan3A_19, %dma_start3A_46, %dma_start3A_47] : memref<2x2x32x5x25x80xi32, #tpu.memory_space<hbm>> -> memref<1x1x1x1x25x80xi32, #tpu.memory_space<hbm>>
        %dma_start3A_49 = tpu.memref_squeeze %dma_start3A_48 : memref<1x1x1x1x25x80xi32, #tpu.memory_space<hbm>> -> memref<25x80xi32, #tpu.memory_space<hbm>>
        tpu.enqueue_dma source(%dma_start3A_49 : memref<25x80xi32, #tpu.memory_space<hbm>>) target(%arg6 : memref<25x80xi32, #tpu.memory_space<vmem>>) target_semaphore(%run_scoped3A_41 : memref<!tpu.dma_semaphore, #tpu.memory_space<semaphore_mem>>)
        %dma_wait3A = arith.constant 0 : i32
        %dma_wait3A_50 = arith.constant 0 : i32
        %dma_wait3A_51 = tpu.memref_slice %arg2[%run_scoped3A, %run_scoped3A_20, %add3A, %scan3A_19, %dma_wait3A, %dma_wait3A_50] : memref<2x2x32x5x25x80xi32, #tpu.memory_space<hbm>> -> memref<1x1x1x1x25x80xi32, #tpu.memory_space<hbm>>
        %dma_wait3A_52 = tpu.memref_squeeze %dma_wait3A_51 : memref<1x1x1x1x25x80xi32, #tpu.memory_space<hbm>> -> memref<25x80xi32, #tpu.memory_space<hbm>>
        %dma_wait3A_53 = arith.constant 0 : i32
        %dma_wait3A_54 = arith.constant 0 : i32
        %dma_wait3A_55 = tpu.memref_slice %arg2[%run_scoped3A, %run_scoped3A_20, %add3A, %scan3A_19, %dma_wait3A_53, %dma_wait3A_54] : memref<2x2x32x5x25x80xi32, #tpu.memory_space<hbm>> -> memref<1x1x1x1x25x80xi32, #tpu.memory_space<hbm>>
        %dma_wait3A_56 = tpu.memref_squeeze %dma_wait3A_55 : memref<1x1x1x1x25x80xi32, #tpu.memory_space<hbm>> -> memref<25x80xi32, #tpu.memory_space<hbm>>
        tpu.wait_dma2 semaphore(%run_scoped3A_41 : memref<!tpu.dma_semaphore, #tpu.memory_space<semaphore_mem>>) src(%dma_wait3A_56 : memref<25x80xi32, #tpu.memory_space<hbm>>) dst(%arg6 : memref<25x80xi32, #tpu.memory_space<vmem>>)
        tpu.yield
      }) : () -> ()
      %run_scoped3A_21 = arith.constant 1 : i32
      %run_scoped3A_22 = arith.constant 1 : i32
      "tpu.region"() ({
        %run_scoped3A_41 = tpu.sem_alloc : memref<!tpu.dma_semaphore, #tpu.memory_space<semaphore_mem>>
        %dma_start3A_42 = arith.constant 0 : i32
        %dma_start3A_43 = arith.constant 0 : i32
        %dma_start3A_44 = tpu.memref_slice %arg2[%run_scoped3A_21, %run_scoped3A_22, %add3A, %scan3A_19, %dma_start3A_42, %dma_start3A_43] : memref<2x2x32x5x25x80xi32, #tpu.memory_space<hbm>> -> memref<1x1x1x1x25x80xi32, #tpu.memory_space<hbm>>
        %dma_start3A_45 = tpu.memref_squeeze %dma_start3A_44 : memref<1x1x1x1x25x80xi32, #tpu.memory_space<hbm>> -> memref<25x80xi32, #tpu.memory_space<hbm>>
        %dma_start3A_46 = arith.constant 0 : i32
        %dma_start3A_47 = arith.constant 0 : i32
        %dma_start3A_48 = tpu.memref_slice %arg2[%run_scoped3A_21, %run_scoped3A_22, %add3A, %scan3A_19, %dma_start3A_46, %dma_start3A_47] : memref<2x2x32x5x25x80xi32, #tpu.memory_space<hbm>> -> memref<1x1x1x1x25x80xi32, #tpu.memory_space<hbm>>
        %dma_start3A_49 = tpu.memref_squeeze %dma_start3A_48 : memref<1x1x1x1x25x80xi32, #tpu.memory_space<hbm>> -> memref<25x80xi32, #tpu.memory_space<hbm>>
        tpu.enqueue_dma source(%dma_start3A_49 : memref<25x80xi32, #tpu.memory_space<hbm>>) target(%arg7 : memref<25x80xi32, #tpu.memory_space<vmem>>) target_semaphore(%run_scoped3A_41 : memref<!tpu.dma_semaphore, #tpu.memory_space<semaphore_mem>>)
        %dma_wait3A = arith.constant 0 : i32
        %dma_wait3A_50 = arith.constant 0 : i32
        %dma_wait3A_51 = tpu.memref_slice %arg2[%run_scoped3A_21, %run_scoped3A_22, %add3A, %scan3A_19, %dma_wait3A, %dma_wait3A_50] : memref<2x2x32x5x25x80xi32, #tpu.memory_space<hbm>> -> memref<1x1x1x1x25x80xi32, #tpu.memory_space<hbm>>
        %dma_wait3A_52 = tpu.memref_squeeze %dma_wait3A_51 : memref<1x1x1x1x25x80xi32, #tpu.memory_space<hbm>> -> memref<25x80xi32, #tpu.memory_space<hbm>>
        %dma_wait3A_53 = arith.constant 0 : i32
        %dma_wait3A_54 = arith.constant 0 : i32
        %dma_wait3A_55 = tpu.memref_slice %arg2[%run_scoped3A_21, %run_scoped3A_22, %add3A, %scan3A_19, %dma_wait3A_53, %dma_wait3A_54] : memref<2x2x32x5x25x80xi32, #tpu.memory_space<hbm>> -> memref<1x1x1x1x25x80xi32, #tpu.memory_space<hbm>>
        %dma_wait3A_56 = tpu.memref_squeeze %dma_wait3A_55 : memref<1x1x1x1x25x80xi32, #tpu.memory_space<hbm>> -> memref<25x80xi32, #tpu.memory_space<hbm>>
        tpu.wait_dma2 semaphore(%run_scoped3A_41 : memref<!tpu.dma_semaphore, #tpu.memory_space<semaphore_mem>>) src(%dma_wait3A_56 : memref<25x80xi32, #tpu.memory_space<hbm>>) dst(%arg7 : memref<25x80xi32, #tpu.memory_space<vmem>>)
        tpu.yield
      }) : () -> ()
      %dma_start3A = arith.constant 0 : i32
      %dma_start3A_23 = arith.constant 0 : i32
      %dma_start3A_24 = tpu.memref_slice %arg6[%dma_start3A, %dma_start3A_23] : memref<25x80xi32, #tpu.memory_space<vmem>> -> memref<1x80xi32, #tpu.memory_space<vmem>>
      %dma_start3A_25 = tpu.memref_squeeze %dma_start3A_24 : memref<1x80xi32, #tpu.memory_space<vmem>> -> memref<80xi32, #tpu.memory_space<vmem>>
      %dma_start3A_26 = arith.constant 0 : i32
      %dma_start3A_27 = arith.constant 0 : i32
      %dma_start3A_28 = tpu.memref_slice %arg11[%dma_start3A_26, %dma_start3A_27] : memref<10000x40xf32, #tpu.memory_space<vmem_shared>> -> memref<10000x40xf32, #tpu.memory_space<vmem_shared>>
      tpu.enqueue_indirect_dma source(%dma_start3A_28 : memref<10000x40xf32, #tpu.memory_space<vmem_shared>>) target(%arg8 : memref<80x40xf32, #tpu.memory_space<vmem>>) offsets(%dma_start3A_25 : memref<80xi32, #tpu.memory_space<vmem>>) semaphore(%arg13 : memref<!tpu.dma_semaphore, #tpu.memory_space<semaphore_mem>>)
      %scan3A_29 = arith.constant 0 : i32
      %scan3A_30 = arith.constant 0 : i32
      %scan3A_31 = arith.constant 25 : i32
      %scan3A_32 = arith.addi %scan3A_30, %scan3A_31 : i32
      %scan3A_33 = arith.constant 1 : i32
      scf.for %scan3A_41 = %scan3A_30 to %scan3A_32 step %scan3A_33  : i32 {
        %jit3A = arith.constant 3 : i32
        %eq3A = arith.constant 0 : i32
        %eq3A_42 = arith.cmpi eq, %jit3A, %eq3A : i32
        %jit3A_43 = arith.constant 1 : i32
        %select_n3A = arith.select %eq3A_42, %jit3A_43, %jit3A : i32
        %rem3A = arith.remsi %scan3A_41, %select_n3A : i32
        %ne3A = arith.constant 0 : i32
        %ne3A_44 = arith.cmpi ne, %rem3A, %ne3A : i32
        %lt3A = arith.constant 0 : i32
        %lt3A_45 = arith.cmpi slt, %rem3A, %lt3A : i32
        %lt3A_46 = arith.constant 0 : i32
        %lt3A_47 = arith.cmpi slt, %select_n3A, %lt3A_46 : i32
        %ne3A_48 = arith.xori %lt3A_45, %lt3A_47 : i1
        %and3A = arith.andi %ne3A_48, %ne3A_44 : i1
        %add3A_49 = arith.addi %rem3A, %select_n3A : i32
        %select_n3A_50 = arith.select %and3A, %add3A_49, %rem3A : i32
        %eq3A_51 = arith.constant 0 : i32
        %eq3A_52 = arith.cmpi eq, %select_n3A_50, %eq3A_51 : i32
        %convert_element_type3A = arith.extui %eq3A_52 : i1 to i32
        %cond3A = arith.constant 0 : i32
        %cond3A_53 = arith.cmpi ne, %convert_element_type3A, %cond3A : i32
        scf.if %cond3A_53 {
          %dma_wait3A = arith.constant 0 : i32
          %dma_wait3A_96 = tpu.memref_slice %arg6[%scan3A_41, %dma_wait3A] : memref<25x80xi32, #tpu.memory_space<vmem>> -> memref<1x80xi32, #tpu.memory_space<vmem>>
          %dma_wait3A_97 = tpu.memref_squeeze %dma_wait3A_96 : memref<1x80xi32, #tpu.memory_space<vmem>> -> memref<80xi32, #tpu.memory_space<vmem>>
          %dma_wait3A_98 = arith.constant 0 : i32
          %dma_wait3A_99 = arith.constant 0 : i32
          %dma_wait3A_100 = tpu.memref_slice %arg11[%dma_wait3A_98, %dma_wait3A_99] : memref<10000x40xf32, #tpu.memory_space<vmem_shared>> -> memref<10000x40xf32, #tpu.memory_space<vmem_shared>>
          tpu.wait_indirect_dma semaphore(%arg13 : memref<!tpu.dma_semaphore, #tpu.memory_space<semaphore_mem>>) src(%dma_wait3A_100 : memref<10000x40xf32, #tpu.memory_space<vmem_shared>>) dst(%arg8 : memref<80x40xf32, #tpu.memory_space<vmem>>)
          %ge3A = arith.constant 2 : i32
          %ge3A_101 = arith.cmpi sge, %scan3A_41, %ge3A : i32
          %convert_element_type3A_102 = arith.extui %ge3A_101 : i1 to i32
          %cond3A_103 = arith.constant 0 : i32
          %cond3A_104 = arith.cmpi ne, %convert_element_type3A_102, %cond3A_103 : i32
          scf.if %cond3A_104 {
            %dma_wait3A_118 = arith.constant 0 : i32
            %dma_wait3A_119 = arith.constant 0 : i32
            %dma_wait3A_120 = tpu.memref_slice %arg7[%dma_wait3A_118, %dma_wait3A_119] : memref<25x80xi32, #tpu.memory_space<vmem>> -> memref<1x80xi32, #tpu.memory_space<vmem>>
            %dma_wait3A_121 = tpu.memref_squeeze %dma_wait3A_120 : memref<1x80xi32, #tpu.memory_space<vmem>> -> memref<80xi32, #tpu.memory_space<vmem>>
            %dma_wait3A_122 = arith.constant 0 : i32
            %dma_wait3A_123 = arith.constant 0 : i32
            %dma_wait3A_124 = tpu.memref_slice %arg12[%dma_wait3A_122, %dma_wait3A_123] : memref<10112x40xf32, #tpu.memory_space<vmem_shared>> -> memref<10112x40xf32, #tpu.memory_space<vmem_shared>>
            tpu.wait_indirect_dma semaphore(%arg14 : memref<!tpu.dma_semaphore, #tpu.memory_space<semaphore_mem>>) src(%arg9 : memref<80x40xf32, #tpu.memory_space<vmem>>) dst(%dma_wait3A_124 : memref<10112x40xf32, #tpu.memory_space<vmem_shared>>)
          } else {
          }
          %add3A_105 = arith.constant 1 : i32
          %add3A_106 = arith.addi %scan3A_41, %add3A_105 : i32
          %lt3A_107 = arith.constant 25 : i32
          %lt3A_108 = arith.cmpi slt, %add3A_106, %lt3A_107 : i32
          %convert_element_type3A_109 = arith.extui %lt3A_108 : i1 to i32
          %cond3A_110 = arith.constant 0 : i32
          %cond3A_111 = arith.cmpi ne, %convert_element_type3A_109, %cond3A_110 : i32
          scf.if %cond3A_111 {
            %add3A_118 = arith.constant 1 : i32
            %add3A_119 = arith.addi %scan3A_41, %add3A_118 : i32
            %dma_start3A_120 = arith.constant 0 : i32
            %dma_start3A_121 = tpu.memref_slice %arg6[%add3A_119, %dma_start3A_120] : memref<25x80xi32, #tpu.memory_space<vmem>> -> memref<1x80xi32, #tpu.memory_space<vmem>>
            %dma_start3A_122 = tpu.memref_squeeze %dma_start3A_121 : memref<1x80xi32, #tpu.memory_space<vmem>> -> memref<80xi32, #tpu.memory_space<vmem>>
            %dma_start3A_123 = arith.constant 0 : i32
            %dma_start3A_124 = arith.constant 0 : i32
            %dma_start3A_125 = tpu.memref_slice %arg11[%dma_start3A_123, %dma_start3A_124] : memref<10000x40xf32, #tpu.memory_space<vmem_shared>> -> memref<10000x40xf32, #tpu.memory_space<vmem_shared>>
            tpu.enqueue_indirect_dma source(%dma_start3A_125 : memref<10000x40xf32, #tpu.memory_space<vmem_shared>>) target(%arg9 : memref<80x40xf32, #tpu.memory_space<vmem>>) offsets(%dma_start3A_122 : memref<80xi32, #tpu.memory_space<vmem>>) semaphore(%arg13 : memref<!tpu.dma_semaphore, #tpu.memory_space<semaphore_mem>>)
          } else {
          }
          %dma_start3A_112 = arith.constant 0 : i32
          %dma_start3A_113 = tpu.memref_slice %arg7[%scan3A_41, %dma_start3A_112] : memref<25x80xi32, #tpu.memory_space<vmem>> -> memref<1x80xi32, #tpu.memory_space<vmem>>
          %dma_start3A_114 = tpu.memref_squeeze %dma_start3A_113 : memref<1x80xi32, #tpu.memory_space<vmem>> -> memref<80xi32, #tpu.memory_space<vmem>>
          %dma_start3A_115 = arith.constant 0 : i32
          %dma_start3A_116 = arith.constant 0 : i32
          %dma_start3A_117 = tpu.memref_slice %arg12[%dma_start3A_115, %dma_start3A_116] : memref<10112x40xf32, #tpu.memory_space<vmem_shared>> -> memref<10112x40xf32, #tpu.memory_space<vmem_shared>>
          tpu.enqueue_indirect_dma source(%arg8 : memref<80x40xf32, #tpu.memory_space<vmem>>) target(%dma_start3A_117 : memref<10112x40xf32, #tpu.memory_space<vmem_shared>>) offsets(%dma_start3A_114 : memref<80xi32, #tpu.memory_space<vmem>>) semaphore(%arg14 : memref<!tpu.dma_semaphore, #tpu.memory_space<semaphore_mem>>) {add = true}
        } else {
        }
        %jit3A_54 = arith.constant 3 : i32
        %eq3A_55 = arith.constant 0 : i32
        %eq3A_56 = arith.cmpi eq, %jit3A_54, %eq3A_55 : i32
        %jit3A_57 = arith.constant 1 : i32
        %select_n3A_58 = arith.select %eq3A_56, %jit3A_57, %jit3A_54 : i32
        %rem3A_59 = arith.remsi %scan3A_41, %select_n3A_58 : i32
        %ne3A_60 = arith.constant 0 : i32
        %ne3A_61 = arith.cmpi ne, %rem3A_59, %ne3A_60 : i32
        %lt3A_62 = arith.constant 0 : i32
        %lt3A_63 = arith.cmpi slt, %rem3A_59, %lt3A_62 : i32
        %lt3A_64 = arith.constant 0 : i32
        %lt3A_65 = arith.cmpi slt, %select_n3A_58, %lt3A_64 : i32
        %ne3A_66 = arith.xori %lt3A_63, %lt3A_65 : i1
        %and3A_67 = arith.andi %ne3A_66, %ne3A_61 : i1
        %add3A_68 = arith.addi %rem3A_59, %select_n3A_58 : i32
        %select_n3A_69 = arith.select %and3A_67, %add3A_68, %rem3A_59 : i32
        %eq3A_70 = arith.constant 1 : i32
        %eq3A_71 = arith.cmpi eq, %select_n3A_69, %eq3A_70 : i32
        %convert_element_type3A_72 = arith.extui %eq3A_71 : i1 to i32
        %cond3A_73 = arith.constant 0 : i32
        %cond3A_74 = arith.cmpi ne, %convert_element_type3A_72, %cond3A_73 : i32
        scf.if %cond3A_74 {
          %dma_wait3A = arith.constant 0 : i32
          %dma_wait3A_96 = tpu.memref_slice %arg6[%scan3A_41, %dma_wait3A] : memref<25x80xi32, #tpu.memory_space<vmem>> -> memref<1x80xi32, #tpu.memory_space<vmem>>
          %dma_wait3A_97 = tpu.memref_squeeze %dma_wait3A_96 : memref<1x80xi32, #tpu.memory_space<vmem>> -> memref<80xi32, #tpu.memory_space<vmem>>
          %dma_wait3A_98 = arith.constant 0 : i32
          %dma_wait3A_99 = arith.constant 0 : i32
          %dma_wait3A_100 = tpu.memref_slice %arg11[%dma_wait3A_98, %dma_wait3A_99] : memref<10000x40xf32, #tpu.memory_space<vmem_shared>> -> memref<10000x40xf32, #tpu.memory_space<vmem_shared>>
          tpu.wait_indirect_dma semaphore(%arg13 : memref<!tpu.dma_semaphore, #tpu.memory_space<semaphore_mem>>) src(%dma_wait3A_100 : memref<10000x40xf32, #tpu.memory_space<vmem_shared>>) dst(%arg9 : memref<80x40xf32, #tpu.memory_space<vmem>>)
          %ge3A = arith.constant 2 : i32
          %ge3A_101 = arith.cmpi sge, %scan3A_41, %ge3A : i32
          %convert_element_type3A_102 = arith.extui %ge3A_101 : i1 to i32
          %cond3A_103 = arith.constant 0 : i32
          %cond3A_104 = arith.cmpi ne, %convert_element_type3A_102, %cond3A_103 : i32
          scf.if %cond3A_104 {
            %dma_wait3A_118 = arith.constant 0 : i32
            %dma_wait3A_119 = arith.constant 0 : i32
            %dma_wait3A_120 = tpu.memref_slice %arg7[%dma_wait3A_118, %dma_wait3A_119] : memref<25x80xi32, #tpu.memory_space<vmem>> -> memref<1x80xi32, #tpu.memory_space<vmem>>
            %dma_wait3A_121 = tpu.memref_squeeze %dma_wait3A_120 : memref<1x80xi32, #tpu.memory_space<vmem>> -> memref<80xi32, #tpu.memory_space<vmem>>
            %dma_wait3A_122 = arith.constant 0 : i32
            %dma_wait3A_123 = arith.constant 0 : i32
            %dma_wait3A_124 = tpu.memref_slice %arg12[%dma_wait3A_122, %dma_wait3A_123] : memref<10112x40xf32, #tpu.memory_space<vmem_shared>> -> memref<10112x40xf32, #tpu.memory_space<vmem_shared>>
            tpu.wait_indirect_dma semaphore(%arg14 : memref<!tpu.dma_semaphore, #tpu.memory_space<semaphore_mem>>) src(%arg10 : memref<80x40xf32, #tpu.memory_space<vmem>>) dst(%dma_wait3A_124 : memref<10112x40xf32, #tpu.memory_space<vmem_shared>>)
          } else {
          }
          %add3A_105 = arith.constant 1 : i32
          %add3A_106 = arith.addi %scan3A_41, %add3A_105 : i32
          %lt3A_107 = arith.constant 25 : i32
          %lt3A_108 = arith.cmpi slt, %add3A_106, %lt3A_107 : i32
          %convert_element_type3A_109 = arith.extui %lt3A_108 : i1 to i32
          %cond3A_110 = arith.constant 0 : i32
          %cond3A_111 = arith.cmpi ne, %convert_element_type3A_109, %cond3A_110 : i32
          scf.if %cond3A_111 {
            %add3A_118 = arith.constant 1 : i32
            %add3A_119 = arith.addi %scan3A_41, %add3A_118 : i32
            %dma_start3A_120 = arith.constant 0 : i32
            %dma_start3A_121 = tpu.memref_slice %arg6[%add3A_119, %dma_start3A_120] : memref<25x80xi32, #tpu.memory_space<vmem>> -> memref<1x80xi32, #tpu.memory_space<vmem>>
            %dma_start3A_122 = tpu.memref_squeeze %dma_start3A_121 : memref<1x80xi32, #tpu.memory_space<vmem>> -> memref<80xi32, #tpu.memory_space<vmem>>
            %dma_start3A_123 = arith.constant 0 : i32
            %dma_start3A_124 = arith.constant 0 : i32
            %dma_start3A_125 = tpu.memref_slice %arg11[%dma_start3A_123, %dma_start3A_124] : memref<10000x40xf32, #tpu.memory_space<vmem_shared>> -> memref<10000x40xf32, #tpu.memory_space<vmem_shared>>
            tpu.enqueue_indirect_dma source(%dma_start3A_125 : memref<10000x40xf32, #tpu.memory_space<vmem_shared>>) target(%arg10 : memref<80x40xf32, #tpu.memory_space<vmem>>) offsets(%dma_start3A_122 : memref<80xi32, #tpu.memory_space<vmem>>) semaphore(%arg13 : memref<!tpu.dma_semaphore, #tpu.memory_space<semaphore_mem>>)
          } else {
          }
          %dma_start3A_112 = arith.constant 0 : i32
          %dma_start3A_113 = tpu.memref_slice %arg7[%scan3A_41, %dma_start3A_112] : memref<25x80xi32, #tpu.memory_space<vmem>> -> memref<1x80xi32, #tpu.memory_space<vmem>>
          %dma_start3A_114 = tpu.memref_squeeze %dma_start3A_113 : memref<1x80xi32, #tpu.memory_space<vmem>> -> memref<80xi32, #tpu.memory_space<vmem>>
          %dma_start3A_115 = arith.constant 0 : i32
          %dma_start3A_116 = arith.constant 0 : i32
          %dma_start3A_117 = tpu.memref_slice %arg12[%dma_start3A_115, %dma_start3A_116] : memref<10112x40xf32, #tpu.memory_space<vmem_shared>> -> memref<10112x40xf32, #tpu.memory_space<vmem_shared>>
          tpu.enqueue_indirect_dma source(%arg9 : memref<80x40xf32, #tpu.memory_space<vmem>>) target(%dma_start3A_117 : memref<10112x40xf32, #tpu.memory_space<vmem_shared>>) offsets(%dma_start3A_114 : memref<80xi32, #tpu.memory_space<vmem>>) semaphore(%arg14 : memref<!tpu.dma_semaphore, #tpu.memory_space<semaphore_mem>>) {add = true}
        } else {
        }
        %jit3A_75 = arith.constant 3 : i32
        %eq3A_76 = arith.constant 0 : i32
        %eq3A_77 = arith.cmpi eq, %jit3A_75, %eq3A_76 : i32
        %jit3A_78 = arith.constant 1 : i32
        %select_n3A_79 = arith.select %eq3A_77, %jit3A_78, %jit3A_75 : i32
        %rem3A_80 = arith.remsi %scan3A_41, %select_n3A_79 : i32
        %ne3A_81 = arith.constant 0 : i32
        %ne3A_82 = arith.cmpi ne, %rem3A_80, %ne3A_81 : i32
        %lt3A_83 = arith.constant 0 : i32
        %lt3A_84 = arith.cmpi slt, %rem3A_80, %lt3A_83 : i32
        %lt3A_85 = arith.constant 0 : i32
        %lt3A_86 = arith.cmpi slt, %select_n3A_79, %lt3A_85 : i32
        %ne3A_87 = arith.xori %lt3A_84, %lt3A_86 : i1
        %and3A_88 = arith.andi %ne3A_87, %ne3A_82 : i1
        %add3A_89 = arith.addi %rem3A_80, %select_n3A_79 : i32
        %select_n3A_90 = arith.select %and3A_88, %add3A_89, %rem3A_80 : i32
        %eq3A_91 = arith.constant 2 : i32
        %eq3A_92 = arith.cmpi eq, %select_n3A_90, %eq3A_91 : i32
        %convert_element_type3A_93 = arith.extui %eq3A_92 : i1 to i32
        %cond3A_94 = arith.constant 0 : i32
        %cond3A_95 = arith.cmpi ne, %convert_element_type3A_93, %cond3A_94 : i32
        scf.if %cond3A_95 {
          %dma_wait3A = arith.constant 0 : i32
          %dma_wait3A_96 = tpu.memref_slice %arg6[%scan3A_41, %dma_wait3A] : memref<25x80xi32, #tpu.memory_space<vmem>> -> memref<1x80xi32, #tpu.memory_space<vmem>>
          %dma_wait3A_97 = tpu.memref_squeeze %dma_wait3A_96 : memref<1x80xi32, #tpu.memory_space<vmem>> -> memref<80xi32, #tpu.memory_space<vmem>>
          %dma_wait3A_98 = arith.constant 0 : i32
          %dma_wait3A_99 = arith.constant 0 : i32
          %dma_wait3A_100 = tpu.memref_slice %arg11[%dma_wait3A_98, %dma_wait3A_99] : memref<10000x40xf32, #tpu.memory_space<vmem_shared>> -> memref<10000x40xf32, #tpu.memory_space<vmem_shared>>
          tpu.wait_indirect_dma semaphore(%arg13 : memref<!tpu.dma_semaphore, #tpu.memory_space<semaphore_mem>>) src(%dma_wait3A_100 : memref<10000x40xf32, #tpu.memory_space<vmem_shared>>) dst(%arg10 : memref<80x40xf32, #tpu.memory_space<vmem>>)
          %ge3A = arith.constant 2 : i32
          %ge3A_101 = arith.cmpi sge, %scan3A_41, %ge3A : i32
          %convert_element_type3A_102 = arith.extui %ge3A_101 : i1 to i32
          %cond3A_103 = arith.constant 0 : i32
          %cond3A_104 = arith.cmpi ne, %convert_element_type3A_102, %cond3A_103 : i32
          scf.if %cond3A_104 {
            %dma_wait3A_118 = arith.constant 0 : i32
            %dma_wait3A_119 = arith.constant 0 : i32
            %dma_wait3A_120 = tpu.memref_slice %arg7[%dma_wait3A_118, %dma_wait3A_119] : memref<25x80xi32, #tpu.memory_space<vmem>> -> memref<1x80xi32, #tpu.memory_space<vmem>>
            %dma_wait3A_121 = tpu.memref_squeeze %dma_wait3A_120 : memref<1x80xi32, #tpu.memory_space<vmem>> -> memref<80xi32, #tpu.memory_space<vmem>>
            %dma_wait3A_122 = arith.constant 0 : i32
            %dma_wait3A_123 = arith.constant 0 : i32
            %dma_wait3A_124 = tpu.memref_slice %arg12[%dma_wait3A_122, %dma_wait3A_123] : memref<10112x40xf32, #tpu.memory_space<vmem_shared>> -> memref<10112x40xf32, #tpu.memory_space<vmem_shared>>
            tpu.wait_indirect_dma semaphore(%arg14 : memref<!tpu.dma_semaphore, #tpu.memory_space<semaphore_mem>>) src(%arg8 : memref<80x40xf32, #tpu.memory_space<vmem>>) dst(%dma_wait3A_124 : memref<10112x40xf32, #tpu.memory_space<vmem_shared>>)
          } else {
          }
          %add3A_105 = arith.constant 1 : i32
          %add3A_106 = arith.addi %scan3A_41, %add3A_105 : i32
          %lt3A_107 = arith.constant 25 : i32
          %lt3A_108 = arith.cmpi slt, %add3A_106, %lt3A_107 : i32
          %convert_element_type3A_109 = arith.extui %lt3A_108 : i1 to i32
          %cond3A_110 = arith.constant 0 : i32
          %cond3A_111 = arith.cmpi ne, %convert_element_type3A_109, %cond3A_110 : i32
          scf.if %cond3A_111 {
            %add3A_118 = arith.constant 1 : i32
            %add3A_119 = arith.addi %scan3A_41, %add3A_118 : i32
            %dma_start3A_120 = arith.constant 0 : i32
            %dma_start3A_121 = tpu.memref_slice %arg6[%add3A_119, %dma_start3A_120] : memref<25x80xi32, #tpu.memory_space<vmem>> -> memref<1x80xi32, #tpu.memory_space<vmem>>
            %dma_start3A_122 = tpu.memref_squeeze %dma_start3A_121 : memref<1x80xi32, #tpu.memory_space<vmem>> -> memref<80xi32, #tpu.memory_space<vmem>>
            %dma_start3A_123 = arith.constant 0 : i32
            %dma_start3A_124 = arith.constant 0 : i32
            %dma_start3A_125 = tpu.memref_slice %arg11[%dma_start3A_123, %dma_start3A_124] : memref<10000x40xf32, #tpu.memory_space<vmem_shared>> -> memref<10000x40xf32, #tpu.memory_space<vmem_shared>>
            tpu.enqueue_indirect_dma source(%dma_start3A_125 : memref<10000x40xf32, #tpu.memory_space<vmem_shared>>) target(%arg8 : memref<80x40xf32, #tpu.memory_space<vmem>>) offsets(%dma_start3A_122 : memref<80xi32, #tpu.memory_space<vmem>>) semaphore(%arg13 : memref<!tpu.dma_semaphore, #tpu.memory_space<semaphore_mem>>)
          } else {
          }
          %dma_start3A_112 = arith.constant 0 : i32
          %dma_start3A_113 = tpu.memref_slice %arg7[%scan3A_41, %dma_start3A_112] : memref<25x80xi32, #tpu.memory_space<vmem>> -> memref<1x80xi32, #tpu.memory_space<vmem>>
          %dma_start3A_114 = tpu.memref_squeeze %dma_start3A_113 : memref<1x80xi32, #tpu.memory_space<vmem>> -> memref<80xi32, #tpu.memory_space<vmem>>
          %dma_start3A_115 = arith.constant 0 : i32
          %dma_start3A_116 = arith.constant 0 : i32
          %dma_start3A_117 = tpu.memref_slice %arg12[%dma_start3A_115, %dma_start3A_116] : memref<10112x40xf32, #tpu.memory_space<vmem_shared>> -> memref<10112x40xf32, #tpu.memory_space<vmem_shared>>
          tpu.enqueue_indirect_dma source(%arg10 : memref<80x40xf32, #tpu.memory_space<vmem>>) target(%dma_start3A_117 : memref<10112x40xf32, #tpu.memory_space<vmem_shared>>) offsets(%dma_start3A_114 : memref<80xi32, #tpu.memory_space<vmem>>) semaphore(%arg14 : memref<!tpu.dma_semaphore, #tpu.memory_space<semaphore_mem>>) {add = true}
        } else {
        }
      }
      %scan3A_34 = arith.constant 25 : i32
      %scan3A_35 = arith.constant 0 : i32
      %scan3A_36 = arith.constant 0 : i32
      %scan3A_37 = arith.constant 2 : i32
      %scan3A_38 = arith.addi %scan3A_36, %scan3A_37 : i32
      %scan3A_39 = arith.constant 1 : i32
      scf.for %scan3A_41 = %scan3A_36 to %scan3A_38 step %scan3A_39  : i32 {
        %dma_wait3A = arith.constant 0 : i32
        %dma_wait3A_42 = arith.constant 0 : i32
        %dma_wait3A_43 = tpu.memref_slice %arg7[%dma_wait3A, %dma_wait3A_42] : memref<25x80xi32, #tpu.memory_space<vmem>> -> memref<1x80xi32, #tpu.memory_space<vmem>>
        %dma_wait3A_44 = tpu.memref_squeeze %dma_wait3A_43 : memref<1x80xi32, #tpu.memory_space<vmem>> -> memref<80xi32, #tpu.memory_space<vmem>>
        %dma_wait3A_45 = arith.constant 0 : i32
        %dma_wait3A_46 = arith.constant 0 : i32
        %dma_wait3A_47 = tpu.memref_slice %arg12[%dma_wait3A_45, %dma_wait3A_46] : memref<10112x40xf32, #tpu.memory_space<vmem_shared>> -> memref<10112x40xf32, #tpu.memory_space<vmem_shared>>
        tpu.wait_indirect_dma semaphore(%arg14 : memref<!tpu.dma_semaphore, #tpu.memory_space<semaphore_mem>>) src(%arg8 : memref<80x40xf32, #tpu.memory_space<vmem>>) dst(%dma_wait3A_47 : memref<10112x40xf32, #tpu.memory_space<vmem_shared>>)
      }
      %scan3A_40 = arith.constant 2 : i32
    }
    %scan3A_13 = arith.constant 5 : i32
    %barrier3A_14 = arith.constant 0 : index
    tpu.barrier barrier_id(%barrier3A_14)
    %mul3A_15 = arith.constant 632 : i32
    %mul3A_16 = arith.muli %arg1, %mul3A_15 : i32
    %mul3A_17 = arith.constant 632 : i32
    %mul3A_18 = arith.muli %arg1, %mul3A_17 : i32
    "tpu.region"() ({
      %run_scoped3A = tpu.sem_alloc : memref<!tpu.dma_semaphore, #tpu.memory_space<semaphore_mem>>
      %dma_start3A = arith.constant 0 : i32
      %dma_start3A_19 = tpu.memref_slice %arg5[%arg0, %mul3A_18, %dma_start3A] : memref<2x10112x40xf32, #tpu.memory_space<hbm>> -> memref<1x632x40xf32, #tpu.memory_space<hbm>>
      %dma_start3A_20 = tpu.memref_squeeze %dma_start3A_19 : memref<1x632x40xf32, #tpu.memory_space<hbm>> -> memref<632x40xf32, #tpu.memory_space<hbm>>
      %dma_start3A_21 = arith.constant 0 : i32
      %dma_start3A_22 = tpu.memref_slice %arg12[%mul3A_16, %dma_start3A_21] : memref<10112x40xf32, #tpu.memory_space<vmem_shared>> -> memref<632x40xf32, #tpu.memory_space<vmem_shared>>
      tpu.enqueue_dma source(%dma_start3A_22 : memref<632x40xf32, #tpu.memory_space<vmem_shared>>) target(%dma_start3A_20 : memref<632x40xf32, #tpu.memory_space<hbm>>) target_semaphore(%run_scoped3A : memref<!tpu.dma_semaphore, #tpu.memory_space<semaphore_mem>>)
      %dma_wait3A = arith.constant 0 : i32
      %dma_wait3A_23 = tpu.memref_slice %arg5[%arg0, %mul3A_18, %dma_wait3A] : memref<2x10112x40xf32, #tpu.memory_space<hbm>> -> memref<1x632x40xf32, #tpu.memory_space<hbm>>
      %dma_wait3A_24 = tpu.memref_squeeze %dma_wait3A_23 : memref<1x632x40xf32, #tpu.memory_space<hbm>> -> memref<632x40xf32, #tpu.memory_space<hbm>>
      %dma_wait3A_25 = arith.constant 0 : i32
      %dma_wait3A_26 = tpu.memref_slice %arg12[%mul3A_16, %dma_wait3A_25] : memref<10112x40xf32, #tpu.memory_space<vmem_shared>> -> memref<632x40xf32, #tpu.memory_space<vmem_shared>>
      tpu.wait_dma2 semaphore(%run_scoped3A : memref<!tpu.dma_semaphore, #tpu.memory_space<semaphore_mem>>) src(%dma_wait3A_26 : memref<632x40xf32, #tpu.memory_space<vmem_shared>>) dst(%dma_wait3A_24 : memref<632x40xf32, #tpu.memory_space<hbm>>)
      tpu.yield
    }) : () -> ()
    return
  }
}

#map = affine_map<(d0, d1) -> (0, 0, 0, 0, 0, 0)>
#map1 = affine_map<(d0, d1) -> (0)>
#map2 = affine_map<(d0, d1) -> (0, 0, 0)>
#map3 = affine_map<(d0, d1) -> (0, 0, 0, 0)>
module attributes {stable_mosaic.version = 14 : i64} {
  func.func @deg_kernel(%arg0: i32, %arg1: i32, %arg2: memref<2x2x32x5x25x80xi32, #tpu.memory_space<hbm>>, %arg3: memref<80xf32, #tpu.memory_space<hbm>>, %arg4: memref<1x1x10240xf32, #tpu.memory_space<hbm>>, %arg5: memref<2x2x1x10240xf32, #tpu.memory_space<hbm>>, %arg6: memref<25x80xi32, #tpu.memory_space<vmem>>, %arg7: memref<25x80xi32, #tpu.memory_space<vmem>>, %arg8: memref<80xf32, #tpu.memory_space<vmem>>, %arg9: memref<10240xf32, #tpu.memory_space<vmem_shared>>, %arg10: memref<10240xf32, #tpu.memory_space<vmem_shared>>, %arg11: memref<!tpu.dma_semaphore, #tpu.memory_space<semaphore_mem>>) attributes {dimension_semantics = [#tpu.dimension_semantics<core_parallel>, #tpu.dimension_semantics<subcore_parallel>], iteration_bounds = array<i64: 2, 16>, scalar_prefetch = 0 : i64, scratch_operands = 6 : i64, tpu.core_type = #tpu.core_type<sc_vector_subcore>, window_params = [{transform_indices = #map}, {transform_indices = #map1}, {transform_indices = #map2}, {transform_indices = #map3}]} {
    %mul3A = arith.constant 16 : i32
    %mul3A_0 = arith.muli %arg0, %mul3A : i32
    %add3A = arith.addi %mul3A_0, %arg1 : i32
    %mul3A_1 = arith.constant 640 : i32
    %mul3A_2 = arith.muli %arg1, %mul3A_1 : i32
    %mul3A_3 = arith.constant 640 : i32
    %mul3A_4 = arith.muli %arg1, %mul3A_3 : i32
    %run_scoped3A = arith.constant 0 : i32
    %run_scoped3A_5 = arith.constant 0 : i32
    "tpu.region"() ({
      %run_scoped3A_168 = tpu.sem_alloc : memref<!tpu.dma_semaphore, #tpu.memory_space<semaphore_mem>>
      %dma_start3A = tpu.memref_slice %arg9[%mul3A_4] : memref<10240xf32, #tpu.memory_space<vmem_shared>> -> memref<640xf32, #tpu.memory_space<vmem_shared>>
      %dma_start3A_169 = tpu.memref_slice %arg4[%run_scoped3A, %run_scoped3A_5, %mul3A_2] : memref<1x1x10240xf32, #tpu.memory_space<hbm>> -> memref<1x1x640xf32, #tpu.memory_space<hbm>>
      %dma_start3A_170 = tpu.memref_squeeze %dma_start3A_169 : memref<1x1x640xf32, #tpu.memory_space<hbm>> -> memref<640xf32, #tpu.memory_space<hbm>>
      tpu.enqueue_dma source(%dma_start3A_170 : memref<640xf32, #tpu.memory_space<hbm>>) target(%dma_start3A : memref<640xf32, #tpu.memory_space<vmem_shared>>) target_semaphore(%run_scoped3A_168 : memref<!tpu.dma_semaphore, #tpu.memory_space<semaphore_mem>>)
      %dma_wait3A = tpu.memref_slice %arg9[%mul3A_4] : memref<10240xf32, #tpu.memory_space<vmem_shared>> -> memref<640xf32, #tpu.memory_space<vmem_shared>>
      %dma_wait3A_171 = tpu.memref_slice %arg4[%run_scoped3A, %run_scoped3A_5, %mul3A_2] : memref<1x1x10240xf32, #tpu.memory_space<hbm>> -> memref<1x1x640xf32, #tpu.memory_space<hbm>>
      %dma_wait3A_172 = tpu.memref_squeeze %dma_wait3A_171 : memref<1x1x640xf32, #tpu.memory_space<hbm>> -> memref<640xf32, #tpu.memory_space<hbm>>
      tpu.wait_dma2 semaphore(%run_scoped3A_168 : memref<!tpu.dma_semaphore, #tpu.memory_space<semaphore_mem>>) src(%dma_wait3A_172 : memref<640xf32, #tpu.memory_space<hbm>>) dst(%dma_wait3A : memref<640xf32, #tpu.memory_space<vmem_shared>>)
      tpu.yield
    }) : () -> ()
    %mul3A_6 = arith.constant 640 : i32
    %mul3A_7 = arith.muli %arg1, %mul3A_6 : i32
    %mul3A_8 = arith.constant 640 : i32
    %mul3A_9 = arith.muli %arg1, %mul3A_8 : i32
    %run_scoped3A_10 = arith.constant 0 : i32
    %run_scoped3A_11 = arith.constant 0 : i32
    "tpu.region"() ({
      %run_scoped3A_168 = tpu.sem_alloc : memref<!tpu.dma_semaphore, #tpu.memory_space<semaphore_mem>>
      %dma_start3A = tpu.memref_slice %arg10[%mul3A_9] : memref<10240xf32, #tpu.memory_space<vmem_shared>> -> memref<640xf32, #tpu.memory_space<vmem_shared>>
      %dma_start3A_169 = tpu.memref_slice %arg4[%run_scoped3A_10, %run_scoped3A_11, %mul3A_7] : memref<1x1x10240xf32, #tpu.memory_space<hbm>> -> memref<1x1x640xf32, #tpu.memory_space<hbm>>
      %dma_start3A_170 = tpu.memref_squeeze %dma_start3A_169 : memref<1x1x640xf32, #tpu.memory_space<hbm>> -> memref<640xf32, #tpu.memory_space<hbm>>
      tpu.enqueue_dma source(%dma_start3A_170 : memref<640xf32, #tpu.memory_space<hbm>>) target(%dma_start3A : memref<640xf32, #tpu.memory_space<vmem_shared>>) target_semaphore(%run_scoped3A_168 : memref<!tpu.dma_semaphore, #tpu.memory_space<semaphore_mem>>)
      %dma_wait3A = tpu.memref_slice %arg10[%mul3A_9] : memref<10240xf32, #tpu.memory_space<vmem_shared>> -> memref<640xf32, #tpu.memory_space<vmem_shared>>
      %dma_wait3A_171 = tpu.memref_slice %arg4[%run_scoped3A_10, %run_scoped3A_11, %mul3A_7] : memref<1x1x10240xf32, #tpu.memory_space<hbm>> -> memref<1x1x640xf32, #tpu.memory_space<hbm>>
      %dma_wait3A_172 = tpu.memref_squeeze %dma_wait3A_171 : memref<1x1x640xf32, #tpu.memory_space<hbm>> -> memref<640xf32, #tpu.memory_space<hbm>>
      tpu.wait_dma2 semaphore(%run_scoped3A_168 : memref<!tpu.dma_semaphore, #tpu.memory_space<semaphore_mem>>) src(%dma_wait3A_172 : memref<640xf32, #tpu.memory_space<hbm>>) dst(%dma_wait3A : memref<640xf32, #tpu.memory_space<vmem_shared>>)
      tpu.yield
    }) : () -> ()
    "tpu.region"() ({
      %run_scoped3A_168 = tpu.sem_alloc : memref<!tpu.dma_semaphore, #tpu.memory_space<semaphore_mem>>
      tpu.enqueue_dma source(%arg3 : memref<80xf32, #tpu.memory_space<hbm>>) target(%arg8 : memref<80xf32, #tpu.memory_space<vmem>>) target_semaphore(%run_scoped3A_168 : memref<!tpu.dma_semaphore, #tpu.memory_space<semaphore_mem>>)
      tpu.wait_dma2 semaphore(%run_scoped3A_168 : memref<!tpu.dma_semaphore, #tpu.memory_space<semaphore_mem>>) src(%arg3 : memref<80xf32, #tpu.memory_space<hbm>>) dst(%arg8 : memref<80xf32, #tpu.memory_space<vmem>>)
      tpu.yield
    }) : () -> ()
    %barrier3A = arith.constant 0 : index
    tpu.barrier barrier_id(%barrier3A)
    %run_scoped3A_12 = arith.constant 0 : i32
    %run_scoped3A_13 = arith.constant 1 : i32
    %run_scoped3A_14 = arith.constant 0 : i32
    "tpu.region"() ({
      %run_scoped3A_168 = tpu.sem_alloc : memref<!tpu.dma_semaphore, #tpu.memory_space<semaphore_mem>>
      %dma_start3A = arith.constant 0 : i32
      %dma_start3A_169 = arith.constant 0 : i32
      %dma_start3A_170 = tpu.memref_slice %arg2[%run_scoped3A_12, %run_scoped3A_13, %add3A, %run_scoped3A_14, %dma_start3A, %dma_start3A_169] : memref<2x2x32x5x25x80xi32, #tpu.memory_space<hbm>> -> memref<1x1x1x1x25x80xi32, #tpu.memory_space<hbm>>
      %dma_start3A_171 = tpu.memref_squeeze %dma_start3A_170 : memref<1x1x1x1x25x80xi32, #tpu.memory_space<hbm>> -> memref<25x80xi32, #tpu.memory_space<hbm>>
      %dma_start3A_172 = arith.constant 0 : i32
      %dma_start3A_173 = arith.constant 0 : i32
      %dma_start3A_174 = tpu.memref_slice %arg2[%run_scoped3A_12, %run_scoped3A_13, %add3A, %run_scoped3A_14, %dma_start3A_172, %dma_start3A_173] : memref<2x2x32x5x25x80xi32, #tpu.memory_space<hbm>> -> memref<1x1x1x1x25x80xi32, #tpu.memory_space<hbm>>
      %dma_start3A_175 = tpu.memref_squeeze %dma_start3A_174 : memref<1x1x1x1x25x80xi32, #tpu.memory_space<hbm>> -> memref<25x80xi32, #tpu.memory_space<hbm>>
      tpu.enqueue_dma source(%dma_start3A_175 : memref<25x80xi32, #tpu.memory_space<hbm>>) target(%arg6 : memref<25x80xi32, #tpu.memory_space<vmem>>) target_semaphore(%run_scoped3A_168 : memref<!tpu.dma_semaphore, #tpu.memory_space<semaphore_mem>>)
      %dma_wait3A = arith.constant 0 : i32
      %dma_wait3A_176 = arith.constant 0 : i32
      %dma_wait3A_177 = tpu.memref_slice %arg2[%run_scoped3A_12, %run_scoped3A_13, %add3A, %run_scoped3A_14, %dma_wait3A, %dma_wait3A_176] : memref<2x2x32x5x25x80xi32, #tpu.memory_space<hbm>> -> memref<1x1x1x1x25x80xi32, #tpu.memory_space<hbm>>
      %dma_wait3A_178 = tpu.memref_squeeze %dma_wait3A_177 : memref<1x1x1x1x25x80xi32, #tpu.memory_space<hbm>> -> memref<25x80xi32, #tpu.memory_space<hbm>>
      %dma_wait3A_179 = arith.constant 0 : i32
      %dma_wait3A_180 = arith.constant 0 : i32
      %dma_wait3A_181 = tpu.memref_slice %arg2[%run_scoped3A_12, %run_scoped3A_13, %add3A, %run_scoped3A_14, %dma_wait3A_179, %dma_wait3A_180] : memref<2x2x32x5x25x80xi32, #tpu.memory_space<hbm>> -> memref<1x1x1x1x25x80xi32, #tpu.memory_space<hbm>>
      %dma_wait3A_182 = tpu.memref_squeeze %dma_wait3A_181 : memref<1x1x1x1x25x80xi32, #tpu.memory_space<hbm>> -> memref<25x80xi32, #tpu.memory_space<hbm>>
      tpu.wait_dma2 semaphore(%run_scoped3A_168 : memref<!tpu.dma_semaphore, #tpu.memory_space<semaphore_mem>>) src(%dma_wait3A_182 : memref<25x80xi32, #tpu.memory_space<hbm>>) dst(%arg6 : memref<25x80xi32, #tpu.memory_space<vmem>>)
      tpu.yield
    }) : () -> ()
    %scan3A = arith.constant 0 : i32
    %scan3A_15 = arith.constant 0 : i32
    %scan3A_16 = arith.constant 25 : i32
    %scan3A_17 = arith.addi %scan3A_15, %scan3A_16 : i32
    %scan3A_18 = arith.constant 1 : i32
    scf.for %scan3A_168 = %scan3A_15 to %scan3A_17 step %scan3A_18  : i32 {
      %dma_start3A = arith.constant 0 : i32
      %dma_start3A_169 = tpu.memref_slice %arg6[%scan3A_168, %dma_start3A] : memref<25x80xi32, #tpu.memory_space<vmem>> -> memref<1x80xi32, #tpu.memory_space<vmem>>
      %dma_start3A_170 = tpu.memref_squeeze %dma_start3A_169 : memref<1x80xi32, #tpu.memory_space<vmem>> -> memref<80xi32, #tpu.memory_space<vmem>>
      %dma_start3A_171 = arith.constant 0 : i32
      %dma_start3A_172 = tpu.memref_slice %arg9[%dma_start3A_171] : memref<10240xf32, #tpu.memory_space<vmem_shared>> -> memref<10240xf32, #tpu.memory_space<vmem_shared>>
      tpu.enqueue_indirect_dma source(%arg8 : memref<80xf32, #tpu.memory_space<vmem>>) target(%dma_start3A_172 : memref<10240xf32, #tpu.memory_space<vmem_shared>>) offsets(%dma_start3A_170 : memref<80xi32, #tpu.memory_space<vmem>>) semaphore(%arg11 : memref<!tpu.dma_semaphore, #tpu.memory_space<semaphore_mem>>) {add = true}
    }
    %scan3A_19 = arith.constant 25 : i32
    %run_scoped3A_20 = arith.constant 0 : i32
    %run_scoped3A_21 = arith.constant 1 : i32
    %run_scoped3A_22 = arith.constant 1 : i32
    "tpu.region"() ({
      %run_scoped3A_168 = tpu.sem_alloc : memref<!tpu.dma_semaphore, #tpu.memory_space<semaphore_mem>>
      %dma_start3A = arith.constant 0 : i32
      %dma_start3A_169 = arith.constant 0 : i32
      %dma_start3A_170 = tpu.memref_slice %arg2[%run_scoped3A_20, %run_scoped3A_21, %add3A, %run_scoped3A_22, %dma_start3A, %dma_start3A_169] : memref<2x2x32x5x25x80xi32, #tpu.memory_space<hbm>> -> memref<1x1x1x1x25x80xi32, #tpu.memory_space<hbm>>
      %dma_start3A_171 = tpu.memref_squeeze %dma_start3A_170 : memref<1x1x1x1x25x80xi32, #tpu.memory_space<hbm>> -> memref<25x80xi32, #tpu.memory_space<hbm>>
      %dma_start3A_172 = arith.constant 0 : i32
      %dma_start3A_173 = arith.constant 0 : i32
      %dma_start3A_174 = tpu.memref_slice %arg2[%run_scoped3A_20, %run_scoped3A_21, %add3A, %run_scoped3A_22, %dma_start3A_172, %dma_start3A_173] : memref<2x2x32x5x25x80xi32, #tpu.memory_space<hbm>> -> memref<1x1x1x1x25x80xi32, #tpu.memory_space<hbm>>
      %dma_start3A_175 = tpu.memref_squeeze %dma_start3A_174 : memref<1x1x1x1x25x80xi32, #tpu.memory_space<hbm>> -> memref<25x80xi32, #tpu.memory_space<hbm>>
      tpu.enqueue_dma source(%dma_start3A_175 : memref<25x80xi32, #tpu.memory_space<hbm>>) target(%arg7 : memref<25x80xi32, #tpu.memory_space<vmem>>) target_semaphore(%run_scoped3A_168 : memref<!tpu.dma_semaphore, #tpu.memory_space<semaphore_mem>>)
      %dma_wait3A = arith.constant 0 : i32
      %dma_wait3A_176 = arith.constant 0 : i32
      %dma_wait3A_177 = tpu.memref_slice %arg2[%run_scoped3A_20, %run_scoped3A_21, %add3A, %run_scoped3A_22, %dma_wait3A, %dma_wait3A_176] : memref<2x2x32x5x25x80xi32, #tpu.memory_space<hbm>> -> memref<1x1x1x1x25x80xi32, #tpu.memory_space<hbm>>
      %dma_wait3A_178 = tpu.memref_squeeze %dma_wait3A_177 : memref<1x1x1x1x25x80xi32, #tpu.memory_space<hbm>> -> memref<25x80xi32, #tpu.memory_space<hbm>>
      %dma_wait3A_179 = arith.constant 0 : i32
      %dma_wait3A_180 = arith.constant 0 : i32
      %dma_wait3A_181 = tpu.memref_slice %arg2[%run_scoped3A_20, %run_scoped3A_21, %add3A, %run_scoped3A_22, %dma_wait3A_179, %dma_wait3A_180] : memref<2x2x32x5x25x80xi32, #tpu.memory_space<hbm>> -> memref<1x1x1x1x25x80xi32, #tpu.memory_space<hbm>>
      %dma_wait3A_182 = tpu.memref_squeeze %dma_wait3A_181 : memref<1x1x1x1x25x80xi32, #tpu.memory_space<hbm>> -> memref<25x80xi32, #tpu.memory_space<hbm>>
      tpu.wait_dma2 semaphore(%run_scoped3A_168 : memref<!tpu.dma_semaphore, #tpu.memory_space<semaphore_mem>>) src(%dma_wait3A_182 : memref<25x80xi32, #tpu.memory_space<hbm>>) dst(%arg7 : memref<25x80xi32, #tpu.memory_space<vmem>>)
      tpu.yield
    }) : () -> ()
    %scan3A_23 = arith.constant 0 : i32
    %scan3A_24 = arith.constant 0 : i32
    %scan3A_25 = arith.constant 25 : i32
    %scan3A_26 = arith.addi %scan3A_24, %scan3A_25 : i32
    %scan3A_27 = arith.constant 1 : i32
    scf.for %scan3A_168 = %scan3A_24 to %scan3A_26 step %scan3A_27  : i32 {
      %dma_start3A = arith.constant 0 : i32
      %dma_start3A_169 = tpu.memref_slice %arg7[%scan3A_168, %dma_start3A] : memref<25x80xi32, #tpu.memory_space<vmem>> -> memref<1x80xi32, #tpu.memory_space<vmem>>
      %dma_start3A_170 = tpu.memref_squeeze %dma_start3A_169 : memref<1x80xi32, #tpu.memory_space<vmem>> -> memref<80xi32, #tpu.memory_space<vmem>>
      %dma_start3A_171 = arith.constant 0 : i32
      %dma_start3A_172 = tpu.memref_slice %arg9[%dma_start3A_171] : memref<10240xf32, #tpu.memory_space<vmem_shared>> -> memref<10240xf32, #tpu.memory_space<vmem_shared>>
      tpu.enqueue_indirect_dma source(%arg8 : memref<80xf32, #tpu.memory_space<vmem>>) target(%dma_start3A_172 : memref<10240xf32, #tpu.memory_space<vmem_shared>>) offsets(%dma_start3A_170 : memref<80xi32, #tpu.memory_space<vmem>>) semaphore(%arg11 : memref<!tpu.dma_semaphore, #tpu.memory_space<semaphore_mem>>) {add = true}
    }
    %scan3A_28 = arith.constant 25 : i32
    %scan3A_29 = arith.constant 0 : i32
    %scan3A_30 = arith.constant 0 : i32
    %scan3A_31 = arith.constant 25 : i32
    %scan3A_32 = arith.addi %scan3A_30, %scan3A_31 : i32
    %scan3A_33 = arith.constant 1 : i32
    scf.for %scan3A_168 = %scan3A_30 to %scan3A_32 step %scan3A_33  : i32 {
      %dma_wait3A = arith.constant 0 : i32
      %dma_wait3A_169 = arith.constant 0 : i32
      %dma_wait3A_170 = tpu.memref_slice %arg6[%dma_wait3A, %dma_wait3A_169] : memref<25x80xi32, #tpu.memory_space<vmem>> -> memref<1x80xi32, #tpu.memory_space<vmem>>
      %dma_wait3A_171 = tpu.memref_squeeze %dma_wait3A_170 : memref<1x80xi32, #tpu.memory_space<vmem>> -> memref<80xi32, #tpu.memory_space<vmem>>
      %dma_wait3A_172 = arith.constant 0 : i32
      %dma_wait3A_173 = tpu.memref_slice %arg9[%dma_wait3A_172] : memref<10240xf32, #tpu.memory_space<vmem_shared>> -> memref<10240xf32, #tpu.memory_space<vmem_shared>>
      tpu.wait_indirect_dma semaphore(%arg11 : memref<!tpu.dma_semaphore, #tpu.memory_space<semaphore_mem>>) src(%arg8 : memref<80xf32, #tpu.memory_space<vmem>>) dst(%dma_wait3A_173 : memref<10240xf32, #tpu.memory_space<vmem_shared>>)
    }
    %scan3A_34 = arith.constant 25 : i32
    %run_scoped3A_35 = arith.constant 0 : i32
    %run_scoped3A_36 = arith.constant 1 : i32
    %run_scoped3A_37 = arith.constant 2 : i32
    "tpu.region"() ({
      %run_scoped3A_168 = tpu.sem_alloc : memref<!tpu.dma_semaphore, #tpu.memory_space<semaphore_mem>>
      %dma_start3A = arith.constant 0 : i32
      %dma_start3A_169 = arith.constant 0 : i32
      %dma_start3A_170 = tpu.memref_slice %arg2[%run_scoped3A_35, %run_scoped3A_36, %add3A, %run_scoped3A_37, %dma_start3A, %dma_start3A_169] : memref<2x2x32x5x25x80xi32, #tpu.memory_space<hbm>> -> memref<1x1x1x1x25x80xi32, #tpu.memory_space<hbm>>
      %dma_start3A_171 = tpu.memref_squeeze %dma_start3A_170 : memref<1x1x1x1x25x80xi32, #tpu.memory_space<hbm>> -> memref<25x80xi32, #tpu.memory_space<hbm>>
      %dma_start3A_172 = arith.constant 0 : i32
      %dma_start3A_173 = arith.constant 0 : i32
      %dma_start3A_174 = tpu.memref_slice %arg2[%run_scoped3A_35, %run_scoped3A_36, %add3A, %run_scoped3A_37, %dma_start3A_172, %dma_start3A_173] : memref<2x2x32x5x25x80xi32, #tpu.memory_space<hbm>> -> memref<1x1x1x1x25x80xi32, #tpu.memory_space<hbm>>
      %dma_start3A_175 = tpu.memref_squeeze %dma_start3A_174 : memref<1x1x1x1x25x80xi32, #tpu.memory_space<hbm>> -> memref<25x80xi32, #tpu.memory_space<hbm>>
      tpu.enqueue_dma source(%dma_start3A_175 : memref<25x80xi32, #tpu.memory_space<hbm>>) target(%arg6 : memref<25x80xi32, #tpu.memory_space<vmem>>) target_semaphore(%run_scoped3A_168 : memref<!tpu.dma_semaphore, #tpu.memory_space<semaphore_mem>>)
      %dma_wait3A = arith.constant 0 : i32
      %dma_wait3A_176 = arith.constant 0 : i32
      %dma_wait3A_177 = tpu.memref_slice %arg2[%run_scoped3A_35, %run_scoped3A_36, %add3A, %run_scoped3A_37, %dma_wait3A, %dma_wait3A_176] : memref<2x2x32x5x25x80xi32, #tpu.memory_space<hbm>> -> memref<1x1x1x1x25x80xi32, #tpu.memory_space<hbm>>
      %dma_wait3A_178 = tpu.memref_squeeze %dma_wait3A_177 : memref<1x1x1x1x25x80xi32, #tpu.memory_space<hbm>> -> memref<25x80xi32, #tpu.memory_space<hbm>>
      %dma_wait3A_179 = arith.constant 0 : i32
      %dma_wait3A_180 = arith.constant 0 : i32
      %dma_wait3A_181 = tpu.memref_slice %arg2[%run_scoped3A_35, %run_scoped3A_36, %add3A, %run_scoped3A_37, %dma_wait3A_179, %dma_wait3A_180] : memref<2x2x32x5x25x80xi32, #tpu.memory_space<hbm>> -> memref<1x1x1x1x25x80xi32, #tpu.memory_space<hbm>>
      %dma_wait3A_182 = tpu.memref_squeeze %dma_wait3A_181 : memref<1x1x1x1x25x80xi32, #tpu.memory_space<hbm>> -> memref<25x80xi32, #tpu.memory_space<hbm>>
      tpu.wait_dma2 semaphore(%run_scoped3A_168 : memref<!tpu.dma_semaphore, #tpu.memory_space<semaphore_mem>>) src(%dma_wait3A_182 : memref<25x80xi32, #tpu.memory_space<hbm>>) dst(%arg6 : memref<25x80xi32, #tpu.memory_space<vmem>>)
      tpu.yield
    }) : () -> ()
    %scan3A_38 = arith.constant 0 : i32
    %scan3A_39 = arith.constant 0 : i32
    %scan3A_40 = arith.constant 25 : i32
    %scan3A_41 = arith.addi %scan3A_39, %scan3A_40 : i32
    %scan3A_42 = arith.constant 1 : i32
    scf.for %scan3A_168 = %scan3A_39 to %scan3A_41 step %scan3A_42  : i32 {
      %dma_start3A = arith.constant 0 : i32
      %dma_start3A_169 = tpu.memref_slice %arg6[%scan3A_168, %dma_start3A] : memref<25x80xi32, #tpu.memory_space<vmem>> -> memref<1x80xi32, #tpu.memory_space<vmem>>
      %dma_start3A_170 = tpu.memref_squeeze %dma_start3A_169 : memref<1x80xi32, #tpu.memory_space<vmem>> -> memref<80xi32, #tpu.memory_space<vmem>>
      %dma_start3A_171 = arith.constant 0 : i32
      %dma_start3A_172 = tpu.memref_slice %arg9[%dma_start3A_171] : memref<10240xf32, #tpu.memory_space<vmem_shared>> -> memref<10240xf32, #tpu.memory_space<vmem_shared>>
      tpu.enqueue_indirect_dma source(%arg8 : memref<80xf32, #tpu.memory_space<vmem>>) target(%dma_start3A_172 : memref<10240xf32, #tpu.memory_space<vmem_shared>>) offsets(%dma_start3A_170 : memref<80xi32, #tpu.memory_space<vmem>>) semaphore(%arg11 : memref<!tpu.dma_semaphore, #tpu.memory_space<semaphore_mem>>) {add = true}
    }
    %scan3A_43 = arith.constant 25 : i32
    %scan3A_44 = arith.constant 0 : i32
    %scan3A_45 = arith.constant 0 : i32
    %scan3A_46 = arith.constant 25 : i32
    %scan3A_47 = arith.addi %scan3A_45, %scan3A_46 : i32
    %scan3A_48 = arith.constant 1 : i32
    scf.for %scan3A_168 = %scan3A_45 to %scan3A_47 step %scan3A_48  : i32 {
      %dma_wait3A = arith.constant 0 : i32
      %dma_wait3A_169 = arith.constant 0 : i32
      %dma_wait3A_170 = tpu.memref_slice %arg6[%dma_wait3A, %dma_wait3A_169] : memref<25x80xi32, #tpu.memory_space<vmem>> -> memref<1x80xi32, #tpu.memory_space<vmem>>
      %dma_wait3A_171 = tpu.memref_squeeze %dma_wait3A_170 : memref<1x80xi32, #tpu.memory_space<vmem>> -> memref<80xi32, #tpu.memory_space<vmem>>
      %dma_wait3A_172 = arith.constant 0 : i32
      %dma_wait3A_173 = tpu.memref_slice %arg9[%dma_wait3A_172] : memref<10240xf32, #tpu.memory_space<vmem_shared>> -> memref<10240xf32, #tpu.memory_space<vmem_shared>>
      tpu.wait_indirect_dma semaphore(%arg11 : memref<!tpu.dma_semaphore, #tpu.memory_space<semaphore_mem>>) src(%arg8 : memref<80xf32, #tpu.memory_space<vmem>>) dst(%dma_wait3A_173 : memref<10240xf32, #tpu.memory_space<vmem_shared>>)
    }
    %scan3A_49 = arith.constant 25 : i32
    %run_scoped3A_50 = arith.constant 0 : i32
    %run_scoped3A_51 = arith.constant 1 : i32
    %run_scoped3A_52 = arith.constant 3 : i32
    "tpu.region"() ({
      %run_scoped3A_168 = tpu.sem_alloc : memref<!tpu.dma_semaphore, #tpu.memory_space<semaphore_mem>>
      %dma_start3A = arith.constant 0 : i32
      %dma_start3A_169 = arith.constant 0 : i32
      %dma_start3A_170 = tpu.memref_slice %arg2[%run_scoped3A_50, %run_scoped3A_51, %add3A, %run_scoped3A_52, %dma_start3A, %dma_start3A_169] : memref<2x2x32x5x25x80xi32, #tpu.memory_space<hbm>> -> memref<1x1x1x1x25x80xi32, #tpu.memory_space<hbm>>
      %dma_start3A_171 = tpu.memref_squeeze %dma_start3A_170 : memref<1x1x1x1x25x80xi32, #tpu.memory_space<hbm>> -> memref<25x80xi32, #tpu.memory_space<hbm>>
      %dma_start3A_172 = arith.constant 0 : i32
      %dma_start3A_173 = arith.constant 0 : i32
      %dma_start3A_174 = tpu.memref_slice %arg2[%run_scoped3A_50, %run_scoped3A_51, %add3A, %run_scoped3A_52, %dma_start3A_172, %dma_start3A_173] : memref<2x2x32x5x25x80xi32, #tpu.memory_space<hbm>> -> memref<1x1x1x1x25x80xi32, #tpu.memory_space<hbm>>
      %dma_start3A_175 = tpu.memref_squeeze %dma_start3A_174 : memref<1x1x1x1x25x80xi32, #tpu.memory_space<hbm>> -> memref<25x80xi32, #tpu.memory_space<hbm>>
      tpu.enqueue_dma source(%dma_start3A_175 : memref<25x80xi32, #tpu.memory_space<hbm>>) target(%arg7 : memref<25x80xi32, #tpu.memory_space<vmem>>) target_semaphore(%run_scoped3A_168 : memref<!tpu.dma_semaphore, #tpu.memory_space<semaphore_mem>>)
      %dma_wait3A = arith.constant 0 : i32
      %dma_wait3A_176 = arith.constant 0 : i32
      %dma_wait3A_177 = tpu.memref_slice %arg2[%run_scoped3A_50, %run_scoped3A_51, %add3A, %run_scoped3A_52, %dma_wait3A, %dma_wait3A_176] : memref<2x2x32x5x25x80xi32, #tpu.memory_space<hbm>> -> memref<1x1x1x1x25x80xi32, #tpu.memory_space<hbm>>
      %dma_wait3A_178 = tpu.memref_squeeze %dma_wait3A_177 : memref<1x1x1x1x25x80xi32, #tpu.memory_space<hbm>> -> memref<25x80xi32, #tpu.memory_space<hbm>>
      %dma_wait3A_179 = arith.constant 0 : i32
      %dma_wait3A_180 = arith.constant 0 : i32
      %dma_wait3A_181 = tpu.memref_slice %arg2[%run_scoped3A_50, %run_scoped3A_51, %add3A, %run_scoped3A_52, %dma_wait3A_179, %dma_wait3A_180] : memref<2x2x32x5x25x80xi32, #tpu.memory_space<hbm>> -> memref<1x1x1x1x25x80xi32, #tpu.memory_space<hbm>>
      %dma_wait3A_182 = tpu.memref_squeeze %dma_wait3A_181 : memref<1x1x1x1x25x80xi32, #tpu.memory_space<hbm>> -> memref<25x80xi32, #tpu.memory_space<hbm>>
      tpu.wait_dma2 semaphore(%run_scoped3A_168 : memref<!tpu.dma_semaphore, #tpu.memory_space<semaphore_mem>>) src(%dma_wait3A_182 : memref<25x80xi32, #tpu.memory_space<hbm>>) dst(%arg7 : memref<25x80xi32, #tpu.memory_space<vmem>>)
      tpu.yield
    }) : () -> ()
    %scan3A_53 = arith.constant 0 : i32
    %scan3A_54 = arith.constant 0 : i32
    %scan3A_55 = arith.constant 25 : i32
    %scan3A_56 = arith.addi %scan3A_54, %scan3A_55 : i32
    %scan3A_57 = arith.constant 1 : i32
    scf.for %scan3A_168 = %scan3A_54 to %scan3A_56 step %scan3A_57  : i32 {
      %dma_start3A = arith.constant 0 : i32
      %dma_start3A_169 = tpu.memref_slice %arg7[%scan3A_168, %dma_start3A] : memref<25x80xi32, #tpu.memory_space<vmem>> -> memref<1x80xi32, #tpu.memory_space<vmem>>
      %dma_start3A_170 = tpu.memref_squeeze %dma_start3A_169 : memref<1x80xi32, #tpu.memory_space<vmem>> -> memref<80xi32, #tpu.memory_space<vmem>>
      %dma_start3A_171 = arith.constant 0 : i32
      %dma_start3A_172 = tpu.memref_slice %arg9[%dma_start3A_171] : memref<10240xf32, #tpu.memory_space<vmem_shared>> -> memref<10240xf32, #tpu.memory_space<vmem_shared>>
      tpu.enqueue_indirect_dma source(%arg8 : memref<80xf32, #tpu.memory_space<vmem>>) target(%dma_start3A_172 : memref<10240xf32, #tpu.memory_space<vmem_shared>>) offsets(%dma_start3A_170 : memref<80xi32, #tpu.memory_space<vmem>>) semaphore(%arg11 : memref<!tpu.dma_semaphore, #tpu.memory_space<semaphore_mem>>) {add = true}
    }
    %scan3A_58 = arith.constant 25 : i32
    %scan3A_59 = arith.constant 0 : i32
    %scan3A_60 = arith.constant 0 : i32
    %scan3A_61 = arith.constant 25 : i32
    %scan3A_62 = arith.addi %scan3A_60, %scan3A_61 : i32
    %scan3A_63 = arith.constant 1 : i32
    scf.for %scan3A_168 = %scan3A_60 to %scan3A_62 step %scan3A_63  : i32 {
      %dma_wait3A = arith.constant 0 : i32
      %dma_wait3A_169 = arith.constant 0 : i32
      %dma_wait3A_170 = tpu.memref_slice %arg6[%dma_wait3A, %dma_wait3A_169] : memref<25x80xi32, #tpu.memory_space<vmem>> -> memref<1x80xi32, #tpu.memory_space<vmem>>
      %dma_wait3A_171 = tpu.memref_squeeze %dma_wait3A_170 : memref<1x80xi32, #tpu.memory_space<vmem>> -> memref<80xi32, #tpu.memory_space<vmem>>
      %dma_wait3A_172 = arith.constant 0 : i32
      %dma_wait3A_173 = tpu.memref_slice %arg9[%dma_wait3A_172] : memref<10240xf32, #tpu.memory_space<vmem_shared>> -> memref<10240xf32, #tpu.memory_space<vmem_shared>>
      tpu.wait_indirect_dma semaphore(%arg11 : memref<!tpu.dma_semaphore, #tpu.memory_space<semaphore_mem>>) src(%arg8 : memref<80xf32, #tpu.memory_space<vmem>>) dst(%dma_wait3A_173 : memref<10240xf32, #tpu.memory_space<vmem_shared>>)
    }
    %scan3A_64 = arith.constant 25 : i32
    %run_scoped3A_65 = arith.constant 0 : i32
    %run_scoped3A_66 = arith.constant 1 : i32
    %run_scoped3A_67 = arith.constant 4 : i32
    "tpu.region"() ({
      %run_scoped3A_168 = tpu.sem_alloc : memref<!tpu.dma_semaphore, #tpu.memory_space<semaphore_mem>>
      %dma_start3A = arith.constant 0 : i32
      %dma_start3A_169 = arith.constant 0 : i32
      %dma_start3A_170 = tpu.memref_slice %arg2[%run_scoped3A_65, %run_scoped3A_66, %add3A, %run_scoped3A_67, %dma_start3A, %dma_start3A_169] : memref<2x2x32x5x25x80xi32, #tpu.memory_space<hbm>> -> memref<1x1x1x1x25x80xi32, #tpu.memory_space<hbm>>
      %dma_start3A_171 = tpu.memref_squeeze %dma_start3A_170 : memref<1x1x1x1x25x80xi32, #tpu.memory_space<hbm>> -> memref<25x80xi32, #tpu.memory_space<hbm>>
      %dma_start3A_172 = arith.constant 0 : i32
      %dma_start3A_173 = arith.constant 0 : i32
      %dma_start3A_174 = tpu.memref_slice %arg2[%run_scoped3A_65, %run_scoped3A_66, %add3A, %run_scoped3A_67, %dma_start3A_172, %dma_start3A_173] : memref<2x2x32x5x25x80xi32, #tpu.memory_space<hbm>> -> memref<1x1x1x1x25x80xi32, #tpu.memory_space<hbm>>
      %dma_start3A_175 = tpu.memref_squeeze %dma_start3A_174 : memref<1x1x1x1x25x80xi32, #tpu.memory_space<hbm>> -> memref<25x80xi32, #tpu.memory_space<hbm>>
      tpu.enqueue_dma source(%dma_start3A_175 : memref<25x80xi32, #tpu.memory_space<hbm>>) target(%arg6 : memref<25x80xi32, #tpu.memory_space<vmem>>) target_semaphore(%run_scoped3A_168 : memref<!tpu.dma_semaphore, #tpu.memory_space<semaphore_mem>>)
      %dma_wait3A = arith.constant 0 : i32
      %dma_wait3A_176 = arith.constant 0 : i32
      %dma_wait3A_177 = tpu.memref_slice %arg2[%run_scoped3A_65, %run_scoped3A_66, %add3A, %run_scoped3A_67, %dma_wait3A, %dma_wait3A_176] : memref<2x2x32x5x25x80xi32, #tpu.memory_space<hbm>> -> memref<1x1x1x1x25x80xi32, #tpu.memory_space<hbm>>
      %dma_wait3A_178 = tpu.memref_squeeze %dma_wait3A_177 : memref<1x1x1x1x25x80xi32, #tpu.memory_space<hbm>> -> memref<25x80xi32, #tpu.memory_space<hbm>>
      %dma_wait3A_179 = arith.constant 0 : i32
      %dma_wait3A_180 = arith.constant 0 : i32
      %dma_wait3A_181 = tpu.memref_slice %arg2[%run_scoped3A_65, %run_scoped3A_66, %add3A, %run_scoped3A_67, %dma_wait3A_179, %dma_wait3A_180] : memref<2x2x32x5x25x80xi32, #tpu.memory_space<hbm>> -> memref<1x1x1x1x25x80xi32, #tpu.memory_space<hbm>>
      %dma_wait3A_182 = tpu.memref_squeeze %dma_wait3A_181 : memref<1x1x1x1x25x80xi32, #tpu.memory_space<hbm>> -> memref<25x80xi32, #tpu.memory_space<hbm>>
      tpu.wait_dma2 semaphore(%run_scoped3A_168 : memref<!tpu.dma_semaphore, #tpu.memory_space<semaphore_mem>>) src(%dma_wait3A_182 : memref<25x80xi32, #tpu.memory_space<hbm>>) dst(%arg6 : memref<25x80xi32, #tpu.memory_space<vmem>>)
      tpu.yield
    }) : () -> ()
    %scan3A_68 = arith.constant 0 : i32
    %scan3A_69 = arith.constant 0 : i32
    %scan3A_70 = arith.constant 25 : i32
    %scan3A_71 = arith.addi %scan3A_69, %scan3A_70 : i32
    %scan3A_72 = arith.constant 1 : i32
    scf.for %scan3A_168 = %scan3A_69 to %scan3A_71 step %scan3A_72  : i32 {
      %dma_start3A = arith.constant 0 : i32
      %dma_start3A_169 = tpu.memref_slice %arg6[%scan3A_168, %dma_start3A] : memref<25x80xi32, #tpu.memory_space<vmem>> -> memref<1x80xi32, #tpu.memory_space<vmem>>
      %dma_start3A_170 = tpu.memref_squeeze %dma_start3A_169 : memref<1x80xi32, #tpu.memory_space<vmem>> -> memref<80xi32, #tpu.memory_space<vmem>>
      %dma_start3A_171 = arith.constant 0 : i32
      %dma_start3A_172 = tpu.memref_slice %arg9[%dma_start3A_171] : memref<10240xf32, #tpu.memory_space<vmem_shared>> -> memref<10240xf32, #tpu.memory_space<vmem_shared>>
      tpu.enqueue_indirect_dma source(%arg8 : memref<80xf32, #tpu.memory_space<vmem>>) target(%dma_start3A_172 : memref<10240xf32, #tpu.memory_space<vmem_shared>>) offsets(%dma_start3A_170 : memref<80xi32, #tpu.memory_space<vmem>>) semaphore(%arg11 : memref<!tpu.dma_semaphore, #tpu.memory_space<semaphore_mem>>) {add = true}
    }
    %scan3A_73 = arith.constant 25 : i32
    %scan3A_74 = arith.constant 0 : i32
    %scan3A_75 = arith.constant 0 : i32
    %scan3A_76 = arith.constant 25 : i32
    %scan3A_77 = arith.addi %scan3A_75, %scan3A_76 : i32
    %scan3A_78 = arith.constant 1 : i32
    scf.for %scan3A_168 = %scan3A_75 to %scan3A_77 step %scan3A_78  : i32 {
      %dma_wait3A = arith.constant 0 : i32
      %dma_wait3A_169 = arith.constant 0 : i32
      %dma_wait3A_170 = tpu.memref_slice %arg6[%dma_wait3A, %dma_wait3A_169] : memref<25x80xi32, #tpu.memory_space<vmem>> -> memref<1x80xi32, #tpu.memory_space<vmem>>
      %dma_wait3A_171 = tpu.memref_squeeze %dma_wait3A_170 : memref<1x80xi32, #tpu.memory_space<vmem>> -> memref<80xi32, #tpu.memory_space<vmem>>
      %dma_wait3A_172 = arith.constant 0 : i32
      %dma_wait3A_173 = tpu.memref_slice %arg9[%dma_wait3A_172] : memref<10240xf32, #tpu.memory_space<vmem_shared>> -> memref<10240xf32, #tpu.memory_space<vmem_shared>>
      tpu.wait_indirect_dma semaphore(%arg11 : memref<!tpu.dma_semaphore, #tpu.memory_space<semaphore_mem>>) src(%arg8 : memref<80xf32, #tpu.memory_space<vmem>>) dst(%dma_wait3A_173 : memref<10240xf32, #tpu.memory_space<vmem_shared>>)
    }
    %scan3A_79 = arith.constant 25 : i32
    %run_scoped3A_80 = arith.constant 1 : i32
    %run_scoped3A_81 = arith.constant 1 : i32
    %run_scoped3A_82 = arith.constant 0 : i32
    "tpu.region"() ({
      %run_scoped3A_168 = tpu.sem_alloc : memref<!tpu.dma_semaphore, #tpu.memory_space<semaphore_mem>>
      %dma_start3A = arith.constant 0 : i32
      %dma_start3A_169 = arith.constant 0 : i32
      %dma_start3A_170 = tpu.memref_slice %arg2[%run_scoped3A_80, %run_scoped3A_81, %add3A, %run_scoped3A_82, %dma_start3A, %dma_start3A_169] : memref<2x2x32x5x25x80xi32, #tpu.memory_space<hbm>> -> memref<1x1x1x1x25x80xi32, #tpu.memory_space<hbm>>
      %dma_start3A_171 = tpu.memref_squeeze %dma_start3A_170 : memref<1x1x1x1x25x80xi32, #tpu.memory_space<hbm>> -> memref<25x80xi32, #tpu.memory_space<hbm>>
      %dma_start3A_172 = arith.constant 0 : i32
      %dma_start3A_173 = arith.constant 0 : i32
      %dma_start3A_174 = tpu.memref_slice %arg2[%run_scoped3A_80, %run_scoped3A_81, %add3A, %run_scoped3A_82, %dma_start3A_172, %dma_start3A_173] : memref<2x2x32x5x25x80xi32, #tpu.memory_space<hbm>> -> memref<1x1x1x1x25x80xi32, #tpu.memory_space<hbm>>
      %dma_start3A_175 = tpu.memref_squeeze %dma_start3A_174 : memref<1x1x1x1x25x80xi32, #tpu.memory_space<hbm>> -> memref<25x80xi32, #tpu.memory_space<hbm>>
      tpu.enqueue_dma source(%dma_start3A_175 : memref<25x80xi32, #tpu.memory_space<hbm>>) target(%arg7 : memref<25x80xi32, #tpu.memory_space<vmem>>) target_semaphore(%run_scoped3A_168 : memref<!tpu.dma_semaphore, #tpu.memory_space<semaphore_mem>>)
      %dma_wait3A = arith.constant 0 : i32
      %dma_wait3A_176 = arith.constant 0 : i32
      %dma_wait3A_177 = tpu.memref_slice %arg2[%run_scoped3A_80, %run_scoped3A_81, %add3A, %run_scoped3A_82, %dma_wait3A, %dma_wait3A_176] : memref<2x2x32x5x25x80xi32, #tpu.memory_space<hbm>> -> memref<1x1x1x1x25x80xi32, #tpu.memory_space<hbm>>
      %dma_wait3A_178 = tpu.memref_squeeze %dma_wait3A_177 : memref<1x1x1x1x25x80xi32, #tpu.memory_space<hbm>> -> memref<25x80xi32, #tpu.memory_space<hbm>>
      %dma_wait3A_179 = arith.constant 0 : i32
      %dma_wait3A_180 = arith.constant 0 : i32
      %dma_wait3A_181 = tpu.memref_slice %arg2[%run_scoped3A_80, %run_scoped3A_81, %add3A, %run_scoped3A_82, %dma_wait3A_179, %dma_wait3A_180] : memref<2x2x32x5x25x80xi32, #tpu.memory_space<hbm>> -> memref<1x1x1x1x25x80xi32, #tpu.memory_space<hbm>>
      %dma_wait3A_182 = tpu.memref_squeeze %dma_wait3A_181 : memref<1x1x1x1x25x80xi32, #tpu.memory_space<hbm>> -> memref<25x80xi32, #tpu.memory_space<hbm>>
      tpu.wait_dma2 semaphore(%run_scoped3A_168 : memref<!tpu.dma_semaphore, #tpu.memory_space<semaphore_mem>>) src(%dma_wait3A_182 : memref<25x80xi32, #tpu.memory_space<hbm>>) dst(%arg7 : memref<25x80xi32, #tpu.memory_space<vmem>>)
      tpu.yield
    }) : () -> ()
    %scan3A_83 = arith.constant 0 : i32
    %scan3A_84 = arith.constant 0 : i32
    %scan3A_85 = arith.constant 25 : i32
    %scan3A_86 = arith.addi %scan3A_84, %scan3A_85 : i32
    %scan3A_87 = arith.constant 1 : i32
    scf.for %scan3A_168 = %scan3A_84 to %scan3A_86 step %scan3A_87  : i32 {
      %dma_start3A = arith.constant 0 : i32
      %dma_start3A_169 = tpu.memref_slice %arg7[%scan3A_168, %dma_start3A] : memref<25x80xi32, #tpu.memory_space<vmem>> -> memref<1x80xi32, #tpu.memory_space<vmem>>
      %dma_start3A_170 = tpu.memref_squeeze %dma_start3A_169 : memref<1x80xi32, #tpu.memory_space<vmem>> -> memref<80xi32, #tpu.memory_space<vmem>>
      %dma_start3A_171 = arith.constant 0 : i32
      %dma_start3A_172 = tpu.memref_slice %arg10[%dma_start3A_171] : memref<10240xf32, #tpu.memory_space<vmem_shared>> -> memref<10240xf32, #tpu.memory_space<vmem_shared>>
      tpu.enqueue_indirect_dma source(%arg8 : memref<80xf32, #tpu.memory_space<vmem>>) target(%dma_start3A_172 : memref<10240xf32, #tpu.memory_space<vmem_shared>>) offsets(%dma_start3A_170 : memref<80xi32, #tpu.memory_space<vmem>>) semaphore(%arg11 : memref<!tpu.dma_semaphore, #tpu.memory_space<semaphore_mem>>) {add = true}
    }
    %scan3A_88 = arith.constant 25 : i32
    %scan3A_89 = arith.constant 0 : i32
    %scan3A_90 = arith.constant 0 : i32
    %scan3A_91 = arith.constant 25 : i32
    %scan3A_92 = arith.addi %scan3A_90, %scan3A_91 : i32
    %scan3A_93 = arith.constant 1 : i32
    scf.for %scan3A_168 = %scan3A_90 to %scan3A_92 step %scan3A_93  : i32 {
      %dma_wait3A = arith.constant 0 : i32
      %dma_wait3A_169 = arith.constant 0 : i32
      %dma_wait3A_170 = tpu.memref_slice %arg6[%dma_wait3A, %dma_wait3A_169] : memref<25x80xi32, #tpu.memory_space<vmem>> -> memref<1x80xi32, #tpu.memory_space<vmem>>
      %dma_wait3A_171 = tpu.memref_squeeze %dma_wait3A_170 : memref<1x80xi32, #tpu.memory_space<vmem>> -> memref<80xi32, #tpu.memory_space<vmem>>
      %dma_wait3A_172 = arith.constant 0 : i32
      %dma_wait3A_173 = tpu.memref_slice %arg9[%dma_wait3A_172] : memref<10240xf32, #tpu.memory_space<vmem_shared>> -> memref<10240xf32, #tpu.memory_space<vmem_shared>>
      tpu.wait_indirect_dma semaphore(%arg11 : memref<!tpu.dma_semaphore, #tpu.memory_space<semaphore_mem>>) src(%arg8 : memref<80xf32, #tpu.memory_space<vmem>>) dst(%dma_wait3A_173 : memref<10240xf32, #tpu.memory_space<vmem_shared>>)
    }
    %scan3A_94 = arith.constant 25 : i32
    %run_scoped3A_95 = arith.constant 1 : i32
    %run_scoped3A_96 = arith.constant 1 : i32
    %run_scoped3A_97 = arith.constant 1 : i32
    "tpu.region"() ({
      %run_scoped3A_168 = tpu.sem_alloc : memref<!tpu.dma_semaphore, #tpu.memory_space<semaphore_mem>>
      %dma_start3A = arith.constant 0 : i32
      %dma_start3A_169 = arith.constant 0 : i32
      %dma_start3A_170 = tpu.memref_slice %arg2[%run_scoped3A_95, %run_scoped3A_96, %add3A, %run_scoped3A_97, %dma_start3A, %dma_start3A_169] : memref<2x2x32x5x25x80xi32, #tpu.memory_space<hbm>> -> memref<1x1x1x1x25x80xi32, #tpu.memory_space<hbm>>
      %dma_start3A_171 = tpu.memref_squeeze %dma_start3A_170 : memref<1x1x1x1x25x80xi32, #tpu.memory_space<hbm>> -> memref<25x80xi32, #tpu.memory_space<hbm>>
      %dma_start3A_172 = arith.constant 0 : i32
      %dma_start3A_173 = arith.constant 0 : i32
      %dma_start3A_174 = tpu.memref_slice %arg2[%run_scoped3A_95, %run_scoped3A_96, %add3A, %run_scoped3A_97, %dma_start3A_172, %dma_start3A_173] : memref<2x2x32x5x25x80xi32, #tpu.memory_space<hbm>> -> memref<1x1x1x1x25x80xi32, #tpu.memory_space<hbm>>
      %dma_start3A_175 = tpu.memref_squeeze %dma_start3A_174 : memref<1x1x1x1x25x80xi32, #tpu.memory_space<hbm>> -> memref<25x80xi32, #tpu.memory_space<hbm>>
      tpu.enqueue_dma source(%dma_start3A_175 : memref<25x80xi32, #tpu.memory_space<hbm>>) target(%arg6 : memref<25x80xi32, #tpu.memory_space<vmem>>) target_semaphore(%run_scoped3A_168 : memref<!tpu.dma_semaphore, #tpu.memory_space<semaphore_mem>>)
      %dma_wait3A = arith.constant 0 : i32
      %dma_wait3A_176 = arith.constant 0 : i32
      %dma_wait3A_177 = tpu.memref_slice %arg2[%run_scoped3A_95, %run_scoped3A_96, %add3A, %run_scoped3A_97, %dma_wait3A, %dma_wait3A_176] : memref<2x2x32x5x25x80xi32, #tpu.memory_space<hbm>> -> memref<1x1x1x1x25x80xi32, #tpu.memory_space<hbm>>
      %dma_wait3A_178 = tpu.memref_squeeze %dma_wait3A_177 : memref<1x1x1x1x25x80xi32, #tpu.memory_space<hbm>> -> memref<25x80xi32, #tpu.memory_space<hbm>>
      %dma_wait3A_179 = arith.constant 0 : i32
      %dma_wait3A_180 = arith.constant 0 : i32
      %dma_wait3A_181 = tpu.memref_slice %arg2[%run_scoped3A_95, %run_scoped3A_96, %add3A, %run_scoped3A_97, %dma_wait3A_179, %dma_wait3A_180] : memref<2x2x32x5x25x80xi32, #tpu.memory_space<hbm>> -> memref<1x1x1x1x25x80xi32, #tpu.memory_space<hbm>>
      %dma_wait3A_182 = tpu.memref_squeeze %dma_wait3A_181 : memref<1x1x1x1x25x80xi32, #tpu.memory_space<hbm>> -> memref<25x80xi32, #tpu.memory_space<hbm>>
      tpu.wait_dma2 semaphore(%run_scoped3A_168 : memref<!tpu.dma_semaphore, #tpu.memory_space<semaphore_mem>>) src(%dma_wait3A_182 : memref<25x80xi32, #tpu.memory_space<hbm>>) dst(%arg6 : memref<25x80xi32, #tpu.memory_space<vmem>>)
      tpu.yield
    }) : () -> ()
    %scan3A_98 = arith.constant 0 : i32
    %scan3A_99 = arith.constant 0 : i32
    %scan3A_100 = arith.constant 25 : i32
    %scan3A_101 = arith.addi %scan3A_99, %scan3A_100 : i32
    %scan3A_102 = arith.constant 1 : i32
    scf.for %scan3A_168 = %scan3A_99 to %scan3A_101 step %scan3A_102  : i32 {
      %dma_start3A = arith.constant 0 : i32
      %dma_start3A_169 = tpu.memref_slice %arg6[%scan3A_168, %dma_start3A] : memref<25x80xi32, #tpu.memory_space<vmem>> -> memref<1x80xi32, #tpu.memory_space<vmem>>
      %dma_start3A_170 = tpu.memref_squeeze %dma_start3A_169 : memref<1x80xi32, #tpu.memory_space<vmem>> -> memref<80xi32, #tpu.memory_space<vmem>>
      %dma_start3A_171 = arith.constant 0 : i32
      %dma_start3A_172 = tpu.memref_slice %arg10[%dma_start3A_171] : memref<10240xf32, #tpu.memory_space<vmem_shared>> -> memref<10240xf32, #tpu.memory_space<vmem_shared>>
      tpu.enqueue_indirect_dma source(%arg8 : memref<80xf32, #tpu.memory_space<vmem>>) target(%dma_start3A_172 : memref<10240xf32, #tpu.memory_space<vmem_shared>>) offsets(%dma_start3A_170 : memref<80xi32, #tpu.memory_space<vmem>>) semaphore(%arg11 : memref<!tpu.dma_semaphore, #tpu.memory_space<semaphore_mem>>) {add = true}
    }
    %scan3A_103 = arith.constant 25 : i32
    %scan3A_104 = arith.constant 0 : i32
    %scan3A_105 = arith.constant 0 : i32
    %scan3A_106 = arith.constant 25 : i32
    %scan3A_107 = arith.addi %scan3A_105, %scan3A_106 : i32
    %scan3A_108 = arith.constant 1 : i32
    scf.for %scan3A_168 = %scan3A_105 to %scan3A_107 step %scan3A_108  : i32 {
      %dma_wait3A = arith.constant 0 : i32
      %dma_wait3A_169 = arith.constant 0 : i32
      %dma_wait3A_170 = tpu.memref_slice %arg6[%dma_wait3A, %dma_wait3A_169] : memref<25x80xi32, #tpu.memory_space<vmem>> -> memref<1x80xi32, #tpu.memory_space<vmem>>
      %dma_wait3A_171 = tpu.memref_squeeze %dma_wait3A_170 : memref<1x80xi32, #tpu.memory_space<vmem>> -> memref<80xi32, #tpu.memory_space<vmem>>
      %dma_wait3A_172 = arith.constant 0 : i32
      %dma_wait3A_173 = tpu.memref_slice %arg9[%dma_wait3A_172] : memref<10240xf32, #tpu.memory_space<vmem_shared>> -> memref<10240xf32, #tpu.memory_space<vmem_shared>>
      tpu.wait_indirect_dma semaphore(%arg11 : memref<!tpu.dma_semaphore, #tpu.memory_space<semaphore_mem>>) src(%arg8 : memref<80xf32, #tpu.memory_space<vmem>>) dst(%dma_wait3A_173 : memref<10240xf32, #tpu.memory_space<vmem_shared>>)
    }
    %scan3A_109 = arith.constant 25 : i32
    %run_scoped3A_110 = arith.constant 1 : i32
    %run_scoped3A_111 = arith.constant 1 : i32
    %run_scoped3A_112 = arith.constant 2 : i32
    "tpu.region"() ({
      %run_scoped3A_168 = tpu.sem_alloc : memref<!tpu.dma_semaphore, #tpu.memory_space<semaphore_mem>>
      %dma_start3A = arith.constant 0 : i32
      %dma_start3A_169 = arith.constant 0 : i32
      %dma_start3A_170 = tpu.memref_slice %arg2[%run_scoped3A_110, %run_scoped3A_111, %add3A, %run_scoped3A_112, %dma_start3A, %dma_start3A_169] : memref<2x2x32x5x25x80xi32, #tpu.memory_space<hbm>> -> memref<1x1x1x1x25x80xi32, #tpu.memory_space<hbm>>
      %dma_start3A_171 = tpu.memref_squeeze %dma_start3A_170 : memref<1x1x1x1x25x80xi32, #tpu.memory_space<hbm>> -> memref<25x80xi32, #tpu.memory_space<hbm>>
      %dma_start3A_172 = arith.constant 0 : i32
      %dma_start3A_173 = arith.constant 0 : i32
      %dma_start3A_174 = tpu.memref_slice %arg2[%run_scoped3A_110, %run_scoped3A_111, %add3A, %run_scoped3A_112, %dma_start3A_172, %dma_start3A_173] : memref<2x2x32x5x25x80xi32, #tpu.memory_space<hbm>> -> memref<1x1x1x1x25x80xi32, #tpu.memory_space<hbm>>
      %dma_start3A_175 = tpu.memref_squeeze %dma_start3A_174 : memref<1x1x1x1x25x80xi32, #tpu.memory_space<hbm>> -> memref<25x80xi32, #tpu.memory_space<hbm>>
      tpu.enqueue_dma source(%dma_start3A_175 : memref<25x80xi32, #tpu.memory_space<hbm>>) target(%arg7 : memref<25x80xi32, #tpu.memory_space<vmem>>) target_semaphore(%run_scoped3A_168 : memref<!tpu.dma_semaphore, #tpu.memory_space<semaphore_mem>>)
      %dma_wait3A = arith.constant 0 : i32
      %dma_wait3A_176 = arith.constant 0 : i32
      %dma_wait3A_177 = tpu.memref_slice %arg2[%run_scoped3A_110, %run_scoped3A_111, %add3A, %run_scoped3A_112, %dma_wait3A, %dma_wait3A_176] : memref<2x2x32x5x25x80xi32, #tpu.memory_space<hbm>> -> memref<1x1x1x1x25x80xi32, #tpu.memory_space<hbm>>
      %dma_wait3A_178 = tpu.memref_squeeze %dma_wait3A_177 : memref<1x1x1x1x25x80xi32, #tpu.memory_space<hbm>> -> memref<25x80xi32, #tpu.memory_space<hbm>>
      %dma_wait3A_179 = arith.constant 0 : i32
      %dma_wait3A_180 = arith.constant 0 : i32
      %dma_wait3A_181 = tpu.memref_slice %arg2[%run_scoped3A_110, %run_scoped3A_111, %add3A, %run_scoped3A_112, %dma_wait3A_179, %dma_wait3A_180] : memref<2x2x32x5x25x80xi32, #tpu.memory_space<hbm>> -> memref<1x1x1x1x25x80xi32, #tpu.memory_space<hbm>>
      %dma_wait3A_182 = tpu.memref_squeeze %dma_wait3A_181 : memref<1x1x1x1x25x80xi32, #tpu.memory_space<hbm>> -> memref<25x80xi32, #tpu.memory_space<hbm>>
      tpu.wait_dma2 semaphore(%run_scoped3A_168 : memref<!tpu.dma_semaphore, #tpu.memory_space<semaphore_mem>>) src(%dma_wait3A_182 : memref<25x80xi32, #tpu.memory_space<hbm>>) dst(%arg7 : memref<25x80xi32, #tpu.memory_space<vmem>>)
      tpu.yield
    }) : () -> ()
    %scan3A_113 = arith.constant 0 : i32
    %scan3A_114 = arith.constant 0 : i32
    %scan3A_115 = arith.constant 25 : i32
    %scan3A_116 = arith.addi %scan3A_114, %scan3A_115 : i32
    %scan3A_117 = arith.constant 1 : i32
    scf.for %scan3A_168 = %scan3A_114 to %scan3A_116 step %scan3A_117  : i32 {
      %dma_start3A = arith.constant 0 : i32
      %dma_start3A_169 = tpu.memref_slice %arg7[%scan3A_168, %dma_start3A] : memref<25x80xi32, #tpu.memory_space<vmem>> -> memref<1x80xi32, #tpu.memory_space<vmem>>
      %dma_start3A_170 = tpu.memref_squeeze %dma_start3A_169 : memref<1x80xi32, #tpu.memory_space<vmem>> -> memref<80xi32, #tpu.memory_space<vmem>>
      %dma_start3A_171 = arith.constant 0 : i32
      %dma_start3A_172 = tpu.memref_slice %arg10[%dma_start3A_171] : memref<10240xf32, #tpu.memory_space<vmem_shared>> -> memref<10240xf32, #tpu.memory_space<vmem_shared>>
      tpu.enqueue_indirect_dma source(%arg8 : memref<80xf32, #tpu.memory_space<vmem>>) target(%dma_start3A_172 : memref<10240xf32, #tpu.memory_space<vmem_shared>>) offsets(%dma_start3A_170 : memref<80xi32, #tpu.memory_space<vmem>>) semaphore(%arg11 : memref<!tpu.dma_semaphore, #tpu.memory_space<semaphore_mem>>) {add = true}
    }
    %scan3A_118 = arith.constant 25 : i32
    %scan3A_119 = arith.constant 0 : i32
    %scan3A_120 = arith.constant 0 : i32
    %scan3A_121 = arith.constant 25 : i32
    %scan3A_122 = arith.addi %scan3A_120, %scan3A_121 : i32
    %scan3A_123 = arith.constant 1 : i32
    scf.for %scan3A_168 = %scan3A_120 to %scan3A_122 step %scan3A_123  : i32 {
      %dma_wait3A = arith.constant 0 : i32
      %dma_wait3A_169 = arith.constant 0 : i32
      %dma_wait3A_170 = tpu.memref_slice %arg6[%dma_wait3A, %dma_wait3A_169] : memref<25x80xi32, #tpu.memory_space<vmem>> -> memref<1x80xi32, #tpu.memory_space<vmem>>
      %dma_wait3A_171 = tpu.memref_squeeze %dma_wait3A_170 : memref<1x80xi32, #tpu.memory_space<vmem>> -> memref<80xi32, #tpu.memory_space<vmem>>
      %dma_wait3A_172 = arith.constant 0 : i32
      %dma_wait3A_173 = tpu.memref_slice %arg9[%dma_wait3A_172] : memref<10240xf32, #tpu.memory_space<vmem_shared>> -> memref<10240xf32, #tpu.memory_space<vmem_shared>>
      tpu.wait_indirect_dma semaphore(%arg11 : memref<!tpu.dma_semaphore, #tpu.memory_space<semaphore_mem>>) src(%arg8 : memref<80xf32, #tpu.memory_space<vmem>>) dst(%dma_wait3A_173 : memref<10240xf32, #tpu.memory_space<vmem_shared>>)
    }
    %scan3A_124 = arith.constant 25 : i32
    %run_scoped3A_125 = arith.constant 1 : i32
    %run_scoped3A_126 = arith.constant 1 : i32
    %run_scoped3A_127 = arith.constant 3 : i32
    "tpu.region"() ({
      %run_scoped3A_168 = tpu.sem_alloc : memref<!tpu.dma_semaphore, #tpu.memory_space<semaphore_mem>>
      %dma_start3A = arith.constant 0 : i32
      %dma_start3A_169 = arith.constant 0 : i32
      %dma_start3A_170 = tpu.memref_slice %arg2[%run_scoped3A_125, %run_scoped3A_126, %add3A, %run_scoped3A_127, %dma_start3A, %dma_start3A_169] : memref<2x2x32x5x25x80xi32, #tpu.memory_space<hbm>> -> memref<1x1x1x1x25x80xi32, #tpu.memory_space<hbm>>
      %dma_start3A_171 = tpu.memref_squeeze %dma_start3A_170 : memref<1x1x1x1x25x80xi32, #tpu.memory_space<hbm>> -> memref<25x80xi32, #tpu.memory_space<hbm>>
      %dma_start3A_172 = arith.constant 0 : i32
      %dma_start3A_173 = arith.constant 0 : i32
      %dma_start3A_174 = tpu.memref_slice %arg2[%run_scoped3A_125, %run_scoped3A_126, %add3A, %run_scoped3A_127, %dma_start3A_172, %dma_start3A_173] : memref<2x2x32x5x25x80xi32, #tpu.memory_space<hbm>> -> memref<1x1x1x1x25x80xi32, #tpu.memory_space<hbm>>
      %dma_start3A_175 = tpu.memref_squeeze %dma_start3A_174 : memref<1x1x1x1x25x80xi32, #tpu.memory_space<hbm>> -> memref<25x80xi32, #tpu.memory_space<hbm>>
      tpu.enqueue_dma source(%dma_start3A_175 : memref<25x80xi32, #tpu.memory_space<hbm>>) target(%arg6 : memref<25x80xi32, #tpu.memory_space<vmem>>) target_semaphore(%run_scoped3A_168 : memref<!tpu.dma_semaphore, #tpu.memory_space<semaphore_mem>>)
      %dma_wait3A = arith.constant 0 : i32
      %dma_wait3A_176 = arith.constant 0 : i32
      %dma_wait3A_177 = tpu.memref_slice %arg2[%run_scoped3A_125, %run_scoped3A_126, %add3A, %run_scoped3A_127, %dma_wait3A, %dma_wait3A_176] : memref<2x2x32x5x25x80xi32, #tpu.memory_space<hbm>> -> memref<1x1x1x1x25x80xi32, #tpu.memory_space<hbm>>
      %dma_wait3A_178 = tpu.memref_squeeze %dma_wait3A_177 : memref<1x1x1x1x25x80xi32, #tpu.memory_space<hbm>> -> memref<25x80xi32, #tpu.memory_space<hbm>>
      %dma_wait3A_179 = arith.constant 0 : i32
      %dma_wait3A_180 = arith.constant 0 : i32
      %dma_wait3A_181 = tpu.memref_slice %arg2[%run_scoped3A_125, %run_scoped3A_126, %add3A, %run_scoped3A_127, %dma_wait3A_179, %dma_wait3A_180] : memref<2x2x32x5x25x80xi32, #tpu.memory_space<hbm>> -> memref<1x1x1x1x25x80xi32, #tpu.memory_space<hbm>>
      %dma_wait3A_182 = tpu.memref_squeeze %dma_wait3A_181 : memref<1x1x1x1x25x80xi32, #tpu.memory_space<hbm>> -> memref<25x80xi32, #tpu.memory_space<hbm>>
      tpu.wait_dma2 semaphore(%run_scoped3A_168 : memref<!tpu.dma_semaphore, #tpu.memory_space<semaphore_mem>>) src(%dma_wait3A_182 : memref<25x80xi32, #tpu.memory_space<hbm>>) dst(%arg6 : memref<25x80xi32, #tpu.memory_space<vmem>>)
      tpu.yield
    }) : () -> ()
    %scan3A_128 = arith.constant 0 : i32
    %scan3A_129 = arith.constant 0 : i32
    %scan3A_130 = arith.constant 25 : i32
    %scan3A_131 = arith.addi %scan3A_129, %scan3A_130 : i32
    %scan3A_132 = arith.constant 1 : i32
    scf.for %scan3A_168 = %scan3A_129 to %scan3A_131 step %scan3A_132  : i32 {
      %dma_start3A = arith.constant 0 : i32
      %dma_start3A_169 = tpu.memref_slice %arg6[%scan3A_168, %dma_start3A] : memref<25x80xi32, #tpu.memory_space<vmem>> -> memref<1x80xi32, #tpu.memory_space<vmem>>
      %dma_start3A_170 = tpu.memref_squeeze %dma_start3A_169 : memref<1x80xi32, #tpu.memory_space<vmem>> -> memref<80xi32, #tpu.memory_space<vmem>>
      %dma_start3A_171 = arith.constant 0 : i32
      %dma_start3A_172 = tpu.memref_slice %arg10[%dma_start3A_171] : memref<10240xf32, #tpu.memory_space<vmem_shared>> -> memref<10240xf32, #tpu.memory_space<vmem_shared>>
      tpu.enqueue_indirect_dma source(%arg8 : memref<80xf32, #tpu.memory_space<vmem>>) target(%dma_start3A_172 : memref<10240xf32, #tpu.memory_space<vmem_shared>>) offsets(%dma_start3A_170 : memref<80xi32, #tpu.memory_space<vmem>>) semaphore(%arg11 : memref<!tpu.dma_semaphore, #tpu.memory_space<semaphore_mem>>) {add = true}
    }
    %scan3A_133 = arith.constant 25 : i32
    %scan3A_134 = arith.constant 0 : i32
    %scan3A_135 = arith.constant 0 : i32
    %scan3A_136 = arith.constant 25 : i32
    %scan3A_137 = arith.addi %scan3A_135, %scan3A_136 : i32
    %scan3A_138 = arith.constant 1 : i32
    scf.for %scan3A_168 = %scan3A_135 to %scan3A_137 step %scan3A_138  : i32 {
      %dma_wait3A = arith.constant 0 : i32
      %dma_wait3A_169 = arith.constant 0 : i32
      %dma_wait3A_170 = tpu.memref_slice %arg6[%dma_wait3A, %dma_wait3A_169] : memref<25x80xi32, #tpu.memory_space<vmem>> -> memref<1x80xi32, #tpu.memory_space<vmem>>
      %dma_wait3A_171 = tpu.memref_squeeze %dma_wait3A_170 : memref<1x80xi32, #tpu.memory_space<vmem>> -> memref<80xi32, #tpu.memory_space<vmem>>
      %dma_wait3A_172 = arith.constant 0 : i32
      %dma_wait3A_173 = tpu.memref_slice %arg9[%dma_wait3A_172] : memref<10240xf32, #tpu.memory_space<vmem_shared>> -> memref<10240xf32, #tpu.memory_space<vmem_shared>>
      tpu.wait_indirect_dma semaphore(%arg11 : memref<!tpu.dma_semaphore, #tpu.memory_space<semaphore_mem>>) src(%arg8 : memref<80xf32, #tpu.memory_space<vmem>>) dst(%dma_wait3A_173 : memref<10240xf32, #tpu.memory_space<vmem_shared>>)
    }
    %scan3A_139 = arith.constant 25 : i32
    %run_scoped3A_140 = arith.constant 1 : i32
    %run_scoped3A_141 = arith.constant 1 : i32
    %run_scoped3A_142 = arith.constant 4 : i32
    "tpu.region"() ({
      %run_scoped3A_168 = tpu.sem_alloc : memref<!tpu.dma_semaphore, #tpu.memory_space<semaphore_mem>>
      %dma_start3A = arith.constant 0 : i32
      %dma_start3A_169 = arith.constant 0 : i32
      %dma_start3A_170 = tpu.memref_slice %arg2[%run_scoped3A_140, %run_scoped3A_141, %add3A, %run_scoped3A_142, %dma_start3A, %dma_start3A_169] : memref<2x2x32x5x25x80xi32, #tpu.memory_space<hbm>> -> memref<1x1x1x1x25x80xi32, #tpu.memory_space<hbm>>
      %dma_start3A_171 = tpu.memref_squeeze %dma_start3A_170 : memref<1x1x1x1x25x80xi32, #tpu.memory_space<hbm>> -> memref<25x80xi32, #tpu.memory_space<hbm>>
      %dma_start3A_172 = arith.constant 0 : i32
      %dma_start3A_173 = arith.constant 0 : i32
      %dma_start3A_174 = tpu.memref_slice %arg2[%run_scoped3A_140, %run_scoped3A_141, %add3A, %run_scoped3A_142, %dma_start3A_172, %dma_start3A_173] : memref<2x2x32x5x25x80xi32, #tpu.memory_space<hbm>> -> memref<1x1x1x1x25x80xi32, #tpu.memory_space<hbm>>
      %dma_start3A_175 = tpu.memref_squeeze %dma_start3A_174 : memref<1x1x1x1x25x80xi32, #tpu.memory_space<hbm>> -> memref<25x80xi32, #tpu.memory_space<hbm>>
      tpu.enqueue_dma source(%dma_start3A_175 : memref<25x80xi32, #tpu.memory_space<hbm>>) target(%arg7 : memref<25x80xi32, #tpu.memory_space<vmem>>) target_semaphore(%run_scoped3A_168 : memref<!tpu.dma_semaphore, #tpu.memory_space<semaphore_mem>>)
      %dma_wait3A = arith.constant 0 : i32
      %dma_wait3A_176 = arith.constant 0 : i32
      %dma_wait3A_177 = tpu.memref_slice %arg2[%run_scoped3A_140, %run_scoped3A_141, %add3A, %run_scoped3A_142, %dma_wait3A, %dma_wait3A_176] : memref<2x2x32x5x25x80xi32, #tpu.memory_space<hbm>> -> memref<1x1x1x1x25x80xi32, #tpu.memory_space<hbm>>
      %dma_wait3A_178 = tpu.memref_squeeze %dma_wait3A_177 : memref<1x1x1x1x25x80xi32, #tpu.memory_space<hbm>> -> memref<25x80xi32, #tpu.memory_space<hbm>>
      %dma_wait3A_179 = arith.constant 0 : i32
      %dma_wait3A_180 = arith.constant 0 : i32
      %dma_wait3A_181 = tpu.memref_slice %arg2[%run_scoped3A_140, %run_scoped3A_141, %add3A, %run_scoped3A_142, %dma_wait3A_179, %dma_wait3A_180] : memref<2x2x32x5x25x80xi32, #tpu.memory_space<hbm>> -> memref<1x1x1x1x25x80xi32, #tpu.memory_space<hbm>>
      %dma_wait3A_182 = tpu.memref_squeeze %dma_wait3A_181 : memref<1x1x1x1x25x80xi32, #tpu.memory_space<hbm>> -> memref<25x80xi32, #tpu.memory_space<hbm>>
      tpu.wait_dma2 semaphore(%run_scoped3A_168 : memref<!tpu.dma_semaphore, #tpu.memory_space<semaphore_mem>>) src(%dma_wait3A_182 : memref<25x80xi32, #tpu.memory_space<hbm>>) dst(%arg7 : memref<25x80xi32, #tpu.memory_space<vmem>>)
      tpu.yield
    }) : () -> ()
    %scan3A_143 = arith.constant 0 : i32
    %scan3A_144 = arith.constant 0 : i32
    %scan3A_145 = arith.constant 25 : i32
    %scan3A_146 = arith.addi %scan3A_144, %scan3A_145 : i32
    %scan3A_147 = arith.constant 1 : i32
    scf.for %scan3A_168 = %scan3A_144 to %scan3A_146 step %scan3A_147  : i32 {
      %dma_start3A = arith.constant 0 : i32
      %dma_start3A_169 = tpu.memref_slice %arg7[%scan3A_168, %dma_start3A] : memref<25x80xi32, #tpu.memory_space<vmem>> -> memref<1x80xi32, #tpu.memory_space<vmem>>
      %dma_start3A_170 = tpu.memref_squeeze %dma_start3A_169 : memref<1x80xi32, #tpu.memory_space<vmem>> -> memref<80xi32, #tpu.memory_space<vmem>>
      %dma_start3A_171 = arith.constant 0 : i32
      %dma_start3A_172 = tpu.memref_slice %arg10[%dma_start3A_171] : memref<10240xf32, #tpu.memory_space<vmem_shared>> -> memref<10240xf32, #tpu.memory_space<vmem_shared>>
      tpu.enqueue_indirect_dma source(%arg8 : memref<80xf32, #tpu.memory_space<vmem>>) target(%dma_start3A_172 : memref<10240xf32, #tpu.memory_space<vmem_shared>>) offsets(%dma_start3A_170 : memref<80xi32, #tpu.memory_space<vmem>>) semaphore(%arg11 : memref<!tpu.dma_semaphore, #tpu.memory_space<semaphore_mem>>) {add = true}
    }
    %scan3A_148 = arith.constant 25 : i32
    %scan3A_149 = arith.constant 0 : i32
    %scan3A_150 = arith.constant 0 : i32
    %scan3A_151 = arith.constant 50 : i32
    %scan3A_152 = arith.addi %scan3A_150, %scan3A_151 : i32
    %scan3A_153 = arith.constant 1 : i32
    scf.for %scan3A_168 = %scan3A_150 to %scan3A_152 step %scan3A_153  : i32 {
      %dma_wait3A = arith.constant 0 : i32
      %dma_wait3A_169 = arith.constant 0 : i32
      %dma_wait3A_170 = tpu.memref_slice %arg6[%dma_wait3A, %dma_wait3A_169] : memref<25x80xi32, #tpu.memory_space<vmem>> -> memref<1x80xi32, #tpu.memory_space<vmem>>
      %dma_wait3A_171 = tpu.memref_squeeze %dma_wait3A_170 : memref<1x80xi32, #tpu.memory_space<vmem>> -> memref<80xi32, #tpu.memory_space<vmem>>
      %dma_wait3A_172 = arith.constant 0 : i32
      %dma_wait3A_173 = tpu.memref_slice %arg9[%dma_wait3A_172] : memref<10240xf32, #tpu.memory_space<vmem_shared>> -> memref<10240xf32, #tpu.memory_space<vmem_shared>>
      tpu.wait_indirect_dma semaphore(%arg11 : memref<!tpu.dma_semaphore, #tpu.memory_space<semaphore_mem>>) src(%arg8 : memref<80xf32, #tpu.memory_space<vmem>>) dst(%dma_wait3A_173 : memref<10240xf32, #tpu.memory_space<vmem_shared>>)
    }
    %scan3A_154 = arith.constant 50 : i32
    %barrier3A_155 = arith.constant 0 : index
    tpu.barrier barrier_id(%barrier3A_155)
    %mul3A_156 = arith.constant 640 : i32
    %mul3A_157 = arith.muli %arg1, %mul3A_156 : i32
    %mul3A_158 = arith.constant 640 : i32
    %mul3A_159 = arith.muli %arg1, %mul3A_158 : i32
    %run_scoped3A_160 = arith.constant 0 : i32
    %run_scoped3A_161 = arith.constant 0 : i32
    "tpu.region"() ({
      %run_scoped3A_168 = tpu.sem_alloc : memref<!tpu.dma_semaphore, #tpu.memory_space<semaphore_mem>>
      %dma_start3A = tpu.memref_slice %arg5[%arg0, %run_scoped3A_160, %run_scoped3A_161, %mul3A_159] : memref<2x2x1x10240xf32, #tpu.memory_space<hbm>> -> memref<1x1x1x640xf32, #tpu.memory_space<hbm>>
      %dma_start3A_169 = tpu.memref_squeeze %dma_start3A : memref<1x1x1x640xf32, #tpu.memory_space<hbm>> -> memref<640xf32, #tpu.memory_space<hbm>>
      %dma_start3A_170 = tpu.memref_slice %arg9[%mul3A_157] : memref<10240xf32, #tpu.memory_space<vmem_shared>> -> memref<640xf32, #tpu.memory_space<vmem_shared>>
      tpu.enqueue_dma source(%dma_start3A_170 : memref<640xf32, #tpu.memory_space<vmem_shared>>) target(%dma_start3A_169 : memref<640xf32, #tpu.memory_space<hbm>>) target_semaphore(%run_scoped3A_168 : memref<!tpu.dma_semaphore, #tpu.memory_space<semaphore_mem>>)
      %dma_wait3A = tpu.memref_slice %arg5[%arg0, %run_scoped3A_160, %run_scoped3A_161, %mul3A_159] : memref<2x2x1x10240xf32, #tpu.memory_space<hbm>> -> memref<1x1x1x640xf32, #tpu.memory_space<hbm>>
      %dma_wait3A_171 = tpu.memref_squeeze %dma_wait3A : memref<1x1x1x640xf32, #tpu.memory_space<hbm>> -> memref<640xf32, #tpu.memory_space<hbm>>
      %dma_wait3A_172 = tpu.memref_slice %arg9[%mul3A_157] : memref<10240xf32, #tpu.memory_space<vmem_shared>> -> memref<640xf32, #tpu.memory_space<vmem_shared>>
      tpu.wait_dma2 semaphore(%run_scoped3A_168 : memref<!tpu.dma_semaphore, #tpu.memory_space<semaphore_mem>>) src(%dma_wait3A_172 : memref<640xf32, #tpu.memory_space<vmem_shared>>) dst(%dma_wait3A_171 : memref<640xf32, #tpu.memory_space<hbm>>)
      tpu.yield
    }) : () -> ()
    %mul3A_162 = arith.constant 640 : i32
    %mul3A_163 = arith.muli %arg1, %mul3A_162 : i32
    %mul3A_164 = arith.constant 640 : i32
    %mul3A_165 = arith.muli %arg1, %mul3A_164 : i32
    %run_scoped3A_166 = arith.constant 1 : i32
    %run_scoped3A_167 = arith.constant 0 : i32
    "tpu.region"() ({
      %run_scoped3A_168 = tpu.sem_alloc : memref<!tpu.dma_semaphore, #tpu.memory_space<semaphore_mem>>
      %dma_start3A = tpu.memref_slice %arg5[%arg0, %run_scoped3A_166, %run_scoped3A_167, %mul3A_165] : memref<2x2x1x10240xf32, #tpu.memory_space<hbm>> -> memref<1x1x1x640xf32, #tpu.memory_space<hbm>>
      %dma_start3A_169 = tpu.memref_squeeze %dma_start3A : memref<1x1x1x640xf32, #tpu.memory_space<hbm>> -> memref<640xf32, #tpu.memory_space<hbm>>
      %dma_start3A_170 = tpu.memref_slice %arg10[%mul3A_163] : memref<10240xf32, #tpu.memory_space<vmem_shared>> -> memref<640xf32, #tpu.memory_space<vmem_shared>>
      tpu.enqueue_dma source(%dma_start3A_170 : memref<640xf32, #tpu.memory_space<vmem_shared>>) target(%dma_start3A_169 : memref<640xf32, #tpu.memory_space<hbm>>) target_semaphore(%run_scoped3A_168 : memref<!tpu.dma_semaphore, #tpu.memory_space<semaphore_mem>>)
      %dma_wait3A = tpu.memref_slice %arg5[%arg0, %run_scoped3A_166, %run_scoped3A_167, %mul3A_165] : memref<2x2x1x10240xf32, #tpu.memory_space<hbm>> -> memref<1x1x1x640xf32, #tpu.memory_space<hbm>>
      %dma_wait3A_171 = tpu.memref_squeeze %dma_wait3A : memref<1x1x1x640xf32, #tpu.memory_space<hbm>> -> memref<640xf32, #tpu.memory_space<hbm>>
      %dma_wait3A_172 = tpu.memref_slice %arg10[%mul3A_163] : memref<10240xf32, #tpu.memory_space<vmem_shared>> -> memref<640xf32, #tpu.memory_space<vmem_shared>>
      tpu.wait_dma2 semaphore(%run_scoped3A_168 : memref<!tpu.dma_semaphore, #tpu.memory_space<semaphore_mem>>) src(%dma_wait3A_172 : memref<640xf32, #tpu.memory_space<vmem_shared>>) dst(%dma_wait3A_171 : memref<640xf32, #tpu.memory_space<hbm>>)
      tpu.yield
    }) : () -> ()
    return
  }
}

module attributes {stable_mosaic.version = 14 : i64} {
  func.func @_tc_front_body(%arg0: memref<10000x128xf32, #tpu.memory_space<vmem>>, %arg1: memref<128x128xf32, #tpu.memory_space<vmem>>, %arg2: memref<2x2x10240xf32, #tpu.memory_space<vmem>>, %arg3: memref<10000x128xf32, #tpu.memory_space<vmem>>, %arg4: memref<10000x1xf32, #tpu.memory_space<vmem>>, %arg5: memref<10000x1xf32, #tpu.memory_space<vmem>>) attributes {dimension_semantics = [], scalar_prefetch = 0 : i64, scratch_operands = 0 : i64, tpu.core_type = #tpu.core_type<tc>} {
    %get3A = arith.constant 0 : index
    %get3A_0 = arith.constant 0 : index
    %get3A_1 = vector.load %arg0[%get3A, %get3A_0] : memref<10000x128xf32, #tpu.memory_space<vmem>>, vector<10000x128xf32>
    %reduce_sum3A = arith.constant dense<0.000000e+00> : vector<128xf32>
    %reduce_sum3A_2 = vector.multi_reduction <add>, %get3A_1, %reduce_sum3A [0] : vector<10000x128xf32> to vector<128xf32>
    %broadcast_in_dim3A = vector.shape_cast %reduce_sum3A_2 : vector<128xf32> to vector<1x128xf32>
    %div3A = arith.constant 1.000000e+04 : f32
    %div3A_3 = vector.broadcast %div3A : f32 to vector<1x128xf32>
    %div3A_4 = arith.divf %broadcast_in_dim3A, %div3A_3 : vector<1x128xf32>
    %sub3A = vector.broadcast %div3A_4 : vector<1x128xf32> to vector<10000x128xf32>
    %sub3A_5 = arith.subf %get3A_1, %sub3A : vector<10000x128xf32>
    %sub3A_6 = vector.broadcast %div3A_4 : vector<1x128xf32> to vector<10000x128xf32>
    %sub3A_7 = arith.subf %get3A_1, %sub3A_6 : vector<10000x128xf32>
    %mul3A = arith.mulf %sub3A_5, %sub3A_7 : vector<10000x128xf32>
    %reduce_sum3A_8 = arith.constant dense<0.000000e+00> : vector<128xf32>
    %reduce_sum3A_9 = vector.multi_reduction <add>, %mul3A, %reduce_sum3A_8 [0] : vector<10000x128xf32> to vector<128xf32>
    %broadcast_in_dim3A_10 = vector.shape_cast %reduce_sum3A_9 : vector<128xf32> to vector<1x128xf32>
    %div3A_11 = arith.constant 1.000000e+04 : f32
    %div3A_12 = vector.broadcast %div3A_11 : f32 to vector<1x128xf32>
    %div3A_13 = arith.divf %broadcast_in_dim3A_10, %div3A_12 : vector<1x128xf32>
    %sub3A_14 = vector.broadcast %div3A_4 : vector<1x128xf32> to vector<10000x128xf32>
    %sub3A_15 = arith.subf %get3A_1, %sub3A_14 : vector<10000x128xf32>
    %add3A = arith.constant 9.99999974E-6 : f32
    %add3A_16 = vector.broadcast %add3A : f32 to vector<1x128xf32>
    %add3A_17 = arith.addf %div3A_13, %add3A_16 : vector<1x128xf32>
    %rsqrt3A = math.rsqrt %add3A_17 : vector<1x128xf32>
    %mul3A_18 = vector.broadcast %rsqrt3A : vector<1x128xf32> to vector<10000x128xf32>
    %mul3A_19 = arith.mulf %sub3A_15, %mul3A_18 : vector<10000x128xf32>
    %get3A_20 = arith.constant 0 : index
    %get3A_21 = arith.constant 0 : index
    %get3A_22 = vector.load %arg1[%get3A_20, %get3A_21] : memref<128x128xf32, #tpu.memory_space<vmem>>, vector<128x128xf32>
    %dot_general3A = arith.constant dense<0.000000e+00> : vector<10000x128xf32>
    %dot_general3A_23 = tpu.matmul %mul3A_19, %get3A_22, %dot_general3A {dimension_numbers = #tpu.dot_dimension_numbers<[1], [0], [0], [1], [0, 0, 1, 1], [], []>, transpose_lhs_hint = false} : vector<10000x128xf32>, vector<128x128xf32>, vector<10000x128xf32> -> vector<10000x128xf32>
    %get3A_24 = arith.constant 0 : index
    %get3A_25 = arith.constant 0 : index
    %get3A_26 = arith.constant 0 : index
    %get3A_27 = vector.load %arg2[%get3A_24, %get3A_25, %get3A_26] : memref<2x2x10240xf32, #tpu.memory_space<vmem>>, vector<2x2x10240xf32>
    %slice3A = vector.extract_strided_slice %get3A_27 {offsets = [0, 0, 0], sizes = [1, 2, 10240], strides = [1, 1, 1]} : vector<2x2x10240xf32> to vector<1x2x10240xf32>
    %squeeze3A = vector.shape_cast %slice3A : vector<1x2x10240xf32> to vector<2x10240xf32>
    %slice3A_28 = vector.extract_strided_slice %get3A_27 {offsets = [1, 0, 0], sizes = [1, 2, 10240], strides = [1, 1, 1]} : vector<2x2x10240xf32> to vector<1x2x10240xf32>
    %squeeze3A_29 = vector.shape_cast %slice3A_28 : vector<1x2x10240xf32> to vector<2x10240xf32>
    %add3A_30 = arith.addf %squeeze3A, %squeeze3A_29 : vector<2x10240xf32>
    %add3A_31 = arith.constant 1.000000e+00 : f32
    %add3A_32 = vector.broadcast %add3A_31 : f32 to vector<2x10240xf32>
    %add3A_33 = arith.addf %add3A_30, %add3A_32 : vector<2x10240xf32>
    %rsqrt3A_34 = math.rsqrt %add3A_33 : vector<2x10240xf32>
    %slice3A_35 = vector.extract_strided_slice %rsqrt3A_34 {offsets = [0, 0], sizes = [1, 10000], strides = [1, 1]} : vector<2x10240xf32> to vector<1x10000xf32>
    %squeeze3A_36 = vector.shape_cast %slice3A_35 : vector<1x10000xf32> to vector<10000xf32>
    %slice3A_37 = vector.extract_strided_slice %rsqrt3A_34 {offsets = [1, 0], sizes = [1, 10000], strides = [1, 1]} : vector<2x10240xf32> to vector<1x10000xf32>
    %squeeze3A_38 = vector.shape_cast %slice3A_37 : vector<1x10000xf32> to vector<10000xf32>
    %broadcast_in_dim3A_39 = vector.shape_cast %squeeze3A_36 : vector<10000xf32> to vector<10000x1xf32>
    %mul3A_40 = vector.broadcast %broadcast_in_dim3A_39 : vector<10000x1xf32> to vector<10000x128xf32>
    %mul3A_41 = arith.mulf %dot_general3A_23, %mul3A_40 : vector<10000x128xf32>
    %swap3A = arith.constant 0 : index
    %swap3A_42 = arith.constant 0 : index
    %swap3A_43 = vector.load %arg3[%swap3A, %swap3A_42] : memref<10000x128xf32, #tpu.memory_space<vmem>>, vector<10000x128xf32>
    tpu.vector_store %arg3[%swap3A, %swap3A_42], %mul3A_41 {strides = array<i32>} : memref<10000x128xf32, #tpu.memory_space<vmem>>, vector<10000x128xf32>,
    %broadcast_in_dim3A_44 = vector.shape_cast %squeeze3A_36 : vector<10000xf32> to vector<10000x1xf32>
    %swap3A_45 = arith.constant 0 : index
    %swap3A_46 = arith.constant 0 : index
    %swap3A_47 = vector.load %arg4[%swap3A_45, %swap3A_46] : memref<10000x1xf32, #tpu.memory_space<vmem>>, vector<10000x1xf32>
    tpu.vector_store %arg4[%swap3A_45, %swap3A_46], %broadcast_in_dim3A_44 {strides = array<i32>} : memref<10000x1xf32, #tpu.memory_space<vmem>>, vector<10000x1xf32>,
    %broadcast_in_dim3A_48 = vector.shape_cast %squeeze3A_38 : vector<10000xf32> to vector<10000x1xf32>
    %swap3A_49 = arith.constant 0 : index
    %swap3A_50 = arith.constant 0 : index
    %swap3A_51 = vector.load %arg5[%swap3A_49, %swap3A_50] : memref<10000x1xf32, #tpu.memory_space<vmem>>, vector<10000x1xf32>
    tpu.vector_store %arg5[%swap3A_49, %swap3A_50], %broadcast_in_dim3A_48 {strides = array<i32>} : memref<10000x1xf32, #tpu.memory_space<vmem>>, vector<10000x1xf32>,
    return
  }
}

module attributes {stable_mosaic.version = 14 : i64} {
  func.func @_tc_mid_body(%arg0: memref<2x10112x128xf32, #tpu.memory_space<vmem>>, %arg1: memref<10000x128xf32, #tpu.memory_space<vmem>>, %arg2: memref<10000x1xf32, #tpu.memory_space<vmem>>, %arg3: memref<128xf32, #tpu.memory_space<vmem>>, %arg4: memref<128x40xf32, #tpu.memory_space<vmem>>, %arg5: memref<10000x1xf32, #tpu.memory_space<vmem>>, %arg6: memref<10000x40xf32, #tpu.memory_space<vmem>>) attributes {dimension_semantics = [], scalar_prefetch = 0 : i64, scratch_operands = 0 : i64, tpu.core_type = #tpu.core_type<tc>} {
    %get3A = arith.constant 0 : index
    %get3A_0 = arith.constant 0 : index
    %get3A_1 = arith.constant 0 : index
    %get3A_2 = vector.load %arg0[%get3A, %get3A_0, %get3A_1] : memref<2x10112x128xf32, #tpu.memory_space<vmem>>, vector<1x10000x128xf32>
    %get3A_3 = vector.shape_cast %get3A_2 : vector<1x10000x128xf32> to vector<10000x128xf32>
    %get3A_4 = arith.constant 1 : index
    %get3A_5 = arith.constant 0 : index
    %get3A_6 = arith.constant 0 : index
    %get3A_7 = vector.load %arg0[%get3A_4, %get3A_5, %get3A_6] : memref<2x10112x128xf32, #tpu.memory_space<vmem>>, vector<1x10000x128xf32>
    %get3A_8 = vector.shape_cast %get3A_7 : vector<1x10000x128xf32> to vector<10000x128xf32>
    %add3A = arith.addf %get3A_3, %get3A_8 : vector<10000x128xf32>
    %get3A_9 = arith.constant 0 : index
    %get3A_10 = arith.constant 0 : index
    %get3A_11 = vector.load %arg1[%get3A_9, %get3A_10] : memref<10000x128xf32, #tpu.memory_space<vmem>>, vector<10000x128xf32>
    %add3A_12 = arith.addf %add3A, %get3A_11 : vector<10000x128xf32>
    %get3A_13 = arith.constant 0 : index
    %get3A_14 = arith.constant 0 : index
    %get3A_15 = vector.load %arg2[%get3A_13, %get3A_14] : memref<10000x1xf32, #tpu.memory_space<vmem>>, vector<10000x1xf32>
    %mul3A = vector.broadcast %get3A_15 : vector<10000x1xf32> to vector<10000x128xf32>
    %mul3A_16 = arith.mulf %add3A_12, %mul3A : vector<10000x128xf32>
    %get3A_17 = arith.constant 0 : index
    %get3A_18 = vector.load %arg3[%get3A_17] : memref<128xf32, #tpu.memory_space<vmem>>, vector<128xf32>
    %broadcast_in_dim3A = vector.shape_cast %get3A_18 : vector<128xf32> to vector<1x128xf32>
    %add3A_19 = vector.broadcast %broadcast_in_dim3A : vector<1x128xf32> to vector<10000x128xf32>
    %add3A_20 = arith.addf %mul3A_16, %add3A_19 : vector<10000x128xf32>
    %max3A = arith.constant 0.000000e+00 : f32
    %max3A_21 = vector.broadcast %max3A : f32 to vector<10000x128xf32>
    %max3A_22 = arith.maximumf %add3A_20, %max3A_21 : vector<10000x128xf32>
    %get3A_23 = arith.constant 0 : index
    %get3A_24 = arith.constant 0 : index
    %get3A_25 = vector.load %arg4[%get3A_23, %get3A_24] : memref<128x40xf32, #tpu.memory_space<vmem>>, vector<128x40xf32>
    %dot_general3A = arith.constant dense<0.000000e+00> : vector<10000x40xf32>
    %dot_general3A_26 = tpu.matmul %max3A_22, %get3A_25, %dot_general3A {dimension_numbers = #tpu.dot_dimension_numbers<[1], [0], [0], [1], [0, 0, 1, 1], [], []>, transpose_lhs_hint = false} : vector<10000x128xf32>, vector<128x40xf32>, vector<10000x40xf32> -> vector<10000x40xf32>
    %get3A_27 = arith.constant 0 : index
    %get3A_28 = arith.constant 0 : index
    %get3A_29 = vector.load %arg5[%get3A_27, %get3A_28] : memref<10000x1xf32, #tpu.memory_space<vmem>>, vector<10000x1xf32>
    %mul3A_30 = vector.broadcast %get3A_29 : vector<10000x1xf32> to vector<10000x40xf32>
    %mul3A_31 = arith.mulf %dot_general3A_26, %mul3A_30 : vector<10000x40xf32>
    %swap3A = arith.constant 0 : index
    %swap3A_32 = arith.constant 0 : index
    %swap3A_33 = vector.load %arg6[%swap3A, %swap3A_32] : memref<10000x40xf32, #tpu.memory_space<vmem>>, vector<10000x40xf32>
    tpu.vector_store %arg6[%swap3A, %swap3A_32], %mul3A_31 {strides = array<i32>} : memref<10000x40xf32, #tpu.memory_space<vmem>>, vector<10000x40xf32>,
    return
  }
}

module attributes {stable_mosaic.version = 14 : i64} {
  func.func @_tc_final_body(%arg0: memref<2x10112x40xf32, #tpu.memory_space<vmem>>, %arg1: memref<10000x40xf32, #tpu.memory_space<vmem>>, %arg2: memref<10000x1xf32, #tpu.memory_space<vmem>>, %arg3: memref<40xf32, #tpu.memory_space<vmem>>, %arg4: memref<10000x40xf32, #tpu.memory_space<vmem>>) attributes {dimension_semantics = [], scalar_prefetch = 0 : i64, scratch_operands = 0 : i64, tpu.core_type = #tpu.core_type<tc>} {
    %get3A = arith.constant 0 : index
    %get3A_0 = arith.constant 0 : index
    %get3A_1 = arith.constant 0 : index
    %get3A_2 = vector.load %arg0[%get3A, %get3A_0, %get3A_1] : memref<2x10112x40xf32, #tpu.memory_space<vmem>>, vector<1x10000x40xf32>
    %get3A_3 = vector.shape_cast %get3A_2 : vector<1x10000x40xf32> to vector<10000x40xf32>
    %get3A_4 = arith.constant 1 : index
    %get3A_5 = arith.constant 0 : index
    %get3A_6 = arith.constant 0 : index
    %get3A_7 = vector.load %arg0[%get3A_4, %get3A_5, %get3A_6] : memref<2x10112x40xf32, #tpu.memory_space<vmem>>, vector<1x10000x40xf32>
    %get3A_8 = vector.shape_cast %get3A_7 : vector<1x10000x40xf32> to vector<10000x40xf32>
    %add3A = arith.addf %get3A_3, %get3A_8 : vector<10000x40xf32>
    %get3A_9 = arith.constant 0 : index
    %get3A_10 = arith.constant 0 : index
    %get3A_11 = vector.load %arg1[%get3A_9, %get3A_10] : memref<10000x40xf32, #tpu.memory_space<vmem>>, vector<10000x40xf32>
    %add3A_12 = arith.addf %add3A, %get3A_11 : vector<10000x40xf32>
    %get3A_13 = arith.constant 0 : index
    %get3A_14 = arith.constant 0 : index
    %get3A_15 = vector.load %arg2[%get3A_13, %get3A_14] : memref<10000x1xf32, #tpu.memory_space<vmem>>, vector<10000x1xf32>
    %mul3A = vector.broadcast %get3A_15 : vector<10000x1xf32> to vector<10000x40xf32>
    %mul3A_16 = arith.mulf %add3A_12, %mul3A : vector<10000x40xf32>
    %get3A_17 = arith.constant 0 : index
    %get3A_18 = vector.load %arg3[%get3A_17] : memref<40xf32, #tpu.memory_space<vmem>>, vector<40xf32>
    %broadcast_in_dim3A = vector.shape_cast %get3A_18 : vector<40xf32> to vector<1x40xf32>
    %add3A_19 = vector.broadcast %broadcast_in_dim3A : vector<1x40xf32> to vector<10000x40xf32>
    %add3A_20 = arith.addf %mul3A_16, %add3A_19 : vector<10000x40xf32>
    %swap3A = arith.constant 0 : index
    %swap3A_21 = arith.constant 0 : index
    %swap3A_22 = vector.load %arg4[%swap3A, %swap3A_21] : memref<10000x40xf32, #tpu.memory_space<vmem>>, vector<10000x40xf32>
    tpu.vector_store %arg4[%swap3A, %swap3A_21], %add3A_20 {strides = array<i32>} : memref<10000x40xf32, #tpu.memory_space<vmem>>, vector<10000x40xf32>,
    return
  }
}

</mosaic_0001>

<sc_bundles>
// kernel: _run.11.cloned.1.call-start
scs
__scs_entry_jumppad:
0x0: {  	(pc) =	sbr.rel $0x88, $3  }
0x1: {  	(tag) =	ssettag $0x0;
	lr =	simm.s32 $0x1  }
0x2: {  	[smem:$0x3F9B] =	sst lr;
	_ =	strace $0xD0000000  }
0x3: {  	_ = 	snop  }
0x4: {  	_ = 	snop  }
0x5: {  	_ = 	snop  }
0x6: {  	_ = 	snop  }
0x7: {  	_ = 	snop  }
__scs_overlays_trampoline_lowered:
0x8: {  	[smem:$0x3FAA] =	sst s0  }
0x9: {  	[smem:$0x3FAB] =	sst s1  }
0xa: {  	[smem:$0x3FAC] =	sst s2  }
0xb: {  	[smem:$0x3FAD] =	sst s3  }
0xc: {  	[smem:$0x3FAE] =	sst s4  }
0xd: {  	[smem:$0x3FAF] =	sst s5  }
0xe: {  	[smem:$0x3FB0] =	sst s6  }
0xf: {  	[smem:$0x3FB1] =	sst s7  }
0x10: {  	[smem:$0x3FB2] =	sst s8  }
0x11: {  	[smem:$0x3FB3] =	sst s9;
	s0 =	simm.s32 @!p0 $0x0  }
0x12: {  	s1 =	sld [smem:$0x3F99];
	s0 =	simm.s32 @p0 $0x1  }
0x13: {  	[smem:$0x3FB4] =	sst s0;
	s0 =	simm.s32 @!p1 $0x0  }
0x14: {  	s2 =	sld [smem:$0x3F98];
	s0 =	simm.s32 @p1 $0x1  }
0x15: {  	[smem:$0x3FB5] =	sst s0;
	s0 =	simm.s32 @!p2 $0x0  }
0x16: {  	s3 =	sld [smem:$0x3FDB];
	s0 =	simm.s32 @p2 $0x1  }
0x17: {  	s4 =	simm.s32 $0x1BF5;
	[smem:$0x3FB7] =	sst s0  }
0x18: {  	s0 =	sld [smem:$0x3F9A];
	_ =	swait.ge [sflag:s4], $0x0  }
0x19: {  	s7 =	sld [smem:$0x3F9B]  }
0x1a: {  	s8 =	sadd.s32 $0xFFFFE003, lr  }
0x1b: {  	s9 =	sadd.s32 $0xFFFFFEF7, lr;
	s5 =	simm.s32 $0xFFFFFFFF;
	p2 =	slt.u32 s8, $0xFFFFF086  }
0x1c: {  	p1 =	slt.u32 s9, $0xF7A;
	s5 =	simm.s32 @!p2 $0x0  }
0x1d: {  	s5 =	simm.s32 @p1 $0x1;
	p0 =	seq.s32 s7, s2  }
0x1e: {  	s7 =	smul.u32 @!p0 $0xF7A, s2;
	p2 =	seq.s32 @!p0 s5, $0x0  }
0x1f: {  	s9 =	smul.u32 $0xF7A, s1;
	s8 =	simm.s32 @!p0 $0x1BF5;
	p2 =	por !p2, p0  }
0x20: {  	[sflag:s8] =	ssyncset.s32 @!p0 $0xFFFFF086;
	s6 =	sadd.s32 @!p0 s3, s7;
	s7 =	simm.s32 @!p0 $0x108  }
0x21: {  	s3 =	sadd.s32 s3, s9;
	s6 =	sadd.s32 @!p0 $0x88, s6;
	s7 =	simm.s32 @p2 $0x1082  }
0x22: {  	[simem:s7], [sflag:s8] =	dma.local @!p0 [hbm:s6], $0xF7A  }
0x23: {  	s9 =	sor.u32 $0xD0000000, s2;
	s6 =	simm.s32 $0x108;
	_ =	swait.ge @!p0 [sflag:s8], $0x0  }
0x24: {  	s3 =	sadd.s32 $0x88, s3;
	s6 =	simm.s32 @!p1 $0x1082;
	[sflag:s4] =	ssyncset.s32 $0xFFFFF086  }
0x25: {  	[simem:s6], [sflag:s4] =	dma.local [hbm:s3], $0xF7A  }
0x26: {  	[smem:$0x3F9B] =	sst s1;
	(tag) =	ssettag s2;
	_ =	strace s9  }
0x27: {  	s1 =	sld [smem:$0x3FAB]  }
0x28: {  	s2 =	sld [smem:$0x3FAC]  }
0x29: {  	s4 =	sld [smem:$0x3FAE]  }
0x2a: {  	p0 =	seq.s32 s5, $0x0;
	s5 =	sld [smem:$0x3FAF]  }
0x2b: {  	s6 =	sld [smem:$0x3FB0]  }
0x2c: {  	s7 =	sld [smem:$0x3FB1]  }
0x2d: {  	s3 =	simm.s32 $0x108;
	s8 =	sld [smem:$0x3FB2]  }
0x2e: {  	s3 =	simm.s32 @!p0 $0x1082;
	s9 =	sld [smem:$0x3FB3]  }
0x2f: {  	lr =	sadd.s32 s0, s3;
	s0 =	sld [smem:$0x3FAA]  }
0x30: {  	s3 =	sld [smem:$0x3FAD]  }
0x31: {  	[smem:$0x3FB6] =	sst s10  }
0x32: {  	s10 =	sld [smem:$0x3FB4];
	_ =	sdelay $0x3  }
0x33: {  	p0 =	seq.s32 s10, $0x1;
	s10 =	sld [smem:$0x3FB6];
	_ =	sdelay $0x3  }
0x34: {  	[smem:$0x3FB6] =	sst s10  }
0x35: {  	s10 =	sld [smem:$0x3FB5];
	_ =	sdelay $0x3  }
0x36: {  	p1 =	seq.s32 s10, $0x1;
	s10 =	sld [smem:$0x3FB6];
	_ =	sdelay $0x3  }
0x37: {  	[smem:$0x3FB6] =	sst s10  }
0x38: {  	s10 =	sld [smem:$0x3FB7]  }
0x39: {  	_ = 	snop;
	(pc) =	sbr.ind lr, $3  }
0x3a: {  	_ = 	snop  }
0x3b: {  	_ = 	snop  }
0x3c: {  	p2 =	seq.s32 s10, $0x1;
	s10 =	sld [smem:$0x3FB6]  }
0x3d: {  	_ =	shalt  }
0x3e: {  	_ =	shalt  }
0x3f: {  	_ =	shalt  }
0x40: {  	_ =	shalt  }
0x41: {  	_ =	shalt  }
0x42: {  	_ =	shalt  }
0x43: {  	_ =	shalt  }
0x44: {  	_ =	shalt  }
0x45: {  	_ =	shalt  }
0x46: {  	_ =	shalt  }
0x47: {  	_ =	shalt  }
0x48: {  	_ =	shalt  }
0x49: {  	_ =	shalt  }
0x4a: {  	_ =	shalt  }
0x4b: {  	_ =	shalt  }
0x4c: {  	_ =	shalt  }
0x4d: {  	_ =	shalt  }
0x4e: {  	_ =	shalt  }
0x4f: {  	_ =	shalt  }
0x50: {  	_ =	shalt  }
0x51: {  	_ =	shalt  }
0x52: {  	_ =	shalt  }
0x53: {  	_ =	shalt  }
0x54: {  	_ =	shalt  }
0x55: {  	_ =	shalt  }
0x56: {  	_ =	shalt  }
0x57: {  	_ =	shalt  }
0x58: {  	_ =	shalt  }
0x59: {  	_ =	shalt  }
0x5a: {  	_ =	shalt  }
0x5b: {  	_ =	shalt  }
0x5c: {  	_ =	shalt  }
0x5d: {  	_ =	shalt  }
0x5e: {  	_ =	shalt  }
0x5f: {  	_ =	shalt  }
0x60: {  	_ =	shalt  }
0x61: {  	_ =	shalt  }
0x62: {  	_ =	shalt  }
0x63: {  	_ =	shalt  }
0x64: {  	_ =	shalt  }
0x65: {  	_ =	shalt  }
0x66: {  	_ =	shalt  }
0x67: {  	_ =	shalt  }
0x68: {  	_ =	shalt  }
0x69: {  	_ =	shalt  }
0x6a: {  	_ =	shalt  }
0x6b: {  	_ =	shalt  }
0x6c: {  	_ =	shalt  }
0x6d: {  	_ =	shalt  }
0x6e: {  	_ =	shalt  }
0x6f: {  	_ =	shalt  }
0x70: {  	_ =	shalt  }
0x71: {  	_ =	shalt  }
0x72: {  	_ =	shalt  }
0x73: {  	_ =	shalt  }
0x74: {  	_ =	shalt  }
0x75: {  	_ =	shalt  }
0x76: {  	_ =	shalt  }
0x77: {  	_ =	shalt  }
0x78: {  	_ =	shalt  }
0x79: {  	_ =	shalt  }
0x7a: {  	_ =	shalt  }
0x7b: {  	_ =	shalt  }
0x7c: {  	_ =	shalt  }
0x7d: {  	_ =	shalt  }
0x7e: {  	_ =	shalt  }
0x7f: {  	_ =	shalt  }
0x80: {  	_ =	shalt  }
0x81: {  	_ =	shalt  }
0x82: {  	_ =	shalt  }
0x83: {  	_ =	shalt  }
0x84: {  	_ =	shalt  }
0x85: {  	_ =	shalt  }
0x86: {  	_ =	shalt  }
0x87: {  	_ =	shalt  }
.Lfunc_end0:
.L_simem_size_0:
called_computation.1_lowered:
.L_overlay_start_0:
0x88: {  	s2 =	sld [smem:$0x3FD9]  }
0x89: {  	s3 =	sld [smem:$0x3FFE];
	_ =	sdelay $0x1  }
0x8a: {  	s1 =	srdreg.scid  }
0x8b: {  	s0 =	sand.u32 $0x1, s1  }
0x8c: {  	s16 =	sshll.u32 s0, $0xA;
	s2 =	sadd.s32 s3, s2  }
0x8d: {  	s2 =	sadd.s32 s2, s16  }
0x8e: {  	[smem:$0x3FC2] =	sst s2  }
0x8f: {  	_ = 	snop  }
0x90: {  	(tm) =	ssettm $0x1  }
0x91: {  	s17 =	sld [smem:$0x3FFB];
	_ =	sdelay $0x3  }
0x92: {  	_ =	strace s17  }
0x93: {  	s2 =	sld [smem:$0x3FFC];
	_ =	sdelay $0x3  }
0x94: {  	_ =	strace s2  }
0x95: {  	s2 =	sld [smem:$0x3FFD];
	_ =	sdelay $0x3  }
0x96: {  	_ =	strace s2  }
0x97: {  	_ =	strace $0x8FFFFFFF  }
0x98: {  	s18 =	sld [smem:$0x3FDB];
	_ =	sdelay $0x1  }
0x99: {  	s19 =	simm.s32 $_scs_section_size  }
0x9a: {  	s4 =	simm.s32 $_size__tile_overlayer_lowered;
	s5 =	simm.s32 $_tile_overlayer_lowered  }
0x9b: {  	s22 =	simm.s32 $0x1BFF;
	s21 =	sshll.u32 s5, $0x1;
	s2 =	sadd.s32 s19, s18  }
0x9c: {  	s6 =	simm.s32 $0x0;
	s20 =	sshll.u32 s4, $0x1;
	s4 =	sadd.s32 s21, s2  }
0x9d: {  	[timem:s6], [sflag:s22] =	dma.local [hbm:s4], s20  }
0x9e: {  	_ =	swait.ge [sflag:s22], s20  }
0x9f: {  	s3 =	ssub.s32 $0x0, s20;
	[sflag:s22] =	ssyncset.done $0x0  }
0xa0: {  	[sflag:s22] =	ssyncadd.s32 s3;
	_ =	sdelay $0x1  }
0xa1: {  	s23 =	simm.s32 $0x1B8B  }
0xa2: {  	_ =	swait.ge [sflag:s23], $0x1  }
0xa3: {  	[sflag:s23] =	ssyncset.done $0x0  }
0xa4: {  	s25 =	simm.s32 $0x1B8E;
	s24 =	sld [smem:$0x3FFE];
	[sflag:s23] =	ssyncadd.s32 $0xFFFFFFFF  }
0xa5: {  	s26 =	simm.s32 $execute0_lowered;
	[smem:$0x3FD2] =	sst s25  }
0xa6: {  	s4 =	sshll.u32 s26, $0x1;
	_ =	strace $0x80000049;
	[dreg:$0x1] =	wrdreg $0xFFFFFFFF  }
0xa7: {  	s28 =	simm.s32 $_size_execute0_lowered;
	s2 =	sadd.s32 s2, s4;
	[dreg:$0x0] =	wrdreg $0x0  }
0xa8: {  	s4 =	sshll.u32 s28, $0x1;
	[dreg:$0x2] =	wrdreg s2  }
0xa9: {  	[dreg:$0x3] =	wrdreg s4  }
0xaa: {  	[dreg:$0x4] =	wrdreg $0xC0  }
0xab: {  	_ =	task [dreg:s6], $0x5FFFF  }
0xac: {  	[dreg:$0x1] =	wrdreg $0xFFFFFFFF  }
0xad: {  	[dreg:$0x0] =	wrdreg $0x60  }
0xae: {  	[dreg:$0x2] =	wrdreg s24  }
0xaf: {  	[dreg:$0x3] =	wrdreg $0x87A00  }
0xb0: {  	[dreg:$0x4] =	wrdreg $0x9  }
0xb1: {  	_ =	task.clear_ibuf [dreg:s6], $0x5FFFF;
	_ =	strace $0x90000049  }
0xb2: {  	s29 =	simm.s32 $0x9;
	_ =	strace $0x8000004B  }
0xb3: {  	_ =	swait.ge [sflag:s29], $0x1  }
0xb4: {  	[sflag:s29] =	ssyncadd.s32 $0xFFFFFFFF  }
0xb5: {  	_ =	strace $0x9000004B  }
0xb6: {  	_ =	sfence  }
0xb7: {  	s30 =	sld [smem:$0x0];
	_ =	sdelay $0x2  }
0xb8: {  	s31 =	sshll.u32 s1, $0xD;
	s1 =	sshrl.u32 s1, $0x2  }
0xb9: {  	s3 =	sand.u32 $0x4000, s31;
	s1 =	sadd.s32 s1, s30  }
0xba: {  	s0 =	sor.u32 s3, s0;
	s1 =	sshll.u32 s1, $0x11  }
0xbb: {  	s0 =	sor.u32 s1, s0  }
0xbc: {  	s0 =	sadd.s32 $0x8F2B, s0  }
0xbd: {  	[sflag:s0] =	ssyncadd.remote.s32 $0x1  }
0xbe: {  	_ =	sfence.sel $0xFFFF  }
0xbf: {  	[dreg:$0x0] =	wrdreg $0xFFFFFFFF;
	(pc) =	sbr.abs _section_cstart, $3  }
0xc0: {  	[dreg:$0x1] =	wrdreg $0xFFFFFFFF  }
0xc1: {  	_ =	task.clear_ibuf [dreg:s6], $0x2FFFF;
	_ =	strace $0x9FFFFFFF  }
0xc2: {  	(tm) =	ssettm $0x7FFFFFFF  }
0xc3: {  	_ =	shalt  }
tec
execute0_lowered:
.L_overlay_start_1:
0x0: {  	(tag) =	ssettag $0x1  }
0x1: {  	s6 =	rddreg [dreg:$0x0]  }
0x2: {  	s2 =	rddreg [dreg:$0x1]  }
0x3: {  	s0 =	rddreg [dreg:$0x2]  }
0x4: {  	s1 =	stileid.u32;
	s4 =	srdreg.scid  }
0x5: {  	s3 =	simm.s32 $0x0;
	s13 =	simm.s32 $0x7D0;
	s14 =	simm.s32 $0x50  }
0x6: {  	s15 =	simm.s32 $0xFA0;
	s16 =	simm.s32 $0x1;
	s17 =	simm.s32 $0x2  }
0x7: {  	s7 =	smul.u32 $0x13C00, s1;
	s8 =	sand.u32 $0x1, s4;
	[smem:$0x7FF] =	sst s3  }
0x8: {  	s4 =	sadd.s32 $0x53200, s6;
	s5 =	sadd.s32 $0x2A00, s6;
	s31 =	sshll.u32 s1, $0x6  }
0x9: {  	s9 =	smul.u32 $0x13C000, s8;
	_ =	strace $0x8000004A;
	s11 =	ssub.s32 $0x2, s8  }
0xa: {  	s29 =	sshll.u32 s8, $0x4;
	s10 =	sshrl.u32 s7, $0x3;
	s12 =	sshrl.u32 s11, $0x1  }
.Ltmp0:
0xb: {  	s8 =	sor.u32 s1, s29;
	s30 =	sadd.s32 s7, s2;
	(pc) =	sbr.rel .LBB2_1-.Ltmp0, $4  }
0xc: {  	s9 =	sadd.s32 s7, s9;
	s10 =	sadd.s32 s10, s6;
	s11 =	ssub.s32 s11, s12  }
0xd: {  	s7 =	sor.u32 $0x1C03, s31;
	s8 =	smul.u32 $0x2710, s8;
	s9 =	sshrl.u32 s9, $0x3  }
0xe: {  	s12 =	simm.s32 $0x3;
	s9 =	sadd.s32 s9, s6;
	s6 =	sadd.s32 $0x29C00, s10  }
0xf: {  	s10 =	smax.u32 s11, $0x1;
	s11 =	sshrl.u32 s30, $0x3;
	s9 =	sadd.s32 $0x7A400, s9  }
.LBB2_13:
0x10: {  	s3 =	sadd.s32 $0x1, s3  }
0x11: {  	p0 =	sne.s32 s3, s10  }
.Ltmp1:
0x12: {  	[bflag:$0x0] =	sbarrier.arrive $0xFFFF;
	(pc) =	sbr.rel @!p0 .LBB2_14-.Ltmp1, $4  }
0x13: {  	[hbm:s9], [sflag:s7] =	dma.local [spmem:s11], $0x2780  }
0x14: {  	_ =	swait.ge [sflag:s12], $0x2780  }
0x15: {  	[sflag:s12] =	ssyncset.done $0x0  }
0x16: {  	[sflag:s12] =	ssyncadd.s32 $0xFFFFD880  }
.LBB2_1:
0x17: {  	[spmem:s11], [sflag:s7] =	dma.local [hbm:s6], $0x2780  }
.Ltmp2:
0x18: {  	_ =	swait.ge [sflag:s12], $0x2780;
	(pc) =	sbr.rel .LBB2_2-.Ltmp2, $4  }
0x19: {  	[sflag:s12] =	ssyncset.done $0x0  }
0x1a: {  	[sflag:s12] =	ssyncadd.s32 $0xFFFFD880  }
0x1b: {  	[bflag:$0x0] =	sbarrier.arrive $0xFFFF  }
0x1c: {  	s18 =	simm.s32 $0x0  }
.LBB2_12:
0x1d: {  	s18 =	sadd.s32 $0x1, s18  }
0x1e: {  	_ =	swait.ge [sflag:s17], $0x2800;
	p0 =	sne.s32 s18, $0x5  }
.Ltmp3:
0x1f: {  	[sflag:s17] =	ssyncset.done $0x0;
	(pc) =	sbr.rel @!p0 .LBB2_13-.Ltmp3, $4  }
0x20: {  	[sflag:s17] =	ssyncadd.s32 $0xFFFFD800  }
0x21: {  	_ =	swait.ge [sflag:s17], $0x2800  }
0x22: {  	[sflag:s17] =	ssyncset.done $0x0  }
0x23: {  	[sflag:s17] =	ssyncadd.s32 $0xFFFFD800  }
.LBB2_2:
0x24: {  	s19 =	smul.u32 $0x7D0, s18;
	_ =	sdelay $0x1  }
0x25: {  	s19 =	sadd.s32 s8, s19  }
0x26: {  	s19 =	sshrl.u32 s19, $0x3  }
0x27: {  	s20 =	sadd.s32 s4, s19;
	s19 =	simm.s32 $0x0  }
0x28: {  	[tilespmem:s19], [sflag:$0x3] =	stream.linear.gather [hbm4b:s20+s19], $0x7D0, $0x38;
	[tilespmem:$0x1C3A0] =	vst v63  }
0x29: {  	_ =	swait.ge [sflag:s12], $0x7D0  }
0x2a: {  	[sflag:s12] =	ssyncset.done $0x0  }
0x2b: {  	s20 =	sadd.s32 $0x9C40, s20;
	[sflag:s12] =	ssyncadd.s32 $0xFFFFF830  }
0x2c: {  	[tilespmem:s13], [sflag:$0x3] =	stream.linear.gather [hbm4b:s20+s19], $0x7D0, $0x38;
	[tilespmem:$0x1C3A0] =	vst v63  }
.Ltmp4:
0x2d: {  	_ = 	snop;
	(pc) =	sbr.rel .LBB2_3-.Ltmp4, $4  }
0x2e: {  	_ =	swait.ge [sflag:s12], $0x7D0  }
0x2f: {  	[sflag:s12] =	ssyncset.done $0x0  }
0x30: {  	s20 =	simm.s32 $0x0;
	[sflag:s12] =	ssyncadd.s32 $0xFFFFF830  }
0x31: {  	[tilespmem:s15], [sflag:$0x1] =	stream.indirect.gather [hbm4b:s5+s14], $0x80, s19, s14, $0xb8;
	[tilespmem:$0x1C3A0] =	vst v63  }
.LBB2_10:
0x32: {  	s23 =	sshra.s32 s19, $0x2  }
0x33: {  	s23 =	sadd.s32 $0x50, s23  }
0x34: {  	[tilespmem:s22], [sflag:$0x1] =	stream.indirect.gather [hbm4b:s5+s14], $0x80, s23, s14, $0xb8;
	[tilespmem:$0x1C3A0] =	vst v63  }
0x35: {  	s23 =	smov.u32 s19  }
.LBB2_11:
0x36: {  	s19 =	sadd.s32 $0x140, s19  }
0x37: {  	p0 =	sne.s32 s19, $0x1F40  }
.Ltmp5:
0x38: {  	_ = 	snop;
	(pc) =	sbr.rel @!p0 .LBB2_12-.Ltmp5, $4  }
0x39: {  	_ = 	snop  }
0x3a: {  	s22 =	sshra.s32 s23, $0x2  }
0x3b: {  	s20 =	sadd.s32 $0x1, s20;
	s22 =	sadd.s32 $0x7D0, s22  }
0x3c: {  	[spmem:s2] =	stream.indirect.scatter.add.f32 [tilespmem:s21], [sflag:$0x2], $0x80, s22, s14, $0xb8;
	[tilespmem:$0x1C3A0] =	vst v63  }
.LBB2_3:
0x3d: {  	s21 =	smul.u32 $0xAB, s20;
	_ =	sdelay $0x1  }
0x3e: {  	s21 =	sshrl.u32 s21, $0x9  }
0x3f: {  	s21 =	sand.u32 $0x7F, s21  }
0x40: {  	s21 =	smul.u32 $0x3, s21;
	_ =	sdelay $0x1  }
0x41: {  	s21 =	ssub.s32 s20, s21  }
0x42: {  	s21 =	sand.u32 $0xFF, s21  }
0x43: {  	p0 =	seq.s32 s21, $0x2  }
.Ltmp6:
0x44: {  	_ = 	snop;
	(pc) =	sbr.rel @p0 .LBB2_9-.Ltmp6, $4  }
0x45: {  	_ = 	snop  }
0x46: {  	_ =	swait.ge [sflag:s16], $0x2800  }
0x47: {  	[sflag:s16] =	ssyncset.done $0x0  }
0x48: {  	[sflag:s16] =	ssyncadd.s32 $0xFFFFD800  }
0x49: {  	p0 =	seq.s32 s21, $0x1  }
.Ltmp7:
0x4a: {  	_ = 	snop;
	(pc) =	sbr.rel @!p0 .LBB2_5-.Ltmp7, $1  }
0x4b: {  	_ =	sdelay $0x3  }
0x4c: {  	p0 =	slt.u32 s20, $0x2  }
0x4d: {  	p1 =	seq.s32 @!p0 s19, $0x1E00  }
0x4e: {  	p1 =	por p0, !p1  }
.Ltmp8:
0x4f: {  	_ = 	snop;
	(pc) =	sbr.rel @!p1 .LBB2_11-.Ltmp8, $4  }
0x50: {  	s21 =	simm.s32 @!p0 $0x2  }
0x51: {  	_ =	swait.ge @!p0 [sflag:s21], $0x2800  }
0x52: {  	[sflag:s21] =	ssyncset.done @!p0 $0x0  }
0x53: {  	s23 =	simm.s32 @!p0 $0x1E00;
	[sflag:s21] =	ssyncadd.s32 @!p0 $0xFFFFD800;
	s21 =	simm.s32 @!p0 $0x37A0  }
.Ltmp9:
0x54: {  	(pc) =	sbr.rel .LBB2_10-.Ltmp9, $3  }
0x55: {  	_ =	sdelay $0x1  }
0x56: {  	s22 =	simm.s32 @!p0 $0x5FA0  }
0x57: {  	s21 =	simm.s32 @p0 $0x37A0;
	s22 =	simm.s32 @p0 $0x5FA0  }
.LBB2_9:
0x58: {  	p0 =	seq.s32 s19, $0x1E00  }
.Ltmp10:
0x59: {  	_ = 	snop;
	(pc) =	sbr.rel @p0 .LBB2_11-.Ltmp10, $4  }
.Ltmp11:
0x5a: {  	_ = 	snop;
	(pc) =	sbr.rel @!p0 .LBB2_10-.Ltmp11, $4  }
0x5b: {  	_ =	swait.ge [sflag:s17], $0x2800  }
0x5c: {  	s22 =	simm.s32 $0xFA0;
	[sflag:s17] =	ssyncset.done $0x0  }
0x5d: {  	s21 =	simm.s32 $0x5FA0;
	s23 =	simm.s32 $0x1E00;
	[sflag:s17] =	ssyncadd.s32 $0xFFFFD800  }
0x5e: {  	_ = 	snop  }
.LBB2_5:
0x5f: {  	p0 =	slt.u32 s20, $0x2  }
0x60: {  	p1 =	seq.s32 @!p0 s19, $0x1E00  }
0x61: {  	p1 =	por p0, !p1  }
.Ltmp12:
0x62: {  	_ = 	snop;
	(pc) =	sbr.rel @!p1 .LBB2_11-.Ltmp12, $4  }
0x63: {  	s21 =	simm.s32 @!p0 $0x2  }
0x64: {  	_ =	swait.ge @!p0 [sflag:s21], $0x2800  }
0x65: {  	[sflag:s21] =	ssyncset.done @!p0 $0x0  }
0x66: {  	s23 =	simm.s32 @!p0 $0x1E00;
	[sflag:s21] =	ssyncadd.s32 @!p0 $0xFFFFD800;
	s21 =	simm.s32 @!p0 $0xFA0  }
.Ltmp13:
0x67: {  	(pc) =	sbr.rel .LBB2_10-.Ltmp13, $3  }
0x68: {  	_ =	sdelay $0x1  }
0x69: {  	s22 =	simm.s32 @!p0 $0x37A0  }
0x6a: {  	s21 =	simm.s32 @p0 $0xFA0;
	s22 =	simm.s32 @p0 $0x37A0  }
.LBB2_14:
0x6b: {  	_ =	sfence.sel $0x180000  }
0x6c: {  	[bflag:$0x0] =	sbarrier.arrive $0xFFFF  }
0x6d: {  	p0 =	sne.s32 s1, $0x0;
	_ =	strace $0x9000004A  }
0x6e: {  	s0 =	sadd.s32 @!p0 $0x100000, s0;
	[bflag:$0x2] =	sbarrier.arrive $0xFFFF  }
0x6f: {  	[sflag:s0] =	ssyncadd.tile.s32 @!p0 $0x1;
	_ =	shalt  }
.Lfunc_end2:
_tile_overlayer_lowered:
.L_overlay_start_2:
0x70: {  	(tag) =	ssettag $0x2  }
0x71: {  	s0 =	rddreg [dreg:$0x0];
	s2 =	stileid.u32  }
0x72: {  	s1 =	rddreg [dreg:$0x1];
	p0 =	sne.s32 s2, $0x0  }
0x73: {  	s3 =	rddreg [dreg:$0x2];
	[bflag:$0x3] =	sbarrier.arrive $0xFFFF;
	s2 =	simm.s32 @!p0 $0x1C03  }
0x74: {  	[timem:s3], [sflag:s2] =	dma.local @!p0 [hbm:s0], s1  }
0x75: {  	s0 =	simm.s32 @!p0 $0x3  }
0x76: {  	_ =	swait.ge @!p0 [sflag:s0], s1  }
0x77: {  	s1 =	ssub.s32 @!p0 $0x0, s1;
	[sflag:s0] =	ssyncset.done @!p0 $0x0  }
0x78: {  	[sflag:s0] =	ssyncadd.s32 @!p0 s1  }
0x79: {  	[bflag:$0x3] =	sbarrier.arrive $0xFFFF  }
0x7a: {  	_ =	shalt  }

// kernel: _run.14.cloned.1.call-start
scs
__scs_entry_jumppad:
0x0: {  	(pc) =	sbr.rel $0x88, $3  }
0x1: {  	(tag) =	ssettag $0x0;
	lr =	simm.s32 $0x1  }
0x2: {  	[smem:$0x3F9B] =	sst lr;
	_ =	strace $0xD0000000  }
0x3: {  	_ = 	snop  }
0x4: {  	_ = 	snop  }
0x5: {  	_ = 	snop  }
0x6: {  	_ = 	snop  }
0x7: {  	_ = 	snop  }
__scs_overlays_trampoline_lowered:
0x8: {  	[smem:$0x3FAA] =	sst s0  }
0x9: {  	[smem:$0x3FAB] =	sst s1  }
0xa: {  	[smem:$0x3FAC] =	sst s2  }
0xb: {  	[smem:$0x3FAD] =	sst s3  }
0xc: {  	[smem:$0x3FAE] =	sst s4  }
0xd: {  	[smem:$0x3FAF] =	sst s5  }
0xe: {  	[smem:$0x3FB0] =	sst s6  }
0xf: {  	[smem:$0x3FB1] =	sst s7  }
0x10: {  	[smem:$0x3FB2] =	sst s8  }
0x11: {  	[smem:$0x3FB3] =	sst s9;
	s0 =	simm.s32 @!p0 $0x0  }
0x12: {  	s1 =	sld [smem:$0x3F99];
	s0 =	simm.s32 @p0 $0x1  }
0x13: {  	[smem:$0x3FB4] =	sst s0;
	s0 =	simm.s32 @!p1 $0x0  }
0x14: {  	s2 =	sld [smem:$0x3F98];
	s0 =	simm.s32 @p1 $0x1  }
0x15: {  	[smem:$0x3FB5] =	sst s0;
	s0 =	simm.s32 @!p2 $0x0  }
0x16: {  	s3 =	sld [smem:$0x3FDB];
	s0 =	simm.s32 @p2 $0x1  }
0x17: {  	s4 =	simm.s32 $0x1BF5;
	[smem:$0x3FB7] =	sst s0  }
0x18: {  	s0 =	sld [smem:$0x3F9A];
	_ =	swait.ge [sflag:s4], $0x0  }
0x19: {  	s7 =	sld [smem:$0x3F9B]  }
0x1a: {  	s8 =	sadd.s32 $0xFFFFE003, lr  }
0x1b: {  	s9 =	sadd.s32 $0xFFFFFEF7, lr;
	s5 =	simm.s32 $0xFFFFFFFF;
	p2 =	slt.u32 s8, $0xFFFFF086  }
0x1c: {  	p1 =	slt.u32 s9, $0xF7A;
	s5 =	simm.s32 @!p2 $0x0  }
0x1d: {  	s5 =	simm.s32 @p1 $0x1;
	p0 =	seq.s32 s7, s2  }
0x1e: {  	s7 =	smul.u32 @!p0 $0xF7A, s2;
	p2 =	seq.s32 @!p0 s5, $0x0  }
0x1f: {  	s9 =	smul.u32 $0xF7A, s1;
	s8 =	simm.s32 @!p0 $0x1BF5;
	p2 =	por !p2, p0  }
0x20: {  	[sflag:s8] =	ssyncset.s32 @!p0 $0xFFFFF086;
	s6 =	sadd.s32 @!p0 s3, s7;
	s7 =	simm.s32 @!p0 $0x108  }
0x21: {  	s3 =	sadd.s32 s3, s9;
	s6 =	sadd.s32 @!p0 $0x88, s6;
	s7 =	simm.s32 @p2 $0x1082  }
0x22: {  	[simem:s7], [sflag:s8] =	dma.local @!p0 [hbm:s6], $0xF7A  }
0x23: {  	s9 =	sor.u32 $0xD0000000, s2;
	s6 =	simm.s32 $0x108;
	_ =	swait.ge @!p0 [sflag:s8], $0x0  }
0x24: {  	s3 =	sadd.s32 $0x88, s3;
	s6 =	simm.s32 @!p1 $0x1082;
	[sflag:s4] =	ssyncset.s32 $0xFFFFF086  }
0x25: {  	[simem:s6], [sflag:s4] =	dma.local [hbm:s3], $0xF7A  }
0x26: {  	[smem:$0x3F9B] =	sst s1;
	(tag) =	ssettag s2;
	_ =	strace s9  }
0x27: {  	s1 =	sld [smem:$0x3FAB]  }
0x28: {  	s2 =	sld [smem:$0x3FAC]  }
0x29: {  	s4 =	sld [smem:$0x3FAE]  }
0x2a: {  	p0 =	seq.s32 s5, $0x0;
	s5 =	sld [smem:$0x3FAF]  }
0x2b: {  	s6 =	sld [smem:$0x3FB0]  }
0x2c: {  	s7 =	sld [smem:$0x3FB1]  }
0x2d: {  	s3 =	simm.s32 $0x108;
	s8 =	sld [smem:$0x3FB2]  }
0x2e: {  	s3 =	simm.s32 @!p0 $0x1082;
	s9 =	sld [smem:$0x3FB3]  }
0x2f: {  	lr =	sadd.s32 s0, s3;
	s0 =	sld [smem:$0x3FAA]  }
0x30: {  	s3 =	sld [smem:$0x3FAD]  }
0x31: {  	[smem:$0x3FB6] =	sst s10  }
0x32: {  	s10 =	sld [smem:$0x3FB4];
	_ =	sdelay $0x3  }
0x33: {  	p0 =	seq.s32 s10, $0x1;
	s10 =	sld [smem:$0x3FB6];
	_ =	sdelay $0x3  }
0x34: {  	[smem:$0x3FB6] =	sst s10  }
0x35: {  	s10 =	sld [smem:$0x3FB5];
	_ =	sdelay $0x3  }
0x36: {  	p1 =	seq.s32 s10, $0x1;
	s10 =	sld [smem:$0x3FB6];
	_ =	sdelay $0x3  }
0x37: {  	[smem:$0x3FB6] =	sst s10  }
0x38: {  	s10 =	sld [smem:$0x3FB7]  }
0x39: {  	_ = 	snop;
	(pc) =	sbr.ind lr, $3  }
0x3a: {  	_ = 	snop  }
0x3b: {  	_ = 	snop  }
0x3c: {  	p2 =	seq.s32 s10, $0x1;
	s10 =	sld [smem:$0x3FB6]  }
0x3d: {  	_ =	shalt  }
0x3e: {  	_ =	shalt  }
0x3f: {  	_ =	shalt  }
0x40: {  	_ =	shalt  }
0x41: {  	_ =	shalt  }
0x42: {  	_ =	shalt  }
0x43: {  	_ =	shalt  }
0x44: {  	_ =	shalt  }
0x45: {  	_ =	shalt  }
0x46: {  	_ =	shalt  }
0x47: {  	_ =	shalt  }
0x48: {  	_ =	shalt  }
0x49: {  	_ =	shalt  }
0x4a: {  	_ =	shalt  }
0x4b: {  	_ =	shalt  }
0x4c: {  	_ =	shalt  }
0x4d: {  	_ =	shalt  }
0x4e: {  	_ =	shalt  }
0x4f: {  	_ =	shalt  }
0x50: {  	_ =	shalt  }
0x51: {  	_ =	shalt  }
0x52: {  	_ =	shalt  }
0x53: {  	_ =	shalt  }
0x54: {  	_ =	shalt  }
0x55: {  	_ =	shalt  }
0x56: {  	_ =	shalt  }
0x57: {  	_ =	shalt  }
0x58: {  	_ =	shalt  }
0x59: {  	_ =	shalt  }
0x5a: {  	_ =	shalt  }
0x5b: {  	_ =	shalt  }
0x5c: {  	_ =	shalt  }
0x5d: {  	_ =	shalt  }
0x5e: {  	_ =	shalt  }
0x5f: {  	_ =	shalt  }
0x60: {  	_ =	shalt  }
0x61: {  	_ =	shalt  }
0x62: {  	_ =	shalt  }
0x63: {  	_ =	shalt  }
0x64: {  	_ =	shalt  }
0x65: {  	_ =	shalt  }
0x66: {  	_ =	shalt  }
0x67: {  	_ =	shalt  }
0x68: {  	_ =	shalt  }
0x69: {  	_ =	shalt  }
0x6a: {  	_ =	shalt  }
0x6b: {  	_ =	shalt  }
0x6c: {  	_ =	shalt  }
0x6d: {  	_ =	shalt  }
0x6e: {  	_ =	shalt  }
0x6f: {  	_ =	shalt  }
0x70: {  	_ =	shalt  }
0x71: {  	_ =	shalt  }
0x72: {  	_ =	shalt  }
0x73: {  	_ =	shalt  }
0x74: {  	_ =	shalt  }
0x75: {  	_ =	shalt  }
0x76: {  	_ =	shalt  }
0x77: {  	_ =	shalt  }
0x78: {  	_ =	shalt  }
0x79: {  	_ =	shalt  }
0x7a: {  	_ =	shalt  }
0x7b: {  	_ =	shalt  }
0x7c: {  	_ =	shalt  }
0x7d: {  	_ =	shalt  }
0x7e: {  	_ =	shalt  }
0x7f: {  	_ =	shalt  }
0x80: {  	_ =	shalt  }
0x81: {  	_ =	shalt  }
0x82: {  	_ =	shalt  }
0x83: {  	_ =	shalt  }
0x84: {  	_ =	shalt  }
0x85: {  	_ =	shalt  }
0x86: {  	_ =	shalt  }
0x87: {  	_ =	shalt  }
.Lfunc_end0:
.L_simem_size_0:
called_computation.2_lowered:
.L_overlay_start_0:
0x88: {  	s2 =	sld [smem:$0x3FD9]  }
0x89: {  	s3 =	sld [smem:$0x3FFE];
	_ =	sdelay $0x1  }
0x8a: {  	s1 =	srdreg.scid  }
0x8b: {  	s0 =	sand.u32 $0x1, s1  }
0x8c: {  	s17 =	sshll.u32 s0, $0xA;
	s2 =	sadd.s32 s3, s2  }
0x8d: {  	s2 =	sadd.s32 s2, s17  }
0x8e: {  	[smem:$0x3FC2] =	sst s2  }
0x8f: {  	_ = 	snop  }
0x90: {  	s2 =	sld [smem:$0x3FD0];
	(tm) =	ssettm $0x1  }
0x91: {  	s18 =	sld [smem:$0x3FFB];
	_ =	sdelay $0x3  }
0x92: {  	_ =	strace s18  }
0x93: {  	s3 =	sld [smem:$0x3FFC];
	_ =	sdelay $0x3  }
0x94: {  	_ =	strace s3  }
0x95: {  	s3 =	sld [smem:$0x3FFD];
	_ =	sdelay $0x3  }
0x96: {  	_ =	strace s3  }
0x97: {  	_ =	strace $0x8FFFFFFF  }
0x98: {  	s19 =	sld [smem:$0x3FDB];
	_ =	sdelay $0x1  }
0x99: {  	s4 =	simm.s32 $_scs_section_size  }
0x9a: {  	s5 =	simm.s32 $_size__tile_overlayer_lowered;
	s6 =	simm.s32 $_tile_overlayer_lowered  }
0x9b: {  	s22 =	simm.s32 $0x1BFF;
	s21 =	sshll.u32 s6, $0x1;
	s3 =	sadd.s32 s4, s19  }
0x9c: {  	s7 =	simm.s32 $0x0;
	s20 =	sshll.u32 s5, $0x1;
	s5 =	sadd.s32 s21, s3  }
0x9d: {  	[timem:s7], [sflag:s22] =	dma.local [hbm:s5], s20  }
0x9e: {  	_ =	swait.ge [sflag:s22], s20  }
0x9f: {  	s4 =	ssub.s32 $0x0, s20;
	[sflag:s22] =	ssyncset.done $0x0  }
0xa0: {  	[sflag:s22] =	ssyncadd.s32 s4;
	_ =	sdelay $0x1  }
0xa1: {  	s23 =	simm.s32 $0x1B8B  }
0xa2: {  	_ =	swait.ge [sflag:s23], $0x1  }
0xa3: {  	[sflag:s23] =	ssyncset.done $0x0  }
0xa4: {  	s25 =	simm.s32 $0x1B8E;
	s24 =	sld [smem:$0x3FFE];
	[sflag:s23] =	ssyncadd.s32 $0xFFFFFFFF  }
0xa5: {  	s26 =	simm.s32 $execute0_lowered;
	[smem:$0x3FD2] =	sst s25  }
0xa6: {  	s5 =	sshll.u32 s26, $0x1;
	_ =	strace $0x8000004C;
	[dreg:$0x1] =	wrdreg $0xFFFFFFFF  }
0xa7: {  	s28 =	simm.s32 $_size_execute0_lowered;
	s3 =	sadd.s32 s3, s5;
	[dreg:$0x0] =	wrdreg $0x0  }
0xa8: {  	s5 =	sshll.u32 s28, $0x1;
	[dreg:$0x2] =	wrdreg s3  }
0xa9: {  	[dreg:$0x3] =	wrdreg s5  }
0xaa: {  	[dreg:$0x4] =	wrdreg $0xC0  }
0xab: {  	_ =	task [dreg:s7], $0x5FFFF  }
0xac: {  	[dreg:$0x1] =	wrdreg $0xFFFFFFFF  }
0xad: {  	[dreg:$0x0] =	wrdreg $0x60  }
0xae: {  	[dreg:$0x2] =	wrdreg s24  }
0xaf: {  	[dreg:$0x3] =	wrdreg s2  }
0xb0: {  	[dreg:$0x4] =	wrdreg $0x96C80  }
0xb1: {  	[dreg:$0x5] =	wrdreg $0x35200  }
0xb2: {  	[dreg:$0x6] =	wrdreg $0x9  }
0xb3: {  	_ =	task.clear_ibuf [dreg:s7], $0x7FFFF;
	_ =	strace $0x9000004C  }
0xb4: {  	s29 =	simm.s32 $0x9;
	_ =	strace $0x8000004E  }
0xb5: {  	_ =	swait.ge [sflag:s29], $0x1  }
0xb6: {  	[sflag:s29] =	ssyncadd.s32 $0xFFFFFFFF  }
0xb7: {  	_ =	strace $0x9000004E  }
0xb8: {  	_ =	sfence  }
0xb9: {  	s30 =	sld [smem:$0x0];
	_ =	sdelay $0x2  }
0xba: {  	s31 =	sshll.u32 s1, $0xD;
	s1 =	sshrl.u32 s1, $0x2  }
0xbb: {  	s3 =	sand.u32 $0x4000, s31;
	s1 =	sadd.s32 s1, s30  }
0xbc: {  	s0 =	sor.u32 s3, s0;
	s1 =	sshll.u32 s1, $0x11  }
0xbd: {  	s0 =	sor.u32 s1, s0  }
0xbe: {  	s0 =	sadd.s32 $0x8F2B, s0  }
0xbf: {  	[sflag:s0] =	ssyncadd.remote.s32 $0x1  }
0xc0: {  	_ =	sfence.sel $0xFFFF  }
0xc1: {  	[dreg:$0x0] =	wrdreg $0xFFFFFFFF;
	(pc) =	sbr.abs _section_cstart, $3  }
0xc2: {  	[dreg:$0x1] =	wrdreg $0xFFFFFFFF  }
0xc3: {  	_ =	task.clear_ibuf [dreg:s7], $0x2FFFF;
	_ =	strace $0x9FFFFFFF  }
0xc4: {  	(tm) =	ssettm $0x7FFFFFFF  }
0xc5: {  	_ =	shalt  }
tec
execute0_lowered:
.L_overlay_start_1:
0x0: {  	(tag) =	ssettag $0x1  }
0x1: {  	s6 =	rddreg [dreg:$0x0]  }
0x2: {  	s7 =	rddreg [dreg:$0x1]  }
0x3: {  	s2 =	rddreg [dreg:$0x2]  }
0x4: {  	s3 =	rddreg [dreg:$0x3]  }
0x5: {  	s0 =	rddreg [dreg:$0x4]  }
0x6: {  	s1 =	stileid.u32;
	s5 =	srdreg.scid;
	s4 =	simm.s32 $0x0  }
0x7: {  	s16 =	simm.s32 $0x50;
	s17 =	simm.s32 $0xFA0;
	s18 =	simm.s32 $0x1  }
0x8: {  	s19 =	simm.s32 $0x2;
	s8 =	smul.u32 $0x61A8, s1;
	s9 =	sand.u32 $0x1, s5  }
0x9: {  	s10 =	smul.u32 $0x62C0, s1;
	[smem:$0x7FF] =	sst s4;
	s5 =	sadd.s32 $0x53200, s6  }
0xa: {  	s31 =	sshll.u32 s1, $0x6;
	s11 =	smul.u32 $0x62C00, s9;
	_ =	strace $0x8000004D  }
0xb: {  	s13 =	ssub.s32 $0x2, s9;
	s9 =	sshll.u32 s9, $0x4;
	s12 =	sshrl.u32 s8, $0x3  }
0xc: {  	s14 =	sshrl.u32 s13, $0x1;
	s9 =	sor.u32 s1, s9;
	s29 =	sadd.s32 s10, s2  }
0xd: {  	s30 =	sshrl.u32 s10, $0x3;
	s15 =	sadd.s32 s8, s3;
	s12 =	sadd.s32 s12, s6  }
.Ltmp0:
0xe: {  	s11 =	sadd.s32 s10, s11;
	s13 =	ssub.s32 s13, s14;
	(pc) =	sbr.rel .LBB2_1-.Ltmp0, $4  }
0xf: {  	s9 =	smul.u32 $0x2710, s9;
	s14 =	sshrl.u32 s15, $0x3;
	s15 =	simm.s32 $0x7D0  }
0x10: {  	s11 =	sshrl.u32 s11, $0x3;
	s8 =	sadd.s32 $0x2A00, s12;
	s12 =	sshrl.u32 s29, $0x3  }
0x11: {  	s11 =	sadd.s32 s11, s6;
	s6 =	sadd.s32 s7, s30;
	s7 =	sor.u32 $0x1C03, s31  }
0x12: {  	s10 =	sadd.s32 $0xEE00, s11;
	s11 =	smax.u32 s13, $0x1;
	s13 =	simm.s32 $0x3  }
.LBB2_13:
0x13: {  	s4 =	sadd.s32 $0x1, s4  }
0x14: {  	p0 =	sne.s32 s4, s11  }
.Ltmp1:
0x15: {  	[bflag:$0x0] =	sbarrier.arrive $0xFFFF;
	(pc) =	sbr.rel @!p0 .LBB2_14-.Ltmp1, $4  }
0x16: {  	[hbm:s10], [sflag:s7] =	dma.local [spmem:s12], $0xC58  }
0x17: {  	_ =	swait.ge [sflag:s13], $0xC58  }
0x18: {  	[sflag:s13] =	ssyncset.done $0x0  }
0x19: {  	[sflag:s13] =	ssyncadd.s32 $0xFFFFF3A8  }
.LBB2_1:
0x1a: {  	[spmem:s12], [sflag:s7] =	dma.local [hbm:s6], $0xC58  }
0x1b: {  	_ =	swait.ge [sflag:s13], $0xC58  }
0x1c: {  	[sflag:s13] =	ssyncset.done $0x0  }
0x1d: {  	[sflag:s13] =	ssyncadd.s32 $0xFFFFF3A8  }
0x1e: {  	[spmem:s14], [sflag:s7] =	dma.local [hbm:s8], $0xC35  }
.Ltmp2:
0x1f: {  	_ =	swait.ge [sflag:s13], $0xC35;
	(pc) =	sbr.rel .LBB2_2-.Ltmp2, $4  }
0x20: {  	[sflag:s13] =	ssyncset.done $0x0  }
0x21: {  	[sflag:s13] =	ssyncadd.s32 $0xFFFFF3CB  }
0x22: {  	[bflag:$0x0] =	sbarrier.arrive $0xFFFF  }
0x23: {  	s20 =	simm.s32 $0x0  }
.LBB2_12:
0x24: {  	s20 =	sadd.s32 $0x1, s20  }
0x25: {  	_ =	swait.ge [sflag:s19], $0xC80;
	p0 =	sne.s32 s20, $0x5  }
.Ltmp3:
0x26: {  	[sflag:s19] =	ssyncset.done $0x0;
	(pc) =	sbr.rel @!p0 .LBB2_13-.Ltmp3, $4  }
0x27: {  	[sflag:s19] =	ssyncadd.s32 $0xFFFFF380  }
0x28: {  	_ =	swait.ge [sflag:s19], $0xC80  }
0x29: {  	[sflag:s19] =	ssyncset.done $0x0  }
0x2a: {  	[sflag:s19] =	ssyncadd.s32 $0xFFFFF380  }
.LBB2_2:
0x2b: {  	s21 =	smul.u32 $0x7D0, s20;
	_ =	sdelay $0x1  }
0x2c: {  	s21 =	sadd.s32 s9, s21  }
0x2d: {  	s21 =	sshrl.u32 s21, $0x3  }
0x2e: {  	s22 =	sadd.s32 s5, s21  }
0x2f: {  	s21 =	simm.s32 $0x0;
	s23 =	sadd.s32 $0x13880, s22  }
0x30: {  	[tilespmem:s21], [sflag:$0x3] =	stream.linear.gather [hbm4b:s23+s21], $0x7D0, $0x38;
	[tilespmem:$0xF988] =	vst v63  }
0x31: {  	_ =	swait.ge [sflag:s13], $0x7D0  }
0x32: {  	[sflag:s13] =	ssyncset.done $0x0  }
0x33: {  	s22 =	sadd.s32 $0x1D4C0, s22;
	[sflag:s13] =	ssyncadd.s32 $0xFFFFF830  }
0x34: {  	[tilespmem:s15], [sflag:$0x3] =	stream.linear.gather [hbm4b:s22+s21], $0x7D0, $0x38;
	[tilespmem:$0xF988] =	vst v63  }
.Ltmp4:
0x35: {  	_ = 	snop;
	(pc) =	sbr.rel .LBB2_3-.Ltmp4, $4  }
0x36: {  	_ =	swait.ge [sflag:s13], $0x7D0  }
0x37: {  	[sflag:s13] =	ssyncset.done $0x0  }
0x38: {  	s22 =	simm.s32 $0x0;
	[sflag:s13] =	ssyncadd.s32 $0xFFFFF830  }
0x39: {  	[tilespmem:s17], [sflag:$0x1] =	stream.indirect.gather [spmem:s3], $0x28, s21, s16, $0xb8;
	[tilespmem:$0xF988] =	vst v63  }
.LBB2_10:
0x3a: {  	s25 =	sshra.s32 s21, $0x2  }
0x3b: {  	s25 =	sadd.s32 $0x50, s25  }
0x3c: {  	[tilespmem:s24], [sflag:$0x1] =	stream.indirect.gather [spmem:s3], $0x28, s25, s16, $0xb8;
	[tilespmem:$0xF988] =	vst v63  }
0x3d: {  	s25 =	smov.u32 s21  }
.LBB2_11:
0x3e: {  	s21 =	sadd.s32 $0x140, s21  }
0x3f: {  	p0 =	sne.s32 s21, $0x1F40  }
.Ltmp5:
0x40: {  	_ = 	snop;
	(pc) =	sbr.rel @!p0 .LBB2_12-.Ltmp5, $4  }
0x41: {  	_ = 	snop  }
0x42: {  	s24 =	sshra.s32 s25, $0x2  }
0x43: {  	s22 =	sadd.s32 $0x1, s22;
	s24 =	sadd.s32 $0x7D0, s24  }
0x44: {  	[spmem:s2] =	stream.indirect.scatter.add.f32 [tilespmem:s23], [sflag:$0x2], $0x28, s24, s16, $0xb8;
	[tilespmem:$0xF988] =	vst v63  }
.LBB2_3:
0x45: {  	s23 =	smul.u32 $0xAB, s22;
	_ =	sdelay $0x1  }
0x46: {  	s23 =	sshrl.u32 s23, $0x9  }
0x47: {  	s23 =	sand.u32 $0x7F, s23  }
0x48: {  	s23 =	smul.u32 $0x3, s23;
	_ =	sdelay $0x1  }
0x49: {  	s23 =	ssub.s32 s22, s23  }
0x4a: {  	s23 =	sand.u32 $0xFF, s23  }
0x4b: {  	p0 =	seq.s32 s23, $0x2  }
.Ltmp6:
0x4c: {  	_ = 	snop;
	(pc) =	sbr.rel @p0 .LBB2_9-.Ltmp6, $4  }
0x4d: {  	_ = 	snop  }
0x4e: {  	_ =	swait.ge [sflag:s18], $0xC80  }
0x4f: {  	[sflag:s18] =	ssyncset.done $0x0  }
0x50: {  	[sflag:s18] =	ssyncadd.s32 $0xFFFFF380  }
0x51: {  	p0 =	seq.s32 s23, $0x1  }
.Ltmp7:
0x52: {  	_ = 	snop;
	(pc) =	sbr.rel @!p0 .LBB2_5-.Ltmp7, $1  }
0x53: {  	_ =	sdelay $0x3  }
0x54: {  	p0 =	slt.u32 s22, $0x2  }
0x55: {  	p1 =	seq.s32 @!p0 s21, $0x1E00  }
0x56: {  	p1 =	por p0, !p1  }
.Ltmp8:
0x57: {  	_ = 	snop;
	(pc) =	sbr.rel @!p1 .LBB2_11-.Ltmp8, $4  }
0x58: {  	s23 =	simm.s32 @!p0 $0x2  }
0x59: {  	_ =	swait.ge @!p0 [sflag:s23], $0xC80  }
0x5a: {  	[sflag:s23] =	ssyncset.done @!p0 $0x0  }
0x5b: {  	s25 =	simm.s32 @!p0 $0x1E00;
	[sflag:s23] =	ssyncadd.s32 @!p0 $0xFFFFF380;
	s23 =	simm.s32 @!p0 $0x1C20  }
.Ltmp9:
0x5c: {  	(pc) =	sbr.rel .LBB2_10-.Ltmp9, $3  }
0x5d: {  	_ =	sdelay $0x1  }
0x5e: {  	s24 =	simm.s32 @!p0 $0x28A0  }
0x5f: {  	s23 =	simm.s32 @p0 $0x1C20;
	s24 =	simm.s32 @p0 $0x28A0  }
.LBB2_9:
0x60: {  	p0 =	seq.s32 s21, $0x1E00  }
.Ltmp10:
0x61: {  	_ = 	snop;
	(pc) =	sbr.rel @p0 .LBB2_11-.Ltmp10, $4  }
.Ltmp11:
0x62: {  	_ = 	snop;
	(pc) =	sbr.rel @!p0 .LBB2_10-.Ltmp11, $4  }
0x63: {  	_ =	swait.ge [sflag:s19], $0xC80  }
0x64: {  	s24 =	simm.s32 $0xFA0;
	[sflag:s19] =	ssyncset.done $0x0  }
0x65: {  	s23 =	simm.s32 $0x28A0;
	s25 =	simm.s32 $0x1E00;
	[sflag:s19] =	ssyncadd.s32 $0xFFFFF380  }
0x66: {  	_ = 	snop  }
.LBB2_5:
0x67: {  	p0 =	slt.u32 s22, $0x2  }
0x68: {  	p1 =	seq.s32 @!p0 s21, $0x1E00  }
0x69: {  	p1 =	por p0, !p1  }
.Ltmp12:
0x6a: {  	_ = 	snop;
	(pc) =	sbr.rel @!p1 .LBB2_11-.Ltmp12, $4  }
0x6b: {  	s23 =	simm.s32 @!p0 $0x2  }
0x6c: {  	_ =	swait.ge @!p0 [sflag:s23], $0xC80  }
0x6d: {  	[sflag:s23] =	ssyncset.done @!p0 $0x0  }
0x6e: {  	s25 =	simm.s32 @!p0 $0x1E00;
	[sflag:s23] =	ssyncadd.s32 @!p0 $0xFFFFF380;
	s23 =	simm.s32 @!p0 $0xFA0  }
.Ltmp13:
0x6f: {  	(pc) =	sbr.rel .LBB2_10-.Ltmp13, $3  }
0x70: {  	_ =	sdelay $0x1  }
0x71: {  	s24 =	simm.s32 @!p0 $0x1C20  }
0x72: {  	s23 =	simm.s32 @p0 $0xFA0;
	s24 =	simm.s32 @p0 $0x1C20  }
.LBB2_14:
0x73: {  	_ =	sfence.sel $0x180000  }
0x74: {  	[bflag:$0x0] =	sbarrier.arrive $0xFFFF  }
0x75: {  	p0 =	sne.s32 s1, $0x0;
	_ =	strace $0x9000004D  }
0x76: {  	s0 =	sadd.s32 @!p0 $0x100000, s0;
	[bflag:$0x2] =	sbarrier.arrive $0xFFFF  }
0x77: {  	[sflag:s0] =	ssyncadd.tile.s32 @!p0 $0x1;
	_ =	shalt  }
.Lfunc_end2:
_tile_overlayer_lowered:
.L_overlay_start_2:
0x78: {  	(tag) =	ssettag $0x2  }
0x79: {  	s0 =	rddreg [dreg:$0x0];
	s2 =	stileid.u32  }
0x7a: {  	s1 =	rddreg [dreg:$0x1];
	p0 =	sne.s32 s2, $0x0  }
0x7b: {  	s3 =	rddreg [dreg:$0x2];
	[bflag:$0x3] =	sbarrier.arrive $0xFFFF;
	s2 =	simm.s32 @!p0 $0x1C03  }
0x7c: {  	[timem:s3], [sflag:s2] =	dma.local @!p0 [hbm:s0], s1  }
0x7d: {  	s0 =	simm.s32 @!p0 $0x3  }
0x7e: {  	_ =	swait.ge @!p0 [sflag:s0], s1  }
0x7f: {  	s1 =	ssub.s32 @!p0 $0x0, s1;
	[sflag:s0] =	ssyncset.done @!p0 $0x0  }
0x80: {  	[sflag:s0] =	ssyncadd.s32 @!p0 s1  }
0x81: {  	[bflag:$0x3] =	sbarrier.arrive $0xFFFF  }
0x82: {  	_ =	shalt  }

// kernel: _run.8.cloned.1.call-start
scs
__scs_entry_jumppad:
0x0: {  	(pc) =	sbr.rel $0x88, $3  }
0x1: {  	(tag) =	ssettag $0x0;
	lr =	simm.s32 $0x1  }
0x2: {  	[smem:$0x3F9B] =	sst lr;
	_ =	strace $0xD0000000  }
0x3: {  	_ = 	snop  }
0x4: {  	_ = 	snop  }
0x5: {  	_ = 	snop  }
0x6: {  	_ = 	snop  }
0x7: {  	_ = 	snop  }
__scs_overlays_trampoline_lowered:
0x8: {  	[smem:$0x3FAA] =	sst s0  }
0x9: {  	[smem:$0x3FAB] =	sst s1  }
0xa: {  	[smem:$0x3FAC] =	sst s2  }
0xb: {  	[smem:$0x3FAD] =	sst s3  }
0xc: {  	[smem:$0x3FAE] =	sst s4  }
0xd: {  	[smem:$0x3FAF] =	sst s5  }
0xe: {  	[smem:$0x3FB0] =	sst s6  }
0xf: {  	[smem:$0x3FB1] =	sst s7  }
0x10: {  	[smem:$0x3FB2] =	sst s8  }
0x11: {  	[smem:$0x3FB3] =	sst s9;
	s0 =	simm.s32 @!p0 $0x0  }
0x12: {  	s1 =	sld [smem:$0x3F99];
	s0 =	simm.s32 @p0 $0x1  }
0x13: {  	[smem:$0x3FB4] =	sst s0;
	s0 =	simm.s32 @!p1 $0x0  }
0x14: {  	s2 =	sld [smem:$0x3F98];
	s0 =	simm.s32 @p1 $0x1  }
0x15: {  	[smem:$0x3FB5] =	sst s0;
	s0 =	simm.s32 @!p2 $0x0  }
0x16: {  	s3 =	sld [smem:$0x3FDB];
	s0 =	simm.s32 @p2 $0x1  }
0x17: {  	s4 =	simm.s32 $0x1BF5;
	[smem:$0x3FB7] =	sst s0  }
0x18: {  	s0 =	sld [smem:$0x3F9A];
	_ =	swait.ge [sflag:s4], $0x0  }
0x19: {  	s7 =	sld [smem:$0x3F9B]  }
0x1a: {  	s8 =	sadd.s32 $0xFFFFE003, lr  }
0x1b: {  	s9 =	sadd.s32 $0xFFFFFEF7, lr;
	s5 =	simm.s32 $0xFFFFFFFF;
	p2 =	slt.u32 s8, $0xFFFFF086  }
0x1c: {  	p1 =	slt.u32 s9, $0xF7A;
	s5 =	simm.s32 @!p2 $0x0  }
0x1d: {  	s5 =	simm.s32 @p1 $0x1;
	p0 =	seq.s32 s7, s2  }
0x1e: {  	s7 =	smul.u32 @!p0 $0xF7A, s2;
	p2 =	seq.s32 @!p0 s5, $0x0  }
0x1f: {  	s9 =	smul.u32 $0xF7A, s1;
	s8 =	simm.s32 @!p0 $0x1BF5;
	p2 =	por !p2, p0  }
0x20: {  	[sflag:s8] =	ssyncset.s32 @!p0 $0xFFFFF086;
	s6 =	sadd.s32 @!p0 s3, s7;
	s7 =	simm.s32 @!p0 $0x108  }
0x21: {  	s3 =	sadd.s32 s3, s9;
	s6 =	sadd.s32 @!p0 $0x88, s6;
	s7 =	simm.s32 @p2 $0x1082  }
0x22: {  	[simem:s7], [sflag:s8] =	dma.local @!p0 [hbm:s6], $0xF7A  }
0x23: {  	s9 =	sor.u32 $0xD0000000, s2;
	s6 =	simm.s32 $0x108;
	_ =	swait.ge @!p0 [sflag:s8], $0x0  }
0x24: {  	s3 =	sadd.s32 $0x88, s3;
	s6 =	simm.s32 @!p1 $0x1082;
	[sflag:s4] =	ssyncset.s32 $0xFFFFF086  }
0x25: {  	[simem:s6], [sflag:s4] =	dma.local [hbm:s3], $0xF7A  }
0x26: {  	[smem:$0x3F9B] =	sst s1;
	(tag) =	ssettag s2;
	_ =	strace s9  }
0x27: {  	s1 =	sld [smem:$0x3FAB]  }
0x28: {  	s2 =	sld [smem:$0x3FAC]  }
0x29: {  	s4 =	sld [smem:$0x3FAE]  }
0x2a: {  	p0 =	seq.s32 s5, $0x0;
	s5 =	sld [smem:$0x3FAF]  }
0x2b: {  	s6 =	sld [smem:$0x3FB0]  }
0x2c: {  	s7 =	sld [smem:$0x3FB1]  }
0x2d: {  	s3 =	simm.s32 $0x108;
	s8 =	sld [smem:$0x3FB2]  }
0x2e: {  	s3 =	simm.s32 @!p0 $0x1082;
	s9 =	sld [smem:$0x3FB3]  }
0x2f: {  	lr =	sadd.s32 s0, s3;
	s0 =	sld [smem:$0x3FAA]  }
0x30: {  	s3 =	sld [smem:$0x3FAD]  }
0x31: {  	[smem:$0x3FB6] =	sst s10  }
0x32: {  	s10 =	sld [smem:$0x3FB4];
	_ =	sdelay $0x3  }
0x33: {  	p0 =	seq.s32 s10, $0x1;
	s10 =	sld [smem:$0x3FB6];
	_ =	sdelay $0x3  }
0x34: {  	[smem:$0x3FB6] =	sst s10  }
0x35: {  	s10 =	sld [smem:$0x3FB5];
	_ =	sdelay $0x3  }
0x36: {  	p1 =	seq.s32 s10, $0x1;
	s10 =	sld [smem:$0x3FB6];
	_ =	sdelay $0x3  }
0x37: {  	[smem:$0x3FB6] =	sst s10  }
0x38: {  	s10 =	sld [smem:$0x3FB7]  }
0x39: {  	_ = 	snop;
	(pc) =	sbr.ind lr, $3  }
0x3a: {  	_ = 	snop  }
0x3b: {  	_ = 	snop  }
0x3c: {  	p2 =	seq.s32 s10, $0x1;
	s10 =	sld [smem:$0x3FB6]  }
0x3d: {  	_ =	shalt  }
0x3e: {  	_ =	shalt  }
0x3f: {  	_ =	shalt  }
0x40: {  	_ =	shalt  }
0x41: {  	_ =	shalt  }
0x42: {  	_ =	shalt  }
0x43: {  	_ =	shalt  }
0x44: {  	_ =	shalt  }
0x45: {  	_ =	shalt  }
0x46: {  	_ =	shalt  }
0x47: {  	_ =	shalt  }
0x48: {  	_ =	shalt  }
0x49: {  	_ =	shalt  }
0x4a: {  	_ =	shalt  }
0x4b: {  	_ =	shalt  }
0x4c: {  	_ =	shalt  }
0x4d: {  	_ =	shalt  }
0x4e: {  	_ =	shalt  }
0x4f: {  	_ =	shalt  }
0x50: {  	_ =	shalt  }
0x51: {  	_ =	shalt  }
0x52: {  	_ =	shalt  }
0x53: {  	_ =	shalt  }
0x54: {  	_ =	shalt  }
0x55: {  	_ =	shalt  }
0x56: {  	_ =	shalt  }
0x57: {  	_ =	shalt  }
0x58: {  	_ =	shalt  }
0x59: {  	_ =	shalt  }
0x5a: {  	_ =	shalt  }
0x5b: {  	_ =	shalt  }
0x5c: {  	_ =	shalt  }
0x5d: {  	_ =	shalt  }
0x5e: {  	_ =	shalt  }
0x5f: {  	_ =	shalt  }
0x60: {  	_ =	shalt  }
0x61: {  	_ =	shalt  }
0x62: {  	_ =	shalt  }
0x63: {  	_ =	shalt  }
0x64: {  	_ =	shalt  }
0x65: {  	_ =	shalt  }
0x66: {  	_ =	shalt  }
0x67: {  	_ =	shalt  }
0x68: {  	_ =	shalt  }
0x69: {  	_ =	shalt  }
0x6a: {  	_ =	shalt  }
0x6b: {  	_ =	shalt  }
0x6c: {  	_ =	shalt  }
0x6d: {  	_ =	shalt  }
0x6e: {  	_ =	shalt  }
0x6f: {  	_ =	shalt  }
0x70: {  	_ =	shalt  }
0x71: {  	_ =	shalt  }
0x72: {  	_ =	shalt  }
0x73: {  	_ =	shalt  }
0x74: {  	_ =	shalt  }
0x75: {  	_ =	shalt  }
0x76: {  	_ =	shalt  }
0x77: {  	_ =	shalt  }
0x78: {  	_ =	shalt  }
0x79: {  	_ =	shalt  }
0x7a: {  	_ =	shalt  }
0x7b: {  	_ =	shalt  }
0x7c: {  	_ =	shalt  }
0x7d: {  	_ =	shalt  }
0x7e: {  	_ =	shalt  }
0x7f: {  	_ =	shalt  }
0x80: {  	_ =	shalt  }
0x81: {  	_ =	shalt  }
0x82: {  	_ =	shalt  }
0x83: {  	_ =	shalt  }
0x84: {  	_ =	shalt  }
0x85: {  	_ =	shalt  }
0x86: {  	_ =	shalt  }
0x87: {  	_ =	shalt  }
.Lfunc_end0:
.L_simem_size_0:
called_computation_lowered:
.L_overlay_start_0:
0x88: {  	s2 =	sld [smem:$0x3FD9]  }
0x89: {  	s3 =	sld [smem:$0x3FFE];
	_ =	sdelay $0x1  }
0x8a: {  	s1 =	srdreg.scid  }
0x8b: {  	s0 =	sand.u32 $0x1, s1  }
0x8c: {  	s17 =	sshll.u32 s0, $0xA;
	s2 =	sadd.s32 s3, s2  }
0x8d: {  	s2 =	sadd.s32 s2, s17  }
0x8e: {  	[smem:$0x3FC2] =	sst s2  }
0x8f: {  	_ = 	snop  }
0x90: {  	s2 =	sld [smem:$0x3FD0];
	(tm) =	ssettm $0x1  }
0x91: {  	s18 =	sld [smem:$0x3FFB];
	_ =	sdelay $0x3  }
0x92: {  	_ =	strace s18  }
0x93: {  	s3 =	sld [smem:$0x3FFC];
	_ =	sdelay $0x3  }
0x94: {  	_ =	strace s3  }
0x95: {  	s3 =	sld [smem:$0x3FFD];
	_ =	sdelay $0x3  }
0x96: {  	_ =	strace s3  }
0x97: {  	_ =	strace $0x8FFFFFFF  }
0x98: {  	s19 =	sld [smem:$0x3FDB];
	_ =	sdelay $0x1  }
0x99: {  	s4 =	simm.s32 $_scs_section_size  }
0x9a: {  	s5 =	simm.s32 $_size__tile_overlayer_lowered;
	s6 =	simm.s32 $_tile_overlayer_lowered  }
0x9b: {  	s22 =	simm.s32 $0x1BFF;
	s21 =	sshll.u32 s6, $0x1;
	s3 =	sadd.s32 s4, s19  }
0x9c: {  	s7 =	simm.s32 $0x0;
	s20 =	sshll.u32 s5, $0x1;
	s5 =	sadd.s32 s21, s3  }
0x9d: {  	[timem:s7], [sflag:s22] =	dma.local [hbm:s5], s20  }
0x9e: {  	_ =	swait.ge [sflag:s22], s20  }
0x9f: {  	s4 =	ssub.s32 $0x0, s20;
	[sflag:s22] =	ssyncset.done $0x0  }
0xa0: {  	[sflag:s22] =	ssyncadd.s32 s4;
	_ =	sdelay $0x1  }
0xa1: {  	s23 =	simm.s32 $0x1B8B  }
0xa2: {  	_ =	swait.ge [sflag:s23], $0x1  }
0xa3: {  	[sflag:s23] =	ssyncset.done $0x0  }
0xa4: {  	s25 =	simm.s32 $0x1B8E;
	s24 =	sld [smem:$0x3FFE];
	[sflag:s23] =	ssyncadd.s32 $0xFFFFFFFF  }
0xa5: {  	s26 =	simm.s32 $execute0_lowered;
	[smem:$0x3FD2] =	sst s25  }
0xa6: {  	s5 =	sshll.u32 s26, $0x1;
	_ =	strace $0x80000046;
	[dreg:$0x1] =	wrdreg $0xFFFFFFFF  }
0xa7: {  	s28 =	simm.s32 $_size_execute0_lowered;
	s3 =	sadd.s32 s3, s5;
	[dreg:$0x0] =	wrdreg $0x0  }
0xa8: {  	s5 =	sshll.u32 s28, $0x1;
	[dreg:$0x2] =	wrdreg s3  }
0xa9: {  	[dreg:$0x3] =	wrdreg s5  }
0xaa: {  	[dreg:$0x4] =	wrdreg $0xC0  }
0xab: {  	_ =	task [dreg:s7], $0x5FFFF  }
0xac: {  	[dreg:$0x1] =	wrdreg $0xFFFFFFFF  }
0xad: {  	[dreg:$0x0] =	wrdreg $0x60  }
0xae: {  	[dreg:$0x2] =	wrdreg s24  }
0xaf: {  	[dreg:$0x3] =	wrdreg s2  }
0xb0: {  	[dreg:$0x4] =	wrdreg $0x20800  }
0xb1: {  	[dreg:$0x5] =	wrdreg $0x23000  }
0xb2: {  	[dreg:$0x6] =	wrdreg $0x9  }
0xb3: {  	_ =	task.clear_ibuf [dreg:s7], $0x7FFFF;
	_ =	strace $0x90000046  }
0xb4: {  	s29 =	simm.s32 $0x9;
	_ =	strace $0x80000048  }
0xb5: {  	_ =	swait.ge [sflag:s29], $0x1  }
0xb6: {  	[sflag:s29] =	ssyncadd.s32 $0xFFFFFFFF  }
0xb7: {  	_ =	strace $0x90000048  }
0xb8: {  	_ =	sfence  }
0xb9: {  	s30 =	sld [smem:$0x0];
	_ =	sdelay $0x2  }
0xba: {  	s31 =	sshll.u32 s1, $0xD;
	s1 =	sshrl.u32 s1, $0x2  }
0xbb: {  	s3 =	sand.u32 $0x4000, s31;
	s1 =	sadd.s32 s1, s30  }
0xbc: {  	s0 =	sor.u32 s3, s0;
	s1 =	sshll.u32 s1, $0x11  }
0xbd: {  	s0 =	sor.u32 s1, s0  }
0xbe: {  	s0 =	sadd.s32 $0x8F2B, s0  }
0xbf: {  	[sflag:s0] =	ssyncadd.remote.s32 $0x1  }
0xc0: {  	_ =	sfence.sel $0xFFFF  }
0xc1: {  	[dreg:$0x0] =	wrdreg $0xFFFFFFFF;
	(pc) =	sbr.abs _section_cstart, $3  }
0xc2: {  	[dreg:$0x1] =	wrdreg $0xFFFFFFFF  }
0xc3: {  	_ =	task.clear_ibuf [dreg:s7], $0x2FFFF;
	_ =	strace $0x9FFFFFFF  }
0xc4: {  	(tm) =	ssettm $0x7FFFFFFF  }
0xc5: {  	_ =	shalt  }
tec
execute0_lowered:
.L_overlay_start_1:
0x0: {  	(tag) =	ssettag $0x1  }
0x1: {  	s0 =	rddreg [dreg:$0x0]  }
0x2: {  	s5 =	rddreg [dreg:$0x1]  }
0x3: {  	s1 =	srdreg.scid;
	s2 =	rddreg [dreg:$0x2]  }
0x4: {  	s11 =	stileid.u32;
	s3 =	rddreg [dreg:$0x3];
	s1 =	sand.u32 $0x1, s1  }
0x5: {  	s8 =	smul.u32 $0x280, s11;
	s10 =	sadd.s32 $0x53000, s0;
	s15 =	sshll.u32 s11, $0x6  }
0x6: {  	s4 =	sshll.u32 s1, $0x4;
	s9 =	ssub.s32 $0x2, s1;
	s16 =	smul.u32 $0x5000, s1  }
0x7: {  	s6 =	sor.u32 s11, s4;
	s4 =	simm.s32 $0x0;
	s7 =	sshrl.u32 s8, $0x3  }
0x8: {  	s12 =	sshrl.u32 s9, $0x1;
	s14 =	sadd.s32 s8, s2;
	s6 =	smul.u32 $0x5000, s6  }
0x9: {  	[smem:$0x7FF] =	sst s4;
	s13 =	ssub.s32 s9, s12;
	s12 =	sor.u32 $0x1C02, s15  }
0xa: {  	s1 =	sshrl.u32 s14, $0x3;
	_ =	strace $0x80000047;
	[dreg:$0x5] =	wrdreg s10  }
0xb: {  	s31 =	smax.u32 s13, $0x1;
	[dreg:$0x14] =	wrdreg s1;
	s6 =	sshrl.u32 s6, $0x3  }
0xc: {  	[dreg:$0x16] =	wrdreg s12;
	s6 =	sadd.s32 s6, s0;
	s0 =	sadd.s32 s7, s0  }
0xd: {  	[dreg:$0x13] =	wrdreg s31;
	s0 =	sadd.s32 $0x52A00, s0  }
0xe: {  	s18 =	sadd.s32 $0x16A00, s6;
	[dreg:$0x6] =	wrdreg s0  }
0xf: {  	s19 =	sadd.s32 $0x16C00, s6;
	[dreg:$0x7] =	wrdreg s18  }
0x10: {  	s20 =	sadd.s32 $0x16E00, s6;
	[dreg:$0x8] =	wrdreg s19  }
0x11: {  	s21 =	sadd.s32 $0x17000, s6;
	[dreg:$0x9] =	wrdreg s20  }
0x12: {  	s22 =	sadd.s32 $0x17200, s6;
	[dreg:$0xa] =	wrdreg s21  }
0x13: {  	s23 =	sadd.s32 $0x3EA00, s6;
	[dreg:$0xb] =	wrdreg s22  }
0x14: {  	s24 =	sadd.s32 $0x3EC00, s6;
	[dreg:$0xc] =	wrdreg s23  }
0x15: {  	s29 =	simm.s32 $0x1;
	s25 =	sadd.s32 $0x3EE00, s6;
	[dreg:$0xd] =	wrdreg s24  }
0x16: {  	s26 =	sadd.s32 $0x3F000, s6;
	s0 =	sadd.s32 s8, s16;
	[dreg:$0xe] =	wrdreg s25  }
0x17: {  	s28 =	sadd.s32 $0x3F200, s6;
	[dreg:$0x10] =	wrdreg s26;
	s0 =	sshrl.u32 s0, $0x3  }
0x18: {  	s30 =	simm.s32 $0x0;
	[dreg:$0x11] =	wrdreg s28;
	s0 =	sadd.s32 s5, s0  }
0x19: {  	s17 =	sadd.s32 s8, s3;
	[dreg:$0xf] =	wrdreg s0;
	s0 =	sadd.s32 $0x500, s0  }
0x1a: {  	s22 =	simm.s32 $0x2;
	[dreg:$0x12] =	wrdreg s0;
	s0 =	sshrl.u32 s17, $0x3  }
0x1b: {  	s24 =	simm.s32 $0x2000;
	s25 =	simm.s32 $0x50;
	[dreg:$0x15] =	wrdreg s0  }
.LBB2_1:
0x1c: {  	s31 =	rddreg [dreg:$0x6]  }
0x1d: {  	[spmem:s1], [sflag:s12] =	dma.local [hbm:s31], $0x50  }
0x1e: {  	_ =	swait.ge [sflag:s22], $0x50  }
0x1f: {  	[sflag:s22] =	ssyncset.done $0x0  }
0x20: {  	[sflag:s22] =	ssyncadd.s32 $0xFFFFFFB0  }
0x21: {  	[spmem:s0], [sflag:s12] =	dma.local [hbm:s31], $0x50  }
0x22: {  	_ =	swait.ge [sflag:s22], $0x50  }
0x23: {  	[sflag:s22] =	ssyncset.done $0x0  }
0x24: {  	s31 =	rddreg [dreg:$0x5];
	[sflag:s22] =	ssyncadd.s32 $0xFFFFFFB0  }
0x25: {  	[tilespmem:s24], [sflag:$0x2] =	stream.linear.gather [hbm4b:s31+s4], $0x80, $0x38;
	[tilespmem:$0x2580] =	vst v63  }
0x26: {  	_ =	swait.ge [sflag:s22], $0x80  }
0x27: {  	[sflag:s22] =	ssyncset.done $0x0  }
0x28: {  	[sflag:s22] =	ssyncadd.s32 $0xFFFFFF80  }
0x29: {  	[bflag:$0x0] =	sbarrier.arrive $0xFFFF  }
0x2a: {  	s31 =	rddreg [dreg:$0x7]  }
0x2b: {  	[tilespmem:s4], [sflag:$0x2] =	stream.linear.gather [hbm4b:s31+s4], $0xC80, $0x38;
	[tilespmem:$0x2580] =	vst v63  }
0x2c: {  	_ =	swait.ge [sflag:s22], $0xC80  }
0x2d: {  	[sflag:s22] =	ssyncset.done $0x0  }
0x2e: {  	[sflag:s22] =	ssyncadd.s32 $0xFFFFF380  }
0x2f: {  	[spmem:s2] =	stream.indirect.scatter.add.f32 [tilespmem:s24], [sflag:$0x1], $0x1, s4, s25, $0xb8;
	[tilespmem:$0x2580] =	vst v63  }
0x30: {  	s1 =	simm.s32 $0x80  }
0x31: {  	[spmem:s2] =	stream.indirect.scatter.add.f32 [tilespmem:s24], [sflag:$0x1], $0x1, s1, s25, $0xb8;
	[tilespmem:$0x2580] =	vst v63  }
0x32: {  	s5 =	simm.s32 $0x100  }
0x33: {  	[spmem:s2] =	stream.indirect.scatter.add.f32 [tilespmem:s24], [sflag:$0x1], $0x1, s5, s25, $0xb8;
	[tilespmem:$0x2580] =	vst v63  }
0x34: {  	s6 =	simm.s32 $0x180  }
0x35: {  	[spmem:s2] =	stream.indirect.scatter.add.f32 [tilespmem:s24], [sflag:$0x1], $0x1, s6, s25, $0xb8;
	[tilespmem:$0x2580] =	vst v63  }
0x36: {  	s7 =	simm.s32 $0x200  }
0x37: {  	[spmem:s2] =	stream.indirect.scatter.add.f32 [tilespmem:s24], [sflag:$0x1], $0x1, s7, s25, $0xb8;
	[tilespmem:$0x2580] =	vst v63  }
0x38: {  	s8 =	simm.s32 $0x280  }
0x39: {  	[spmem:s2] =	stream.indirect.scatter.add.f32 [tilespmem:s24], [sflag:$0x1], $0x1, s8, s25, $0xb8;
	[tilespmem:$0x2580] =	vst v63  }
0x3a: {  	s9 =	simm.s32 $0x300  }
0x3b: {  	[spmem:s2] =	stream.indirect.scatter.add.f32 [tilespmem:s24], [sflag:$0x1], $0x1, s9, s25, $0xb8;
	[tilespmem:$0x2580] =	vst v63  }
0x3c: {  	s10 =	simm.s32 $0x380  }
0x3d: {  	[spmem:s2] =	stream.indirect.scatter.add.f32 [tilespmem:s24], [sflag:$0x1], $0x1, s10, s25, $0xb8;
	[tilespmem:$0x2580] =	vst v63  }
0x3e: {  	s11 =	simm.s32 $0x400  }
0x3f: {  	[spmem:s2] =	stream.indirect.scatter.add.f32 [tilespmem:s24], [sflag:$0x1], $0x1, s11, s25, $0xb8;
	[tilespmem:$0x2580] =	vst v63  }
0x40: {  	s12 =	simm.s32 $0x480  }
0x41: {  	[spmem:s2] =	stream.indirect.scatter.add.f32 [tilespmem:s24], [sflag:$0x1], $0x1, s12, s25, $0xb8;
	[tilespmem:$0x2580] =	vst v63  }
0x42: {  	s13 =	simm.s32 $0x500  }
0x43: {  	[spmem:s2] =	stream.indirect.scatter.add.f32 [tilespmem:s24], [sflag:$0x1], $0x1, s13, s25, $0xb8;
	[tilespmem:$0x2580] =	vst v63  }
0x44: {  	s14 =	simm.s32 $0x580  }
0x45: {  	[spmem:s2] =	stream.indirect.scatter.add.f32 [tilespmem:s24], [sflag:$0x1], $0x1, s14, s25, $0xb8;
	[tilespmem:$0x2580] =	vst v63  }
0x46: {  	s15 =	simm.s32 $0x600  }
0x47: {  	[spmem:s2] =	stream.indirect.scatter.add.f32 [tilespmem:s24], [sflag:$0x1], $0x1, s15, s25, $0xb8;
	[tilespmem:$0x2580] =	vst v63  }
0x48: {  	s16 =	simm.s32 $0x680  }
0x49: {  	[spmem:s2] =	stream.indirect.scatter.add.f32 [tilespmem:s24], [sflag:$0x1], $0x1, s16, s25, $0xb8;
	[tilespmem:$0x2580] =	vst v63  }
0x4a: {  	s17 =	simm.s32 $0x700  }
0x4b: {  	[spmem:s2] =	stream.indirect.scatter.add.f32 [tilespmem:s24], [sflag:$0x1], $0x1, s17, s25, $0xb8;
	[tilespmem:$0x2580] =	vst v63  }
0x4c: {  	s18 =	simm.s32 $0x780  }
0x4d: {  	[spmem:s2] =	stream.indirect.scatter.add.f32 [tilespmem:s24], [sflag:$0x1], $0x1, s18, s25, $0xb8;
	[tilespmem:$0x2580] =	vst v63  }
0x4e: {  	s19 =	simm.s32 $0x800  }
0x4f: {  	[spmem:s2] =	stream.indirect.scatter.add.f32 [tilespmem:s24], [sflag:$0x1], $0x1, s19, s25, $0xb8;
	[tilespmem:$0x2580] =	vst v63  }
0x50: {  	s20 =	simm.s32 $0x880  }
0x51: {  	[spmem:s2] =	stream.indirect.scatter.add.f32 [tilespmem:s24], [sflag:$0x1], $0x1, s20, s25, $0xb8;
	[tilespmem:$0x2580] =	vst v63  }
0x52: {  	s21 =	simm.s32 $0x900  }
0x53: {  	[spmem:s2] =	stream.indirect.scatter.add.f32 [tilespmem:s24], [sflag:$0x1], $0x1, s21, s25, $0xb8;
	[tilespmem:$0x2580] =	vst v63  }
0x54: {  	s23 =	simm.s32 $0x980  }
0x55: {  	[spmem:s2] =	stream.indirect.scatter.add.f32 [tilespmem:s24], [sflag:$0x1], $0x1, s23, s25, $0xb8;
	[tilespmem:$0x2580] =	vst v63  }
0x56: {  	s26 =	simm.s32 $0xA00  }
0x57: {  	[spmem:s2] =	stream.indirect.scatter.add.f32 [tilespmem:s24], [sflag:$0x1], $0x1, s26, s25, $0xb8;
	[tilespmem:$0x2580] =	vst v63  }
0x58: {  	s28 =	simm.s32 $0xA80  }
0x59: {  	[spmem:s2] =	stream.indirect.scatter.add.f32 [tilespmem:s24], [sflag:$0x1], $0x1, s28, s25, $0xb8;
	[tilespmem:$0x2580] =	vst v63  }
0x5a: {  	s1 =	simm.s32 $0xB00  }
0x5b: {  	[spmem:s2] =	stream.indirect.scatter.add.f32 [tilespmem:s24], [sflag:$0x1], $0x1, s1, s25, $0xb8;
	[tilespmem:$0x2580] =	vst v63  }
0x5c: {  	s1 =	simm.s32 $0xB80  }
0x5d: {  	[spmem:s2] =	stream.indirect.scatter.add.f32 [tilespmem:s24], [sflag:$0x1], $0x1, s1, s25, $0xb8;
	[tilespmem:$0x2580] =	vst v63  }
0x5e: {  	s1 =	simm.s32 $0xC00  }
0x5f: {  	[spmem:s2] =	stream.indirect.scatter.add.f32 [tilespmem:s24], [sflag:$0x1], $0x1, s1, s25, $0xb8;
	[tilespmem:$0x2580] =	vst v63  }
0x60: {  	s31 =	rddreg [dreg:$0x8];
	s1 =	simm.s32 $0x1000  }
0x61: {  	[tilespmem:s1], [sflag:$0x2] =	stream.linear.gather [hbm4b:s31+s4], $0xC80, $0x38;
	[tilespmem:$0x2580] =	vst v63  }
0x62: {  	_ =	swait.ge [sflag:s22], $0xC80  }
0x63: {  	[sflag:s22] =	ssyncset.done $0x0  }
0x64: {  	[sflag:s22] =	ssyncadd.s32 $0xFFFFF380  }
0x65: {  	[spmem:s2] =	stream.indirect.scatter.add.f32 [tilespmem:s24], [sflag:$0x1], $0x1, s1, s25, $0xb8;
	[tilespmem:$0x2580] =	vst v63  }
0x66: {  	s31 =	simm.s32 $0x1080  }
0x67: {  	[spmem:s2] =	stream.indirect.scatter.add.f32 [tilespmem:s24], [sflag:$0x1], $0x1, s31, s25, $0xb8;
	[tilespmem:$0x2580] =	vst v63  }
0x68: {  	s31 =	simm.s32 $0x1100  }
0x69: {  	[spmem:s2] =	stream.indirect.scatter.add.f32 [tilespmem:s24], [sflag:$0x1], $0x1, s31, s25, $0xb8;
	[tilespmem:$0x2580] =	vst v63  }
0x6a: {  	s31 =	simm.s32 $0x1180  }
0x6b: {  	[spmem:s2] =	stream.indirect.scatter.add.f32 [tilespmem:s24], [sflag:$0x1], $0x1, s31, s25, $0xb8;
	[tilespmem:$0x2580] =	vst v63  }
0x6c: {  	s31 =	simm.s32 $0x1200  }
0x6d: {  	[spmem:s2] =	stream.indirect.scatter.add.f32 [tilespmem:s24], [sflag:$0x1], $0x1, s31, s25, $0xb8;
	[tilespmem:$0x2580] =	vst v63  }
0x6e: {  	s31 =	simm.s32 $0x1280  }
0x6f: {  	[spmem:s2] =	stream.indirect.scatter.add.f32 [tilespmem:s24], [sflag:$0x1], $0x1, s31, s25, $0xb8;
	[tilespmem:$0x2580] =	vst v63  }
0x70: {  	s31 =	simm.s32 $0x1300  }
0x71: {  	[spmem:s2] =	stream.indirect.scatter.add.f32 [tilespmem:s24], [sflag:$0x1], $0x1, s31, s25, $0xb8;
	[tilespmem:$0x2580] =	vst v63  }
0x72: {  	s31 =	simm.s32 $0x1380  }
0x73: {  	[spmem:s2] =	stream.indirect.scatter.add.f32 [tilespmem:s24], [sflag:$0x1], $0x1, s31, s25, $0xb8;
	[tilespmem:$0x2580] =	vst v63  }
0x74: {  	s31 =	simm.s32 $0x1400  }
0x75: {  	[spmem:s2] =	stream.indirect.scatter.add.f32 [tilespmem:s24], [sflag:$0x1], $0x1, s31, s25, $0xb8;
	[tilespmem:$0x2580] =	vst v63  }
0x76: {  	s31 =	simm.s32 $0x1480  }
0x77: {  	[spmem:s2] =	stream.indirect.scatter.add.f32 [tilespmem:s24], [sflag:$0x1], $0x1, s31, s25, $0xb8;
	[tilespmem:$0x2580] =	vst v63  }
0x78: {  	s31 =	simm.s32 $0x1500  }
0x79: {  	[spmem:s2] =	stream.indirect.scatter.add.f32 [tilespmem:s24], [sflag:$0x1], $0x1, s31, s25, $0xb8;
	[tilespmem:$0x2580] =	vst v63  }
0x7a: {  	s31 =	simm.s32 $0x1580  }
0x7b: {  	[spmem:s2] =	stream.indirect.scatter.add.f32 [tilespmem:s24], [sflag:$0x1], $0x1, s31, s25, $0xb8;
	[tilespmem:$0x2580] =	vst v63  }
0x7c: {  	s31 =	simm.s32 $0x1600  }
0x7d: {  	[spmem:s2] =	stream.indirect.scatter.add.f32 [tilespmem:s24], [sflag:$0x1], $0x1, s31, s25, $0xb8;
	[tilespmem:$0x2580] =	vst v63  }
0x7e: {  	s31 =	simm.s32 $0x1680  }
0x7f: {  	[spmem:s2] =	stream.indirect.scatter.add.f32 [tilespmem:s24], [sflag:$0x1], $0x1, s31, s25, $0xb8;
	[tilespmem:$0x2580] =	vst v63  }
0x80: {  	s31 =	simm.s32 $0x1700  }
0x81: {  	[spmem:s2] =	stream.indirect.scatter.add.f32 [tilespmem:s24], [sflag:$0x1], $0x1, s31, s25, $0xb8;
	[tilespmem:$0x2580] =	vst v63  }
0x82: {  	s31 =	simm.s32 $0x1780  }
0x83: {  	[spmem:s2] =	stream.indirect.scatter.add.f32 [tilespmem:s24], [sflag:$0x1], $0x1, s31, s25, $0xb8;
	[tilespmem:$0x2580] =	vst v63  }
0x84: {  	s31 =	simm.s32 $0x1800  }
0x85: {  	[spmem:s2] =	stream.indirect.scatter.add.f32 [tilespmem:s24], [sflag:$0x1], $0x1, s31, s25, $0xb8;
	[tilespmem:$0x2580] =	vst v63  }
0x86: {  	s31 =	simm.s32 $0x1880  }
0x87: {  	[spmem:s2] =	stream.indirect.scatter.add.f32 [tilespmem:s24], [sflag:$0x1], $0x1, s31, s25, $0xb8;
	[tilespmem:$0x2580] =	vst v63  }
0x88: {  	s31 =	simm.s32 $0x1900  }
0x89: {  	[spmem:s2] =	stream.indirect.scatter.add.f32 [tilespmem:s24], [sflag:$0x1], $0x1, s31, s25, $0xb8;
	[tilespmem:$0x2580] =	vst v63  }
0x8a: {  	s31 =	simm.s32 $0x1980  }
0x8b: {  	[spmem:s2] =	stream.indirect.scatter.add.f32 [tilespmem:s24], [sflag:$0x1], $0x1, s31, s25, $0xb8;
	[tilespmem:$0x2580] =	vst v63  }
0x8c: {  	s31 =	simm.s32 $0x1A00  }
0x8d: {  	[spmem:s2] =	stream.indirect.scatter.add.f32 [tilespmem:s24], [sflag:$0x1], $0x1, s31, s25, $0xb8;
	[tilespmem:$0x2580] =	vst v63  }
0x8e: {  	s31 =	simm.s32 $0x1A80  }
0x8f: {  	[spmem:s2] =	stream.indirect.scatter.add.f32 [tilespmem:s24], [sflag:$0x1], $0x1, s31, s25, $0xb8;
	[tilespmem:$0x2580] =	vst v63  }
0x90: {  	s31 =	simm.s32 $0x1B00  }
0x91: {  	[spmem:s2] =	stream.indirect.scatter.add.f32 [tilespmem:s24], [sflag:$0x1], $0x1, s31, s25, $0xb8;
	[tilespmem:$0x2580] =	vst v63  }
0x92: {  	s31 =	simm.s32 $0x1B80  }
0x93: {  	[spmem:s2] =	stream.indirect.scatter.add.f32 [tilespmem:s24], [sflag:$0x1], $0x1, s31, s25, $0xb8;
	[tilespmem:$0x2580] =	vst v63  }
0x94: {  	s31 =	simm.s32 $0x1C00  }
0x95: {  	[spmem:s2] =	stream.indirect.scatter.add.f32 [tilespmem:s24], [sflag:$0x1], $0x1, s31, s25, $0xb8;
	[tilespmem:$0x2580] =	vst v63  }
0x96: {  	_ =	swait.ge [sflag:s29], $0x50  }
0x97: {  	[sflag:s29] =	ssyncset.done $0x0  }
0x98: {  	[sflag:s29] =	ssyncadd.s32 $0xFFFFFFB0  }
0x99: {  	_ =	swait.ge [sflag:s29], $0x50  }
0x9a: {  	[sflag:s29] =	ssyncset.done $0x0  }
0x9b: {  	[sflag:s29] =	ssyncadd.s32 $0xFFFFFFB0  }
0x9c: {  	_ =	swait.ge [sflag:s29], $0x50  }
0x9d: {  	[sflag:s29] =	ssyncset.done $0x0  }
0x9e: {  	[sflag:s29] =	ssyncadd.s32 $0xFFFFFFB0  }
0x9f: {  	_ =	swait.ge [sflag:s29], $0x50  }
0xa0: {  	[sflag:s29] =	ssyncset.done $0x0  }
0xa1: {  	[sflag:s29] =	ssyncadd.s32 $0xFFFFFFB0  }
0xa2: {  	_ =	swait.ge [sflag:s29], $0x50  }
0xa3: {  	[sflag:s29] =	ssyncset.done $0x0  }
0xa4: {  	[sflag:s29] =	ssyncadd.s32 $0xFFFFFFB0  }
0xa5: {  	_ =	swait.ge [sflag:s29], $0x50  }
0xa6: {  	[sflag:s29] =	ssyncset.done $0x0  }
0xa7: {  	[sflag:s29] =	ssyncadd.s32 $0xFFFFFFB0  }
0xa8: {  	_ =	swait.ge [sflag:s29], $0x50  }
0xa9: {  	[sflag:s29] =	ssyncset.done $0x0  }
0xaa: {  	[sflag:s29] =	ssyncadd.s32 $0xFFFFFFB0  }
0xab: {  	_ =	swait.ge [sflag:s29], $0x50  }
0xac: {  	[sflag:s29] =	ssyncset.done $0x0  }
0xad: {  	[sflag:s29] =	ssyncadd.s32 $0xFFFFFFB0  }
0xae: {  	_ =	swait.ge [sflag:s29], $0x50  }
0xaf: {  	[sflag:s29] =	ssyncset.done $0x0  }
0xb0: {  	[sflag:s29] =	ssyncadd.s32 $0xFFFFFFB0  }
0xb1: {  	_ =	swait.ge [sflag:s29], $0x50  }
0xb2: {  	[sflag:s29] =	ssyncset.done $0x0  }
0xb3: {  	[sflag:s29] =	ssyncadd.s32 $0xFFFFFFB0  }
0xb4: {  	_ =	swait.ge [sflag:s29], $0x50  }
0xb5: {  	[sflag:s29] =	ssyncset.done $0x0  }
0xb6: {  	[sflag:s29] =	ssyncadd.s32 $0xFFFFFFB0  }
0xb7: {  	_ =	swait.ge [sflag:s29], $0x50  }
0xb8: {  	[sflag:s29] =	ssyncset.done $0x0  }
0xb9: {  	[sflag:s29] =	ssyncadd.s32 $0xFFFFFFB0  }
0xba: {  	_ =	swait.ge [sflag:s29], $0x50  }
0xbb: {  	[sflag:s29] =	ssyncset.done $0x0  }
0xbc: {  	[sflag:s29] =	ssyncadd.s32 $0xFFFFFFB0  }
0xbd: {  	_ =	swait.ge [sflag:s29], $0x50  }
0xbe: {  	[sflag:s29] =	ssyncset.done $0x0  }
0xbf: {  	[sflag:s29] =	ssyncadd.s32 $0xFFFFFFB0  }
0xc0: {  	_ =	swait.ge [sflag:s29], $0x50  }
0xc1: {  	[sflag:s29] =	ssyncset.done $0x0  }
0xc2: {  	[sflag:s29] =	ssyncadd.s32 $0xFFFFFFB0  }
0xc3: {  	_ =	swait.ge [sflag:s29], $0x50  }
0xc4: {  	[sflag:s29] =	ssyncset.done $0x0  }
0xc5: {  	[sflag:s29] =	ssyncadd.s32 $0xFFFFFFB0  }
0xc6: {  	_ =	swait.ge [sflag:s29], $0x50  }
0xc7: {  	[sflag:s29] =	ssyncset.done $0x0  }
0xc8: {  	[sflag:s29] =	ssyncadd.s32 $0xFFFFFFB0  }
0xc9: {  	_ =	swait.ge [sflag:s29], $0x50  }
0xca: {  	[sflag:s29] =	ssyncset.done $0x0  }
0xcb: {  	[sflag:s29] =	ssyncadd.s32 $0xFFFFFFB0  }
0xcc: {  	_ =	swait.ge [sflag:s29], $0x50  }
0xcd: {  	[sflag:s29] =	ssyncset.done $0x0  }
0xce: {  	[sflag:s29] =	ssyncadd.s32 $0xFFFFFFB0  }
0xcf: {  	_ =	swait.ge [sflag:s29], $0x50  }
0xd0: {  	[sflag:s29] =	ssyncset.done $0x0  }
0xd1: {  	[sflag:s29] =	ssyncadd.s32 $0xFFFFFFB0  }
0xd2: {  	_ =	swait.ge [sflag:s29], $0x50  }
0xd3: {  	[sflag:s29] =	ssyncset.done $0x0  }
0xd4: {  	[sflag:s29] =	ssyncadd.s32 $0xFFFFFFB0  }
0xd5: {  	_ =	swait.ge [sflag:s29], $0x50  }
0xd6: {  	[sflag:s29] =	ssyncset.done $0x0  }
0xd7: {  	[sflag:s29] =	ssyncadd.s32 $0xFFFFFFB0  }
0xd8: {  	_ =	swait.ge [sflag:s29], $0x50  }
0xd9: {  	[sflag:s29] =	ssyncset.done $0x0  }
0xda: {  	[sflag:s29] =	ssyncadd.s32 $0xFFFFFFB0  }
0xdb: {  	_ =	swait.ge [sflag:s29], $0x50  }
0xdc: {  	[sflag:s29] =	ssyncset.done $0x0  }
0xdd: {  	[sflag:s29] =	ssyncadd.s32 $0xFFFFFFB0  }
0xde: {  	_ =	swait.ge [sflag:s29], $0x50  }
0xdf: {  	[sflag:s29] =	ssyncset.done $0x0  }
0xe0: {  	s31 =	rddreg [dreg:$0x9];
	[sflag:s29] =	ssyncadd.s32 $0xFFFFFFB0  }
0xe1: {  	[tilespmem:s4], [sflag:$0x2] =	stream.linear.gather [hbm4b:s31+s4], $0xC80, $0x38;
	[tilespmem:$0x2580] =	vst v63  }
0xe2: {  	_ =	swait.ge [sflag:s22], $0xC80  }
0xe3: {  	[sflag:s22] =	ssyncset.done $0x0  }
0xe4: {  	[sflag:s22] =	ssyncadd.s32 $0xFFFFF380  }
0xe5: {  	[spmem:s2] =	stream.indirect.scatter.add.f32 [tilespmem:s24], [sflag:$0x1], $0x1, s4, s25, $0xb8;
	[tilespmem:$0x2580] =	vst v63  }
0xe6: {  	s31 =	simm.s32 $0x80  }
0xe7: {  	[spmem:s2] =	stream.indirect.scatter.add.f32 [tilespmem:s24], [sflag:$0x1], $0x1, s31, s25, $0xb8;
	[tilespmem:$0x2580] =	vst v63  }
0xe8: {  	s5 =	simm.s32 $0x100  }
0xe9: {  	[spmem:s2] =	stream.indirect.scatter.add.f32 [tilespmem:s24], [sflag:$0x1], $0x1, s5, s25, $0xb8;
	[tilespmem:$0x2580] =	vst v63  }
0xea: {  	s6 =	simm.s32 $0x180  }
0xeb: {  	[spmem:s2] =	stream.indirect.scatter.add.f32 [tilespmem:s24], [sflag:$0x1], $0x1, s6, s25, $0xb8;
	[tilespmem:$0x2580] =	vst v63  }
0xec: {  	s7 =	simm.s32 $0x200  }
0xed: {  	[spmem:s2] =	stream.indirect.scatter.add.f32 [tilespmem:s24], [sflag:$0x1], $0x1, s7, s25, $0xb8;
	[tilespmem:$0x2580] =	vst v63  }
0xee: {  	s8 =	simm.s32 $0x280  }
0xef: {  	[spmem:s2] =	stream.indirect.scatter.add.f32 [tilespmem:s24], [sflag:$0x1], $0x1, s8, s25, $0xb8;
	[tilespmem:$0x2580] =	vst v63  }
0xf0: {  	s9 =	simm.s32 $0x300  }
0xf1: {  	[spmem:s2] =	stream.indirect.scatter.add.f32 [tilespmem:s24], [sflag:$0x1], $0x1, s9, s25, $0xb8;
	[tilespmem:$0x2580] =	vst v63  }
0xf2: {  	s10 =	simm.s32 $0x380  }
0xf3: {  	[spmem:s2] =	stream.indirect.scatter.add.f32 [tilespmem:s24], [sflag:$0x1], $0x1, s10, s25, $0xb8;
	[tilespmem:$0x2580] =	vst v63  }
0xf4: {  	s11 =	simm.s32 $0x400  }
0xf5: {  	[spmem:s2] =	stream.indirect.scatter.add.f32 [tilespmem:s24], [sflag:$0x1], $0x1, s11, s25, $0xb8;
	[tilespmem:$0x2580] =	vst v63  }
0xf6: {  	s12 =	simm.s32 $0x480  }
0xf7: {  	[spmem:s2] =	stream.indirect.scatter.add.f32 [tilespmem:s24], [sflag:$0x1], $0x1, s12, s25, $0xb8;
	[tilespmem:$0x2580] =	vst v63  }
0xf8: {  	s13 =	simm.s32 $0x500  }
0xf9: {  	[spmem:s2] =	stream.indirect.scatter.add.f32 [tilespmem:s24], [sflag:$0x1], $0x1, s13, s25, $0xb8;
	[tilespmem:$0x2580] =	vst v63  }
0xfa: {  	s14 =	simm.s32 $0x580  }
0xfb: {  	[spmem:s2] =	stream.indirect.scatter.add.f32 [tilespmem:s24], [sflag:$0x1], $0x1, s14, s25, $0xb8;
	[tilespmem:$0x2580] =	vst v63  }
0xfc: {  	s15 =	simm.s32 $0x600  }
0xfd: {  	[spmem:s2] =	stream.indirect.scatter.add.f32 [tilespmem:s24], [sflag:$0x1], $0x1, s15, s25, $0xb8;
	[tilespmem:$0x2580] =	vst v63  }
0xfe: {  	s16 =	simm.s32 $0x680  }
0xff: {  	[spmem:s2] =	stream.indirect.scatter.add.f32 [tilespmem:s24], [sflag:$0x1], $0x1, s16, s25, $0xb8;
	[tilespmem:$0x2580] =	vst v63  }
0x100: {  	s17 =	simm.s32 $0x700  }
0x101: {  	[spmem:s2] =	stream.indirect.scatter.add.f32 [tilespmem:s24], [sflag:$0x1], $0x1, s17, s25, $0xb8;
	[tilespmem:$0x2580] =	vst v63  }
0x102: {  	s18 =	simm.s32 $0x780  }
0x103: {  	[spmem:s2] =	stream.indirect.scatter.add.f32 [tilespmem:s24], [sflag:$0x1], $0x1, s18, s25, $0xb8;
	[tilespmem:$0x2580] =	vst v63  }
0x104: {  	s19 =	simm.s32 $0x800  }
0x105: {  	[spmem:s2] =	stream.indirect.scatter.add.f32 [tilespmem:s24], [sflag:$0x1], $0x1, s19, s25, $0xb8;
	[tilespmem:$0x2580] =	vst v63  }
0x106: {  	s20 =	simm.s32 $0x880  }
0x107: {  	[spmem:s2] =	stream.indirect.scatter.add.f32 [tilespmem:s24], [sflag:$0x1], $0x1, s20, s25, $0xb8;
	[tilespmem:$0x2580] =	vst v63  }
0x108: {  	s21 =	simm.s32 $0x900  }
0x109: {  	[spmem:s2] =	stream.indirect.scatter.add.f32 [tilespmem:s24], [sflag:$0x1], $0x1, s21, s25, $0xb8;
	[tilespmem:$0x2580] =	vst v63  }
0x10a: {  	s23 =	simm.s32 $0x980  }
0x10b: {  	[spmem:s2] =	stream.indirect.scatter.add.f32 [tilespmem:s24], [sflag:$0x1], $0x1, s23, s25, $0xb8;
	[tilespmem:$0x2580] =	vst v63  }
0x10c: {  	s26 =	simm.s32 $0xA00  }
0x10d: {  	[spmem:s2] =	stream.indirect.scatter.add.f32 [tilespmem:s24], [sflag:$0x1], $0x1, s26, s25, $0xb8;
	[tilespmem:$0x2580] =	vst v63  }
0x10e: {  	s28 =	simm.s32 $0xA80  }
0x10f: {  	[spmem:s2] =	stream.indirect.scatter.add.f32 [tilespmem:s24], [sflag:$0x1], $0x1, s28, s25, $0xb8;
	[tilespmem:$0x2580] =	vst v63  }
0x110: {  	s23 =	simm.s32 $0xB00  }
0x111: {  	[spmem:s2] =	stream.indirect.scatter.add.f32 [tilespmem:s24], [sflag:$0x1], $0x1, s23, s25, $0xb8;
	[tilespmem:$0x2580] =	vst v63  }
0x112: {  	s26 =	simm.s32 $0xB80  }
0x113: {  	[spmem:s2] =	stream.indirect.scatter.add.f32 [tilespmem:s24], [sflag:$0x1], $0x1, s26, s25, $0xb8;
	[tilespmem:$0x2580] =	vst v63  }
0x114: {  	s28 =	simm.s32 $0xC00  }
0x115: {  	[spmem:s2] =	stream.indirect.scatter.add.f32 [tilespmem:s24], [sflag:$0x1], $0x1, s28, s25, $0xb8;
	[tilespmem:$0x2580] =	vst v63  }
0x116: {  	_ =	swait.ge [sflag:s29], $0x50  }
0x117: {  	[sflag:s29] =	ssyncset.done $0x0  }
0x118: {  	[sflag:s29] =	ssyncadd.s32 $0xFFFFFFB0  }
0x119: {  	_ =	swait.ge [sflag:s29], $0x50  }
0x11a: {  	[sflag:s29] =	ssyncset.done $0x0  }
0x11b: {  	[sflag:s29] =	ssyncadd.s32 $0xFFFFFFB0  }
0x11c: {  	_ =	swait.ge [sflag:s29], $0x50  }
0x11d: {  	[sflag:s29] =	ssyncset.done $0x0  }
0x11e: {  	[sflag:s29] =	ssyncadd.s32 $0xFFFFFFB0  }
0x11f: {  	_ =	swait.ge [sflag:s29], $0x50  }
0x120: {  	[sflag:s29] =	ssyncset.done $0x0  }
0x121: {  	[sflag:s29] =	ssyncadd.s32 $0xFFFFFFB0  }
0x122: {  	_ =	swait.ge [sflag:s29], $0x50  }
0x123: {  	[sflag:s29] =	ssyncset.done $0x0  }
0x124: {  	[sflag:s29] =	ssyncadd.s32 $0xFFFFFFB0  }
0x125: {  	_ =	swait.ge [sflag:s29], $0x50  }
0x126: {  	[sflag:s29] =	ssyncset.done $0x0  }
0x127: {  	[sflag:s29] =	ssyncadd.s32 $0xFFFFFFB0  }
0x128: {  	_ =	swait.ge [sflag:s29], $0x50  }
0x129: {  	[sflag:s29] =	ssyncset.done $0x0  }
0x12a: {  	[sflag:s29] =	ssyncadd.s32 $0xFFFFFFB0  }
0x12b: {  	_ =	swait.ge [sflag:s29], $0x50  }
0x12c: {  	[sflag:s29] =	ssyncset.done $0x0  }
0x12d: {  	[sflag:s29] =	ssyncadd.s32 $0xFFFFFFB0  }
0x12e: {  	_ =	swait.ge [sflag:s29], $0x50  }
0x12f: {  	[sflag:s29] =	ssyncset.done $0x0  }
0x130: {  	[sflag:s29] =	ssyncadd.s32 $0xFFFFFFB0  }
0x131: {  	_ =	swait.ge [sflag:s29], $0x50  }
0x132: {  	[sflag:s29] =	ssyncset.done $0x0  }
0x133: {  	[sflag:s29] =	ssyncadd.s32 $0xFFFFFFB0  }
0x134: {  	_ =	swait.ge [sflag:s29], $0x50  }
0x135: {  	[sflag:s29] =	ssyncset.done $0x0  }
0x136: {  	[sflag:s29] =	ssyncadd.s32 $0xFFFFFFB0  }
0x137: {  	_ =	swait.ge [sflag:s29], $0x50  }
0x138: {  	[sflag:s29] =	ssyncset.done $0x0  }
0x139: {  	[sflag:s29] =	ssyncadd.s32 $0xFFFFFFB0  }
0x13a: {  	_ =	swait.ge [sflag:s29], $0x50  }
0x13b: {  	[sflag:s29] =	ssyncset.done $0x0  }
0x13c: {  	[sflag:s29] =	ssyncadd.s32 $0xFFFFFFB0  }
0x13d: {  	_ =	swait.ge [sflag:s29], $0x50  }
0x13e: {  	[sflag:s29] =	ssyncset.done $0x0  }
0x13f: {  	[sflag:s29] =	ssyncadd.s32 $0xFFFFFFB0  }
0x140: {  	_ =	swait.ge [sflag:s29], $0x50  }
0x141: {  	[sflag:s29] =	ssyncset.done $0x0  }
0x142: {  	[sflag:s29] =	ssyncadd.s32 $0xFFFFFFB0  }
0x143: {  	_ =	swait.ge [sflag:s29], $0x50  }
0x144: {  	[sflag:s29] =	ssyncset.done $0x0  }
0x145: {  	[sflag:s29] =	ssyncadd.s32 $0xFFFFFFB0  }
0x146: {  	_ =	swait.ge [sflag:s29], $0x50  }
0x147: {  	[sflag:s29] =	ssyncset.done $0x0  }
0x148: {  	[sflag:s29] =	ssyncadd.s32 $0xFFFFFFB0  }
0x149: {  	_ =	swait.ge [sflag:s29], $0x50  }
0x14a: {  	[sflag:s29] =	ssyncset.done $0x0  }
0x14b: {  	[sflag:s29] =	ssyncadd.s32 $0xFFFFFFB0  }
0x14c: {  	_ =	swait.ge [sflag:s29], $0x50  }
0x14d: {  	[sflag:s29] =	ssyncset.done $0x0  }
0x14e: {  	[sflag:s29] =	ssyncadd.s32 $0xFFFFFFB0  }
0x14f: {  	_ =	swait.ge [sflag:s29], $0x50  }
0x150: {  	[sflag:s29] =	ssyncset.done $0x0  }
0x151: {  	[sflag:s29] =	ssyncadd.s32 $0xFFFFFFB0  }
0x152: {  	_ =	swait.ge [sflag:s29], $0x50  }
0x153: {  	[sflag:s29] =	ssyncset.done $0x0  }
0x154: {  	[sflag:s29] =	ssyncadd.s32 $0xFFFFFFB0  }
0x155: {  	_ =	swait.ge [sflag:s29], $0x50  }
0x156: {  	[sflag:s29] =	ssyncset.done $0x0  }
0x157: {  	[sflag:s29] =	ssyncadd.s32 $0xFFFFFFB0  }
0x158: {  	_ =	swait.ge [sflag:s29], $0x50  }
0x159: {  	[sflag:s29] =	ssyncset.done $0x0  }
0x15a: {  	[sflag:s29] =	ssyncadd.s32 $0xFFFFFFB0  }
0x15b: {  	_ =	swait.ge [sflag:s29], $0x50  }
0x15c: {  	[sflag:s29] =	ssyncset.done $0x0  }
0x15d: {  	[sflag:s29] =	ssyncadd.s32 $0xFFFFFFB0  }
0x15e: {  	_ =	swait.ge [sflag:s29], $0x50  }
0x15f: {  	[sflag:s29] =	ssyncset.done $0x0  }
0x160: {  	s1 =	simm.s32 $0x1000;
	s31 =	rddreg [dreg:$0xa];
	[sflag:s29] =	ssyncadd.s32 $0xFFFFFFB0  }
0x161: {  	[tilespmem:s1], [sflag:$0x2] =	stream.linear.gather [hbm4b:s31+s4], $0xC80, $0x38;
	[tilespmem:$0x2580] =	vst v63  }
0x162: {  	_ =	swait.ge [sflag:s22], $0xC80  }
0x163: {  	[sflag:s22] =	ssyncset.done $0x0  }
0x164: {  	[sflag:s22] =	ssyncadd.s32 $0xFFFFF380  }
0x165: {  	[spmem:s2] =	stream.indirect.scatter.add.f32 [tilespmem:s24], [sflag:$0x1], $0x1, s1, s25, $0xb8;
	[tilespmem:$0x2580] =	vst v63  }
0x166: {  	s0 =	simm.s32 $0x1080  }
0x167: {  	[spmem:s2] =	stream.indirect.scatter.add.f32 [tilespmem:s24], [sflag:$0x1], $0x1, s0, s25, $0xb8;
	[tilespmem:$0x2580] =	vst v63  }
0x168: {  	s6 =	simm.s32 $0x1100  }
0x169: {  	[spmem:s2] =	stream.indirect.scatter.add.f32 [tilespmem:s24], [sflag:$0x1], $0x1, s6, s25, $0xb8;
	[tilespmem:$0x2580] =	vst v63  }
0x16a: {  	s7 =	simm.s32 $0x1180  }
0x16b: {  	[spmem:s2] =	stream.indirect.scatter.add.f32 [tilespmem:s24], [sflag:$0x1], $0x1, s7, s25, $0xb8;
	[tilespmem:$0x2580] =	vst v63  }
0x16c: {  	s8 =	simm.s32 $0x1200  }
0x16d: {  	[spmem:s2] =	stream.indirect.scatter.add.f32 [tilespmem:s24], [sflag:$0x1], $0x1, s8, s25, $0xb8;
	[tilespmem:$0x2580] =	vst v63  }
0x16e: {  	s9 =	simm.s32 $0x1280  }
0x16f: {  	[spmem:s2] =	stream.indirect.scatter.add.f32 [tilespmem:s24], [sflag:$0x1], $0x1, s9, s25, $0xb8;
	[tilespmem:$0x2580] =	vst v63  }
0x170: {  	s10 =	simm.s32 $0x1300  }
0x171: {  	[spmem:s2] =	stream.indirect.scatter.add.f32 [tilespmem:s24], [sflag:$0x1], $0x1, s10, s25, $0xb8;
	[tilespmem:$0x2580] =	vst v63  }
0x172: {  	s11 =	simm.s32 $0x1380  }
0x173: {  	[spmem:s2] =	stream.indirect.scatter.add.f32 [tilespmem:s24], [sflag:$0x1], $0x1, s11, s25, $0xb8;
	[tilespmem:$0x2580] =	vst v63  }
0x174: {  	s12 =	simm.s32 $0x1400  }
0x175: {  	[spmem:s2] =	stream.indirect.scatter.add.f32 [tilespmem:s24], [sflag:$0x1], $0x1, s12, s25, $0xb8;
	[tilespmem:$0x2580] =	vst v63  }
0x176: {  	s13 =	simm.s32 $0x1480  }
0x177: {  	[spmem:s2] =	stream.indirect.scatter.add.f32 [tilespmem:s24], [sflag:$0x1], $0x1, s13, s25, $0xb8;
	[tilespmem:$0x2580] =	vst v63  }
0x178: {  	s14 =	simm.s32 $0x1500  }
0x179: {  	[spmem:s2] =	stream.indirect.scatter.add.f32 [tilespmem:s24], [sflag:$0x1], $0x1, s14, s25, $0xb8;
	[tilespmem:$0x2580] =	vst v63  }
0x17a: {  	s15 =	simm.s32 $0x1580  }
0x17b: {  	[spmem:s2] =	stream.indirect.scatter.add.f32 [tilespmem:s24], [sflag:$0x1], $0x1, s15, s25, $0xb8;
	[tilespmem:$0x2580] =	vst v63  }
0x17c: {  	s16 =	simm.s32 $0x1600  }
0x17d: {  	[spmem:s2] =	stream.indirect.scatter.add.f32 [tilespmem:s24], [sflag:$0x1], $0x1, s16, s25, $0xb8;
	[tilespmem:$0x2580] =	vst v63  }
0x17e: {  	s17 =	simm.s32 $0x1680  }
0x17f: {  	[spmem:s2] =	stream.indirect.scatter.add.f32 [tilespmem:s24], [sflag:$0x1], $0x1, s17, s25, $0xb8;
	[tilespmem:$0x2580] =	vst v63  }
0x180: {  	s18 =	simm.s32 $0x1700  }
0x181: {  	[spmem:s2] =	stream.indirect.scatter.add.f32 [tilespmem:s24], [sflag:$0x1], $0x1, s18, s25, $0xb8;
	[tilespmem:$0x2580] =	vst v63  }
0x182: {  	s19 =	simm.s32 $0x1780  }
0x183: {  	[spmem:s2] =	stream.indirect.scatter.add.f32 [tilespmem:s24], [sflag:$0x1], $0x1, s19, s25, $0xb8;
	[tilespmem:$0x2580] =	vst v63  }
0x184: {  	s20 =	simm.s32 $0x1800  }
0x185: {  	[spmem:s2] =	stream.indirect.scatter.add.f32 [tilespmem:s24], [sflag:$0x1], $0x1, s20, s25, $0xb8;
	[tilespmem:$0x2580] =	vst v63  }
0x186: {  	s21 =	simm.s32 $0x1880  }
0x187: {  	[spmem:s2] =	stream.indirect.scatter.add.f32 [tilespmem:s24], [sflag:$0x1], $0x1, s21, s25, $0xb8;
	[tilespmem:$0x2580] =	vst v63  }
0x188: {  	s23 =	simm.s32 $0x1900  }
0x189: {  	[spmem:s2] =	stream.indirect.scatter.add.f32 [tilespmem:s24], [sflag:$0x1], $0x1, s23, s25, $0xb8;
	[tilespmem:$0x2580] =	vst v63  }
0x18a: {  	s26 =	simm.s32 $0x1980  }
0x18b: {  	[spmem:s2] =	stream.indirect.scatter.add.f32 [tilespmem:s24], [sflag:$0x1], $0x1, s26, s25, $0xb8;
	[tilespmem:$0x2580] =	vst v63  }
0x18c: {  	s28 =	simm.s32 $0x1A00  }
0x18d: {  	[spmem:s2] =	stream.indirect.scatter.add.f32 [tilespmem:s24], [sflag:$0x1], $0x1, s28, s25, $0xb8;
	[tilespmem:$0x2580] =	vst v63  }
0x18e: {  	s28 =	simm.s32 $0x1A80  }
0x18f: {  	[spmem:s2] =	stream.indirect.scatter.add.f32 [tilespmem:s24], [sflag:$0x1], $0x1, s28, s25, $0xb8;
	[tilespmem:$0x2580] =	vst v63  }
0x190: {  	s31 =	simm.s32 $0x1B00  }
0x191: {  	[spmem:s2] =	stream.indirect.scatter.add.f32 [tilespmem:s24], [sflag:$0x1], $0x1, s31, s25, $0xb8;
	[tilespmem:$0x2580] =	vst v63  }
0x192: {  	s31 =	simm.s32 $0x1B80  }
0x193: {  	[spmem:s2] =	stream.indirect.scatter.add.f32 [tilespmem:s24], [sflag:$0x1], $0x1, s31, s25, $0xb8;
	[tilespmem:$0x2580] =	vst v63  }
0x194: {  	s31 =	simm.s32 $0x1C00  }
0x195: {  	[spmem:s2] =	stream.indirect.scatter.add.f32 [tilespmem:s24], [sflag:$0x1], $0x1, s31, s25, $0xb8;
	[tilespmem:$0x2580] =	vst v63  }
0x196: {  	_ =	swait.ge [sflag:s29], $0x50  }
0x197: {  	[sflag:s29] =	ssyncset.done $0x0  }
0x198: {  	[sflag:s29] =	ssyncadd.s32 $0xFFFFFFB0  }
0x199: {  	_ =	swait.ge [sflag:s29], $0x50  }
0x19a: {  	[sflag:s29] =	ssyncset.done $0x0  }
0x19b: {  	[sflag:s29] =	ssyncadd.s32 $0xFFFFFFB0  }
0x19c: {  	_ =	swait.ge [sflag:s29], $0x50  }
0x19d: {  	[sflag:s29] =	ssyncset.done $0x0  }
0x19e: {  	[sflag:s29] =	ssyncadd.s32 $0xFFFFFFB0  }
0x19f: {  	_ =	swait.ge [sflag:s29], $0x50  }
0x1a0: {  	[sflag:s29] =	ssyncset.done $0x0  }
0x1a1: {  	[sflag:s29] =	ssyncadd.s32 $0xFFFFFFB0  }
0x1a2: {  	_ =	swait.ge [sflag:s29], $0x50  }
0x1a3: {  	[sflag:s29] =	ssyncset.done $0x0  }
0x1a4: {  	[sflag:s29] =	ssyncadd.s32 $0xFFFFFFB0  }
0x1a5: {  	_ =	swait.ge [sflag:s29], $0x50  }
0x1a6: {  	[sflag:s29] =	ssyncset.done $0x0  }
0x1a7: {  	[sflag:s29] =	ssyncadd.s32 $0xFFFFFFB0  }
0x1a8: {  	_ =	swait.ge [sflag:s29], $0x50  }
0x1a9: {  	[sflag:s29] =	ssyncset.done $0x0  }
0x1aa: {  	[sflag:s29] =	ssyncadd.s32 $0xFFFFFFB0  }
0x1ab: {  	_ =	swait.ge [sflag:s29], $0x50  }
0x1ac: {  	[sflag:s29] =	ssyncset.done $0x0  }
0x1ad: {  	[sflag:s29] =	ssyncadd.s32 $0xFFFFFFB0  }
0x1ae: {  	_ =	swait.ge [sflag:s29], $0x50  }
0x1af: {  	[sflag:s29] =	ssyncset.done $0x0  }
0x1b0: {  	[sflag:s29] =	ssyncadd.s32 $0xFFFFFFB0  }
0x1b1: {  	_ =	swait.ge [sflag:s29], $0x50  }
0x1b2: {  	[sflag:s29] =	ssyncset.done $0x0  }
0x1b3: {  	[sflag:s29] =	ssyncadd.s32 $0xFFFFFFB0  }
0x1b4: {  	_ =	swait.ge [sflag:s29], $0x50  }
0x1b5: {  	[sflag:s29] =	ssyncset.done $0x0  }
0x1b6: {  	[sflag:s29] =	ssyncadd.s32 $0xFFFFFFB0  }
0x1b7: {  	_ =	swait.ge [sflag:s29], $0x50  }
0x1b8: {  	[sflag:s29] =	ssyncset.done $0x0  }
0x1b9: {  	[sflag:s29] =	ssyncadd.s32 $0xFFFFFFB0  }
0x1ba: {  	_ =	swait.ge [sflag:s29], $0x50  }
0x1bb: {  	[sflag:s29] =	ssyncset.done $0x0  }
0x1bc: {  	[sflag:s29] =	ssyncadd.s32 $0xFFFFFFB0  }
0x1bd: {  	_ =	swait.ge [sflag:s29], $0x50  }
0x1be: {  	[sflag:s29] =	ssyncset.done $0x0  }
0x1bf: {  	[sflag:s29] =	ssyncadd.s32 $0xFFFFFFB0  }
0x1c0: {  	_ =	swait.ge [sflag:s29], $0x50  }
0x1c1: {  	[sflag:s29] =	ssyncset.done $0x0  }
0x1c2: {  	[sflag:s29] =	ssyncadd.s32 $0xFFFFFFB0  }
0x1c3: {  	_ =	swait.ge [sflag:s29], $0x50  }
0x1c4: {  	[sflag:s29] =	ssyncset.done $0x0  }
0x1c5: {  	[sflag:s29] =	ssyncadd.s32 $0xFFFFFFB0  }
0x1c6: {  	_ =	swait.ge [sflag:s29], $0x50  }
0x1c7: {  	[sflag:s29] =	ssyncset.done $0x0  }
0x1c8: {  	[sflag:s29] =	ssyncadd.s32 $0xFFFFFFB0  }
0x1c9: {  	_ =	swait.ge [sflag:s29], $0x50  }
0x1ca: {  	[sflag:s29] =	ssyncset.done $0x0  }
0x1cb: {  	[sflag:s29] =	ssyncadd.s32 $0xFFFFFFB0  }
0x1cc: {  	_ =	swait.ge [sflag:s29], $0x50  }
0x1cd: {  	[sflag:s29] =	ssyncset.done $0x0  }
0x1ce: {  	[sflag:s29] =	ssyncadd.s32 $0xFFFFFFB0  }
0x1cf: {  	_ =	swait.ge [sflag:s29], $0x50  }
0x1d0: {  	[sflag:s29] =	ssyncset.done $0x0  }
0x1d1: {  	[sflag:s29] =	ssyncadd.s32 $0xFFFFFFB0  }
0x1d2: {  	_ =	swait.ge [sflag:s29], $0x50  }
0x1d3: {  	[sflag:s29] =	ssyncset.done $0x0  }
0x1d4: {  	[sflag:s29] =	ssyncadd.s32 $0xFFFFFFB0  }
0x1d5: {  	_ =	swait.ge [sflag:s29], $0x50  }
0x1d6: {  	[sflag:s29] =	ssyncset.done $0x0  }
0x1d7: {  	[sflag:s29] =	ssyncadd.s32 $0xFFFFFFB0  }
0x1d8: {  	_ =	swait.ge [sflag:s29], $0x50  }
0x1d9: {  	[sflag:s29] =	ssyncset.done $0x0  }
0x1da: {  	[sflag:s29] =	ssyncadd.s32 $0xFFFFFFB0  }
0x1db: {  	_ =	swait.ge [sflag:s29], $0x50  }
0x1dc: {  	[sflag:s29] =	ssyncset.done $0x0  }
0x1dd: {  	[sflag:s29] =	ssyncadd.s32 $0xFFFFFFB0  }
0x1de: {  	_ =	swait.ge [sflag:s29], $0x50  }
0x1df: {  	[sflag:s29] =	ssyncset.done $0x0  }
0x1e0: {  	s31 =	rddreg [dreg:$0xb];
	[sflag:s29] =	ssyncadd.s32 $0xFFFFFFB0  }
0x1e1: {  	[tilespmem:s4], [sflag:$0x2] =	stream.linear.gather [hbm4b:s31+s4], $0xC80, $0x38;
	[tilespmem:$0x2580] =	vst v63  }
0x1e2: {  	_ =	swait.ge [sflag:s22], $0xC80  }
0x1e3: {  	[sflag:s22] =	ssyncset.done $0x0  }
0x1e4: {  	[sflag:s22] =	ssyncadd.s32 $0xFFFFF380  }
0x1e5: {  	[spmem:s2] =	stream.indirect.scatter.add.f32 [tilespmem:s24], [sflag:$0x1], $0x1, s4, s25, $0xb8;
	[tilespmem:$0x2580] =	vst v63  }
0x1e6: {  	s31 =	simm.s32 $0x80  }
0x1e7: {  	[spmem:s2] =	stream.indirect.scatter.add.f32 [tilespmem:s24], [sflag:$0x1], $0x1, s31, s25, $0xb8;
	[tilespmem:$0x2580] =	vst v63  }
0x1e8: {  	s31 =	simm.s32 $0x100  }
0x1e9: {  	[spmem:s2] =	stream.indirect.scatter.add.f32 [tilespmem:s24], [sflag:$0x1], $0x1, s31, s25, $0xb8;
	[tilespmem:$0x2580] =	vst v63  }
0x1ea: {  	s31 =	simm.s32 $0x180  }
0x1eb: {  	[spmem:s2] =	stream.indirect.scatter.add.f32 [tilespmem:s24], [sflag:$0x1], $0x1, s31, s25, $0xb8;
	[tilespmem:$0x2580] =	vst v63  }
0x1ec: {  	s31 =	simm.s32 $0x200  }
0x1ed: {  	[spmem:s2] =	stream.indirect.scatter.add.f32 [tilespmem:s24], [sflag:$0x1], $0x1, s31, s25, $0xb8;
	[tilespmem:$0x2580] =	vst v63  }
0x1ee: {  	s31 =	simm.s32 $0x280  }
0x1ef: {  	[spmem:s2] =	stream.indirect.scatter.add.f32 [tilespmem:s24], [sflag:$0x1], $0x1, s31, s25, $0xb8;
	[tilespmem:$0x2580] =	vst v63  }
0x1f0: {  	s31 =	simm.s32 $0x300  }
0x1f1: {  	[spmem:s2] =	stream.indirect.scatter.add.f32 [tilespmem:s24], [sflag:$0x1], $0x1, s31, s25, $0xb8;
	[tilespmem:$0x2580] =	vst v63  }
0x1f2: {  	s31 =	simm.s32 $0x380  }
0x1f3: {  	[spmem:s2] =	stream.indirect.scatter.add.f32 [tilespmem:s24], [sflag:$0x1], $0x1, s31, s25, $0xb8;
	[tilespmem:$0x2580] =	vst v63  }
0x1f4: {  	s31 =	simm.s32 $0x400  }
0x1f5: {  	[spmem:s2] =	stream.indirect.scatter.add.f32 [tilespmem:s24], [sflag:$0x1], $0x1, s31, s25, $0xb8;
	[tilespmem:$0x2580] =	vst v63  }
0x1f6: {  	s31 =	simm.s32 $0x480  }
0x1f7: {  	[spmem:s2] =	stream.indirect.scatter.add.f32 [tilespmem:s24], [sflag:$0x1], $0x1, s31, s25, $0xb8;
	[tilespmem:$0x2580] =	vst v63  }
0x1f8: {  	s31 =	simm.s32 $0x500  }
0x1f9: {  	[spmem:s2] =	stream.indirect.scatter.add.f32 [tilespmem:s24], [sflag:$0x1], $0x1, s31, s25, $0xb8;
	[tilespmem:$0x2580] =	vst v63  }
0x1fa: {  	s31 =	simm.s32 $0x580  }
0x1fb: {  	[spmem:s2] =	stream.indirect.scatter.add.f32 [tilespmem:s24], [sflag:$0x1], $0x1, s31, s25, $0xb8;
	[tilespmem:$0x2580] =	vst v63  }
0x1fc: {  	s31 =	simm.s32 $0x600  }
0x1fd: {  	[spmem:s2] =	stream.indirect.scatter.add.f32 [tilespmem:s24], [sflag:$0x1], $0x1, s31, s25, $0xb8;
	[tilespmem:$0x2580] =	vst v63  }
0x1fe: {  	s31 =	simm.s32 $0x680  }
0x1ff: {  	[spmem:s2] =	stream.indirect.scatter.add.f32 [tilespmem:s24], [sflag:$0x1], $0x1, s31, s25, $0xb8;
	[tilespmem:$0x2580] =	vst v63  }
0x200: {  	s31 =	simm.s32 $0x700  }
0x201: {  	[spmem:s2] =	stream.indirect.scatter.add.f32 [tilespmem:s24], [sflag:$0x1], $0x1, s31, s25, $0xb8;
	[tilespmem:$0x2580] =	vst v63  }
0x202: {  	s31 =	simm.s32 $0x780  }
0x203: {  	[spmem:s2] =	stream.indirect.scatter.add.f32 [tilespmem:s24], [sflag:$0x1], $0x1, s31, s25, $0xb8;
	[tilespmem:$0x2580] =	vst v63  }
0x204: {  	s31 =	simm.s32 $0x800  }
0x205: {  	[spmem:s2] =	stream.indirect.scatter.add.f32 [tilespmem:s24], [sflag:$0x1], $0x1, s31, s25, $0xb8;
	[tilespmem:$0x2580] =	vst v63  }
0x206: {  	s31 =	simm.s32 $0x880  }
0x207: {  	[spmem:s2] =	stream.indirect.scatter.add.f32 [tilespmem:s24], [sflag:$0x1], $0x1, s31, s25, $0xb8;
	[tilespmem:$0x2580] =	vst v63  }
0x208: {  	s31 =	simm.s32 $0x900  }
0x209: {  	[spmem:s2] =	stream.indirect.scatter.add.f32 [tilespmem:s24], [sflag:$0x1], $0x1, s31, s25, $0xb8;
	[tilespmem:$0x2580] =	vst v63  }
0x20a: {  	s31 =	simm.s32 $0x980  }
0x20b: {  	[spmem:s2] =	stream.indirect.scatter.add.f32 [tilespmem:s24], [sflag:$0x1], $0x1, s31, s25, $0xb8;
	[tilespmem:$0x2580] =	vst v63  }
0x20c: {  	s31 =	simm.s32 $0xA00  }
0x20d: {  	[spmem:s2] =	stream.indirect.scatter.add.f32 [tilespmem:s24], [sflag:$0x1], $0x1, s31, s25, $0xb8;
	[tilespmem:$0x2580] =	vst v63  }
0x20e: {  	s31 =	simm.s32 $0xA80  }
0x20f: {  	[spmem:s2] =	stream.indirect.scatter.add.f32 [tilespmem:s24], [sflag:$0x1], $0x1, s31, s25, $0xb8;
	[tilespmem:$0x2580] =	vst v63  }
0x210: {  	s31 =	simm.s32 $0xB00  }
0x211: {  	[spmem:s2] =	stream.indirect.scatter.add.f32 [tilespmem:s24], [sflag:$0x1], $0x1, s31, s25, $0xb8;
	[tilespmem:$0x2580] =	vst v63  }
0x212: {  	s31 =	simm.s32 $0xB80  }
0x213: {  	[spmem:s2] =	stream.indirect.scatter.add.f32 [tilespmem:s24], [sflag:$0x1], $0x1, s31, s25, $0xb8;
	[tilespmem:$0x2580] =	vst v63  }
0x214: {  	s31 =	simm.s32 $0xC00  }
0x215: {  	[spmem:s2] =	stream.indirect.scatter.add.f32 [tilespmem:s24], [sflag:$0x1], $0x1, s31, s25, $0xb8;
	[tilespmem:$0x2580] =	vst v63  }
0x216: {  	_ =	swait.ge [sflag:s29], $0x50  }
0x217: {  	[sflag:s29] =	ssyncset.done $0x0  }
0x218: {  	[sflag:s29] =	ssyncadd.s32 $0xFFFFFFB0  }
0x219: {  	_ =	swait.ge [sflag:s29], $0x50  }
0x21a: {  	[sflag:s29] =	ssyncset.done $0x0  }
0x21b: {  	[sflag:s29] =	ssyncadd.s32 $0xFFFFFFB0  }
0x21c: {  	_ =	swait.ge [sflag:s29], $0x50  }
0x21d: {  	[sflag:s29] =	ssyncset.done $0x0  }
0x21e: {  	[sflag:s29] =	ssyncadd.s32 $0xFFFFFFB0  }
0x21f: {  	_ =	swait.ge [sflag:s29], $0x50  }
0x220: {  	[sflag:s29] =	ssyncset.done $0x0  }
0x221: {  	[sflag:s29] =	ssyncadd.s32 $0xFFFFFFB0  }
0x222: {  	_ =	swait.ge [sflag:s29], $0x50  }
0x223: {  	[sflag:s29] =	ssyncset.done $0x0  }
0x224: {  	[sflag:s29] =	ssyncadd.s32 $0xFFFFFFB0  }
0x225: {  	_ =	swait.ge [sflag:s29], $0x50  }
0x226: {  	[sflag:s29] =	ssyncset.done $0x0  }
0x227: {  	[sflag:s29] =	ssyncadd.s32 $0xFFFFFFB0  }
0x228: {  	_ =	swait.ge [sflag:s29], $0x50  }
0x229: {  	[sflag:s29] =	ssyncset.done $0x0  }
0x22a: {  	[sflag:s29] =	ssyncadd.s32 $0xFFFFFFB0  }
0x22b: {  	_ =	swait.ge [sflag:s29], $0x50  }
0x22c: {  	[sflag:s29] =	ssyncset.done $0x0  }
0x22d: {  	[sflag:s29] =	ssyncadd.s32 $0xFFFFFFB0  }
0x22e: {  	_ =	swait.ge [sflag:s29], $0x50  }
0x22f: {  	[sflag:s29] =	ssyncset.done $0x0  }
0x230: {  	[sflag:s29] =	ssyncadd.s32 $0xFFFFFFB0  }
0x231: {  	_ =	swait.ge [sflag:s29], $0x50  }
0x232: {  	[sflag:s29] =	ssyncset.done $0x0  }
0x233: {  	[sflag:s29] =	ssyncadd.s32 $0xFFFFFFB0  }
0x234: {  	_ =	swait.ge [sflag:s29], $0x50  }
0x235: {  	[sflag:s29] =	ssyncset.done $0x0  }
0x236: {  	[sflag:s29] =	ssyncadd.s32 $0xFFFFFFB0  }
0x237: {  	_ =	swait.ge [sflag:s29], $0x50  }
0x238: {  	[sflag:s29] =	ssyncset.done $0x0  }
0x239: {  	[sflag:s29] =	ssyncadd.s32 $0xFFFFFFB0  }
0x23a: {  	_ =	swait.ge [sflag:s29], $0x50  }
0x23b: {  	[sflag:s29] =	ssyncset.done $0x0  }
0x23c: {  	[sflag:s29] =	ssyncadd.s32 $0xFFFFFFB0  }
0x23d: {  	_ =	swait.ge [sflag:s29], $0x50  }
0x23e: {  	[sflag:s29] =	ssyncset.done $0x0  }
0x23f: {  	[sflag:s29] =	ssyncadd.s32 $0xFFFFFFB0  }
0x240: {  	_ =	swait.ge [sflag:s29], $0x50  }
0x241: {  	[sflag:s29] =	ssyncset.done $0x0  }
0x242: {  	[sflag:s29] =	ssyncadd.s32 $0xFFFFFFB0  }
0x243: {  	_ =	swait.ge [sflag:s29], $0x50  }
0x244: {  	[sflag:s29] =	ssyncset.done $0x0  }
0x245: {  	[sflag:s29] =	ssyncadd.s32 $0xFFFFFFB0  }
0x246: {  	_ =	swait.ge [sflag:s29], $0x50  }
0x247: {  	[sflag:s29] =	ssyncset.done $0x0  }
0x248: {  	[sflag:s29] =	ssyncadd.s32 $0xFFFFFFB0  }
0x249: {  	_ =	swait.ge [sflag:s29], $0x50  }
0x24a: {  	[sflag:s29] =	ssyncset.done $0x0  }
0x24b: {  	[sflag:s29] =	ssyncadd.s32 $0xFFFFFFB0  }
0x24c: {  	_ =	swait.ge [sflag:s29], $0x50  }
0x24d: {  	[sflag:s29] =	ssyncset.done $0x0  }
0x24e: {  	[sflag:s29] =	ssyncadd.s32 $0xFFFFFFB0  }
0x24f: {  	_ =	swait.ge [sflag:s29], $0x50  }
0x250: {  	[sflag:s29] =	ssyncset.done $0x0  }
0x251: {  	[sflag:s29] =	ssyncadd.s32 $0xFFFFFFB0  }
0x252: {  	_ =	swait.ge [sflag:s29], $0x50  }
0x253: {  	[sflag:s29] =	ssyncset.done $0x0  }
0x254: {  	[sflag:s29] =	ssyncadd.s32 $0xFFFFFFB0  }
0x255: {  	_ =	swait.ge [sflag:s29], $0x50  }
0x256: {  	[sflag:s29] =	ssyncset.done $0x0  }
0x257: {  	[sflag:s29] =	ssyncadd.s32 $0xFFFFFFB0  }
0x258: {  	_ =	swait.ge [sflag:s29], $0x50  }
0x259: {  	[sflag:s29] =	ssyncset.done $0x0  }
0x25a: {  	[sflag:s29] =	ssyncadd.s32 $0xFFFFFFB0  }
0x25b: {  	_ =	swait.ge [sflag:s29], $0x50  }
0x25c: {  	[sflag:s29] =	ssyncset.done $0x0  }
0x25d: {  	[sflag:s29] =	ssyncadd.s32 $0xFFFFFFB0  }
0x25e: {  	_ =	swait.ge [sflag:s29], $0x50  }
0x25f: {  	[sflag:s29] =	ssyncset.done $0x0  }
0x260: {  	s31 =	rddreg [dreg:$0xc];
	[sflag:s29] =	ssyncadd.s32 $0xFFFFFFB0  }
0x261: {  	[tilespmem:s1], [sflag:$0x2] =	stream.linear.gather [hbm4b:s31+s4], $0xC80, $0x38;
	[tilespmem:$0x2580] =	vst v63  }
0x262: {  	_ =	swait.ge [sflag:s22], $0xC80  }
0x263: {  	[sflag:s22] =	ssyncset.done $0x0  }
0x264: {  	[sflag:s22] =	ssyncadd.s32 $0xFFFFF380  }
0x265: {  	[spmem:s3] =	stream.indirect.scatter.add.f32 [tilespmem:s24], [sflag:$0x1], $0x1, s1, s25, $0xb8;
	[tilespmem:$0x2580] =	vst v63  }
0x266: {  	s0 =	simm.s32 $0x1080  }
0x267: {  	[spmem:s3] =	stream.indirect.scatter.add.f32 [tilespmem:s24], [sflag:$0x1], $0x1, s0, s25, $0xb8;
	[tilespmem:$0x2580] =	vst v63  }
0x268: {  	s5 =	simm.s32 $0x1100  }
0x269: {  	[spmem:s3] =	stream.indirect.scatter.add.f32 [tilespmem:s24], [sflag:$0x1], $0x1, s5, s25, $0xb8;
	[tilespmem:$0x2580] =	vst v63  }
0x26a: {  	s6 =	simm.s32 $0x1180  }
0x26b: {  	[spmem:s3] =	stream.indirect.scatter.add.f32 [tilespmem:s24], [sflag:$0x1], $0x1, s6, s25, $0xb8;
	[tilespmem:$0x2580] =	vst v63  }
0x26c: {  	s7 =	simm.s32 $0x1200  }
0x26d: {  	[spmem:s3] =	stream.indirect.scatter.add.f32 [tilespmem:s24], [sflag:$0x1], $0x1, s7, s25, $0xb8;
	[tilespmem:$0x2580] =	vst v63  }
0x26e: {  	s8 =	simm.s32 $0x1280  }
0x26f: {  	[spmem:s3] =	stream.indirect.scatter.add.f32 [tilespmem:s24], [sflag:$0x1], $0x1, s8, s25, $0xb8;
	[tilespmem:$0x2580] =	vst v63  }
0x270: {  	s9 =	simm.s32 $0x1300  }
0x271: {  	[spmem:s3] =	stream.indirect.scatter.add.f32 [tilespmem:s24], [sflag:$0x1], $0x1, s9, s25, $0xb8;
	[tilespmem:$0x2580] =	vst v63  }
0x272: {  	s10 =	simm.s32 $0x1380  }
0x273: {  	[spmem:s3] =	stream.indirect.scatter.add.f32 [tilespmem:s24], [sflag:$0x1], $0x1, s10, s25, $0xb8;
	[tilespmem:$0x2580] =	vst v63  }
0x274: {  	s11 =	simm.s32 $0x1400  }
0x275: {  	[spmem:s3] =	stream.indirect.scatter.add.f32 [tilespmem:s24], [sflag:$0x1], $0x1, s11, s25, $0xb8;
	[tilespmem:$0x2580] =	vst v63  }
0x276: {  	s12 =	simm.s32 $0x1480  }
0x277: {  	[spmem:s3] =	stream.indirect.scatter.add.f32 [tilespmem:s24], [sflag:$0x1], $0x1, s12, s25, $0xb8;
	[tilespmem:$0x2580] =	vst v63  }
0x278: {  	s13 =	simm.s32 $0x1500  }
0x279: {  	[spmem:s3] =	stream.indirect.scatter.add.f32 [tilespmem:s24], [sflag:$0x1], $0x1, s13, s25, $0xb8;
	[tilespmem:$0x2580] =	vst v63  }
0x27a: {  	s14 =	simm.s32 $0x1580  }
0x27b: {  	[spmem:s3] =	stream.indirect.scatter.add.f32 [tilespmem:s24], [sflag:$0x1], $0x1, s14, s25, $0xb8;
	[tilespmem:$0x2580] =	vst v63  }
0x27c: {  	s15 =	simm.s32 $0x1600  }
0x27d: {  	[spmem:s3] =	stream.indirect.scatter.add.f32 [tilespmem:s24], [sflag:$0x1], $0x1, s15, s25, $0xb8;
	[tilespmem:$0x2580] =	vst v63  }
0x27e: {  	s16 =	simm.s32 $0x1680  }
0x27f: {  	[spmem:s3] =	stream.indirect.scatter.add.f32 [tilespmem:s24], [sflag:$0x1], $0x1, s16, s25, $0xb8;
	[tilespmem:$0x2580] =	vst v63  }
0x280: {  	s17 =	simm.s32 $0x1700  }
0x281: {  	[spmem:s3] =	stream.indirect.scatter.add.f32 [tilespmem:s24], [sflag:$0x1], $0x1, s17, s25, $0xb8;
	[tilespmem:$0x2580] =	vst v63  }
0x282: {  	s18 =	simm.s32 $0x1780  }
0x283: {  	[spmem:s3] =	stream.indirect.scatter.add.f32 [tilespmem:s24], [sflag:$0x1], $0x1, s18, s25, $0xb8;
	[tilespmem:$0x2580] =	vst v63  }
0x284: {  	s19 =	simm.s32 $0x1800  }
0x285: {  	[spmem:s3] =	stream.indirect.scatter.add.f32 [tilespmem:s24], [sflag:$0x1], $0x1, s19, s25, $0xb8;
	[tilespmem:$0x2580] =	vst v63  }
0x286: {  	s20 =	simm.s32 $0x1880  }
0x287: {  	[spmem:s3] =	stream.indirect.scatter.add.f32 [tilespmem:s24], [sflag:$0x1], $0x1, s20, s25, $0xb8;
	[tilespmem:$0x2580] =	vst v63  }
0x288: {  	s21 =	simm.s32 $0x1900  }
0x289: {  	[spmem:s3] =	stream.indirect.scatter.add.f32 [tilespmem:s24], [sflag:$0x1], $0x1, s21, s25, $0xb8;
	[tilespmem:$0x2580] =	vst v63  }
0x28a: {  	s23 =	simm.s32 $0x1980  }
0x28b: {  	[spmem:s3] =	stream.indirect.scatter.add.f32 [tilespmem:s24], [sflag:$0x1], $0x1, s23, s25, $0xb8;
	[tilespmem:$0x2580] =	vst v63  }
0x28c: {  	s26 =	simm.s32 $0x1A00  }
0x28d: {  	[spmem:s3] =	stream.indirect.scatter.add.f32 [tilespmem:s24], [sflag:$0x1], $0x1, s26, s25, $0xb8;
	[tilespmem:$0x2580] =	vst v63  }
0x28e: {  	s28 =	simm.s32 $0x1A80  }
0x28f: {  	[spmem:s3] =	stream.indirect.scatter.add.f32 [tilespmem:s24], [sflag:$0x1], $0x1, s28, s25, $0xb8;
	[tilespmem:$0x2580] =	vst v63  }
0x290: {  	s23 =	simm.s32 $0x1B00  }
0x291: {  	[spmem:s3] =	stream.indirect.scatter.add.f32 [tilespmem:s24], [sflag:$0x1], $0x1, s23, s25, $0xb8;
	[tilespmem:$0x2580] =	vst v63  }
0x292: {  	s26 =	simm.s32 $0x1B80  }
0x293: {  	[spmem:s3] =	stream.indirect.scatter.add.f32 [tilespmem:s24], [sflag:$0x1], $0x1, s26, s25, $0xb8;
	[tilespmem:$0x2580] =	vst v63  }
0x294: {  	s28 =	simm.s32 $0x1C00  }
0x295: {  	[spmem:s3] =	stream.indirect.scatter.add.f32 [tilespmem:s24], [sflag:$0x1], $0x1, s28, s25, $0xb8;
	[tilespmem:$0x2580] =	vst v63  }
0x296: {  	_ =	swait.ge [sflag:s29], $0x50  }
0x297: {  	[sflag:s29] =	ssyncset.done $0x0  }
0x298: {  	[sflag:s29] =	ssyncadd.s32 $0xFFFFFFB0  }
0x299: {  	_ =	swait.ge [sflag:s29], $0x50  }
0x29a: {  	[sflag:s29] =	ssyncset.done $0x0  }
0x29b: {  	[sflag:s29] =	ssyncadd.s32 $0xFFFFFFB0  }
0x29c: {  	_ =	swait.ge [sflag:s29], $0x50  }
0x29d: {  	[sflag:s29] =	ssyncset.done $0x0  }
0x29e: {  	[sflag:s29] =	ssyncadd.s32 $0xFFFFFFB0  }
0x29f: {  	_ =	swait.ge [sflag:s29], $0x50  }
0x2a0: {  	[sflag:s29] =	ssyncset.done $0x0  }
0x2a1: {  	[sflag:s29] =	ssyncadd.s32 $0xFFFFFFB0  }
0x2a2: {  	_ =	swait.ge [sflag:s29], $0x50  }
0x2a3: {  	[sflag:s29] =	ssyncset.done $0x0  }
0x2a4: {  	[sflag:s29] =	ssyncadd.s32 $0xFFFFFFB0  }
0x2a5: {  	_ =	swait.ge [sflag:s29], $0x50  }
0x2a6: {  	[sflag:s29] =	ssyncset.done $0x0  }
0x2a7: {  	[sflag:s29] =	ssyncadd.s32 $0xFFFFFFB0  }
0x2a8: {  	_ =	swait.ge [sflag:s29], $0x50  }
0x2a9: {  	[sflag:s29] =	ssyncset.done $0x0  }
0x2aa: {  	[sflag:s29] =	ssyncadd.s32 $0xFFFFFFB0  }
0x2ab: {  	_ =	swait.ge [sflag:s29], $0x50  }
0x2ac: {  	[sflag:s29] =	ssyncset.done $0x0  }
0x2ad: {  	[sflag:s29] =	ssyncadd.s32 $0xFFFFFFB0  }
0x2ae: {  	_ =	swait.ge [sflag:s29], $0x50  }
0x2af: {  	[sflag:s29] =	ssyncset.done $0x0  }
0x2b0: {  	[sflag:s29] =	ssyncadd.s32 $0xFFFFFFB0  }
0x2b1: {  	_ =	swait.ge [sflag:s29], $0x50  }
0x2b2: {  	[sflag:s29] =	ssyncset.done $0x0  }
0x2b3: {  	[sflag:s29] =	ssyncadd.s32 $0xFFFFFFB0  }
0x2b4: {  	_ =	swait.ge [sflag:s29], $0x50  }
0x2b5: {  	[sflag:s29] =	ssyncset.done $0x0  }
0x2b6: {  	[sflag:s29] =	ssyncadd.s32 $0xFFFFFFB0  }
0x2b7: {  	_ =	swait.ge [sflag:s29], $0x50  }
0x2b8: {  	[sflag:s29] =	ssyncset.done $0x0  }
0x2b9: {  	[sflag:s29] =	ssyncadd.s32 $0xFFFFFFB0  }
0x2ba: {  	_ =	swait.ge [sflag:s29], $0x50  }
0x2bb: {  	[sflag:s29] =	ssyncset.done $0x0  }
0x2bc: {  	[sflag:s29] =	ssyncadd.s32 $0xFFFFFFB0  }
0x2bd: {  	_ =	swait.ge [sflag:s29], $0x50  }
0x2be: {  	[sflag:s29] =	ssyncset.done $0x0  }
0x2bf: {  	[sflag:s29] =	ssyncadd.s32 $0xFFFFFFB0  }
0x2c0: {  	_ =	swait.ge [sflag:s29], $0x50  }
0x2c1: {  	[sflag:s29] =	ssyncset.done $0x0  }
0x2c2: {  	[sflag:s29] =	ssyncadd.s32 $0xFFFFFFB0  }
0x2c3: {  	_ =	swait.ge [sflag:s29], $0x50  }
0x2c4: {  	[sflag:s29] =	ssyncset.done $0x0  }
0x2c5: {  	[sflag:s29] =	ssyncadd.s32 $0xFFFFFFB0  }
0x2c6: {  	_ =	swait.ge [sflag:s29], $0x50  }
0x2c7: {  	[sflag:s29] =	ssyncset.done $0x0  }
0x2c8: {  	[sflag:s29] =	ssyncadd.s32 $0xFFFFFFB0  }
0x2c9: {  	_ =	swait.ge [sflag:s29], $0x50  }
0x2ca: {  	[sflag:s29] =	ssyncset.done $0x0  }
0x2cb: {  	[sflag:s29] =	ssyncadd.s32 $0xFFFFFFB0  }
0x2cc: {  	_ =	swait.ge [sflag:s29], $0x50  }
0x2cd: {  	[sflag:s29] =	ssyncset.done $0x0  }
0x2ce: {  	[sflag:s29] =	ssyncadd.s32 $0xFFFFFFB0  }
0x2cf: {  	_ =	swait.ge [sflag:s29], $0x50  }
0x2d0: {  	[sflag:s29] =	ssyncset.done $0x0  }
0x2d1: {  	[sflag:s29] =	ssyncadd.s32 $0xFFFFFFB0  }
0x2d2: {  	_ =	swait.ge [sflag:s29], $0x50  }
0x2d3: {  	[sflag:s29] =	ssyncset.done $0x0  }
0x2d4: {  	[sflag:s29] =	ssyncadd.s32 $0xFFFFFFB0  }
0x2d5: {  	_ =	swait.ge [sflag:s29], $0x50  }
0x2d6: {  	[sflag:s29] =	ssyncset.done $0x0  }
0x2d7: {  	[sflag:s29] =	ssyncadd.s32 $0xFFFFFFB0  }
0x2d8: {  	_ =	swait.ge [sflag:s29], $0x50  }
0x2d9: {  	[sflag:s29] =	ssyncset.done $0x0  }
0x2da: {  	[sflag:s29] =	ssyncadd.s32 $0xFFFFFFB0  }
0x2db: {  	_ =	swait.ge [sflag:s29], $0x50  }
0x2dc: {  	[sflag:s29] =	ssyncset.done $0x0  }
0x2dd: {  	[sflag:s29] =	ssyncadd.s32 $0xFFFFFFB0  }
0x2de: {  	_ =	swait.ge [sflag:s29], $0x50  }
0x2df: {  	[sflag:s29] =	ssyncset.done $0x0  }
0x2e0: {  	s31 =	rddreg [dreg:$0xd];
	[sflag:s29] =	ssyncadd.s32 $0xFFFFFFB0  }
0x2e1: {  	[tilespmem:s4], [sflag:$0x2] =	stream.linear.gather [hbm4b:s31+s4], $0xC80, $0x38;
	[tilespmem:$0x2580] =	vst v63  }
0x2e2: {  	_ =	swait.ge [sflag:s22], $0xC80  }
0x2e3: {  	[sflag:s22] =	ssyncset.done $0x0  }
0x2e4: {  	[sflag:s22] =	ssyncadd.s32 $0xFFFFF380  }
0x2e5: {  	[spmem:s3] =	stream.indirect.scatter.add.f32 [tilespmem:s24], [sflag:$0x1], $0x1, s4, s25, $0xb8;
	[tilespmem:$0x2580] =	vst v63  }
0x2e6: {  	s1 =	simm.s32 $0x80  }
0x2e7: {  	[spmem:s3] =	stream.indirect.scatter.add.f32 [tilespmem:s24], [sflag:$0x1], $0x1, s1, s25, $0xb8;
	[tilespmem:$0x2580] =	vst v63  }
0x2e8: {  	s5 =	simm.s32 $0x100  }
0x2e9: {  	[spmem:s3] =	stream.indirect.scatter.add.f32 [tilespmem:s24], [sflag:$0x1], $0x1, s5, s25, $0xb8;
	[tilespmem:$0x2580] =	vst v63  }
0x2ea: {  	s6 =	simm.s32 $0x180  }
0x2eb: {  	[spmem:s3] =	stream.indirect.scatter.add.f32 [tilespmem:s24], [sflag:$0x1], $0x1, s6, s25, $0xb8;
	[tilespmem:$0x2580] =	vst v63  }
0x2ec: {  	s7 =	simm.s32 $0x200  }
0x2ed: {  	[spmem:s3] =	stream.indirect.scatter.add.f32 [tilespmem:s24], [sflag:$0x1], $0x1, s7, s25, $0xb8;
	[tilespmem:$0x2580] =	vst v63  }
0x2ee: {  	s8 =	simm.s32 $0x280  }
0x2ef: {  	[spmem:s3] =	stream.indirect.scatter.add.f32 [tilespmem:s24], [sflag:$0x1], $0x1, s8, s25, $0xb8;
	[tilespmem:$0x2580] =	vst v63  }
0x2f0: {  	s9 =	simm.s32 $0x300  }
0x2f1: {  	[spmem:s3] =	stream.indirect.scatter.add.f32 [tilespmem:s24], [sflag:$0x1], $0x1, s9, s25, $0xb8;
	[tilespmem:$0x2580] =	vst v63  }
0x2f2: {  	s10 =	simm.s32 $0x380  }
0x2f3: {  	[spmem:s3] =	stream.indirect.scatter.add.f32 [tilespmem:s24], [sflag:$0x1], $0x1, s10, s25, $0xb8;
	[tilespmem:$0x2580] =	vst v63  }
0x2f4: {  	s11 =	simm.s32 $0x400  }
0x2f5: {  	[spmem:s3] =	stream.indirect.scatter.add.f32 [tilespmem:s24], [sflag:$0x1], $0x1, s11, s25, $0xb8;
	[tilespmem:$0x2580] =	vst v63  }
0x2f6: {  	s12 =	simm.s32 $0x480  }
0x2f7: {  	[spmem:s3] =	stream.indirect.scatter.add.f32 [tilespmem:s24], [sflag:$0x1], $0x1, s12, s25, $0xb8;
	[tilespmem:$0x2580] =	vst v63  }
0x2f8: {  	s13 =	simm.s32 $0x500  }
0x2f9: {  	[spmem:s3] =	stream.indirect.scatter.add.f32 [tilespmem:s24], [sflag:$0x1], $0x1, s13, s25, $0xb8;
	[tilespmem:$0x2580] =	vst v63  }
0x2fa: {  	s14 =	simm.s32 $0x580  }
0x2fb: {  	[spmem:s3] =	stream.indirect.scatter.add.f32 [tilespmem:s24], [sflag:$0x1], $0x1, s14, s25, $0xb8;
	[tilespmem:$0x2580] =	vst v63  }
0x2fc: {  	s15 =	simm.s32 $0x600  }
0x2fd: {  	[spmem:s3] =	stream.indirect.scatter.add.f32 [tilespmem:s24], [sflag:$0x1], $0x1, s15, s25, $0xb8;
	[tilespmem:$0x2580] =	vst v63  }
0x2fe: {  	s16 =	simm.s32 $0x680  }
0x2ff: {  	[spmem:s3] =	stream.indirect.scatter.add.f32 [tilespmem:s24], [sflag:$0x1], $0x1, s16, s25, $0xb8;
	[tilespmem:$0x2580] =	vst v63  }
0x300: {  	s17 =	simm.s32 $0x700  }
0x301: {  	[spmem:s3] =	stream.indirect.scatter.add.f32 [tilespmem:s24], [sflag:$0x1], $0x1, s17, s25, $0xb8;
	[tilespmem:$0x2580] =	vst v63  }
0x302: {  	s18 =	simm.s32 $0x780  }
0x303: {  	[spmem:s3] =	stream.indirect.scatter.add.f32 [tilespmem:s24], [sflag:$0x1], $0x1, s18, s25, $0xb8;
	[tilespmem:$0x2580] =	vst v63  }
0x304: {  	s19 =	simm.s32 $0x800  }
0x305: {  	[spmem:s3] =	stream.indirect.scatter.add.f32 [tilespmem:s24], [sflag:$0x1], $0x1, s19, s25, $0xb8;
	[tilespmem:$0x2580] =	vst v63  }
0x306: {  	s20 =	simm.s32 $0x880  }
0x307: {  	[spmem:s3] =	stream.indirect.scatter.add.f32 [tilespmem:s24], [sflag:$0x1], $0x1, s20, s25, $0xb8;
	[tilespmem:$0x2580] =	vst v63  }
0x308: {  	s21 =	simm.s32 $0x900  }
0x309: {  	[spmem:s3] =	stream.indirect.scatter.add.f32 [tilespmem:s24], [sflag:$0x1], $0x1, s21, s25, $0xb8;
	[tilespmem:$0x2580] =	vst v63  }
0x30a: {  	s23 =	simm.s32 $0x980  }
0x30b: {  	[spmem:s3] =	stream.indirect.scatter.add.f32 [tilespmem:s24], [sflag:$0x1], $0x1, s23, s25, $0xb8;
	[tilespmem:$0x2580] =	vst v63  }
0x30c: {  	s26 =	simm.s32 $0xA00  }
0x30d: {  	[spmem:s3] =	stream.indirect.scatter.add.f32 [tilespmem:s24], [sflag:$0x1], $0x1, s26, s25, $0xb8;
	[tilespmem:$0x2580] =	vst v63  }
0x30e: {  	s28 =	simm.s32 $0xA80  }
0x30f: {  	[spmem:s3] =	stream.indirect.scatter.add.f32 [tilespmem:s24], [sflag:$0x1], $0x1, s28, s25, $0xb8;
	[tilespmem:$0x2580] =	vst v63  }
0x310: {  	s1 =	simm.s32 $0xB00  }
0x311: {  	[spmem:s3] =	stream.indirect.scatter.add.f32 [tilespmem:s24], [sflag:$0x1], $0x1, s1, s25, $0xb8;
	[tilespmem:$0x2580] =	vst v63  }
0x312: {  	s5 =	simm.s32 $0xB80  }
0x313: {  	[spmem:s3] =	stream.indirect.scatter.add.f32 [tilespmem:s24], [sflag:$0x1], $0x1, s5, s25, $0xb8;
	[tilespmem:$0x2580] =	vst v63  }
0x314: {  	s6 =	simm.s32 $0xC00  }
0x315: {  	[spmem:s3] =	stream.indirect.scatter.add.f32 [tilespmem:s24], [sflag:$0x1], $0x1, s6, s25, $0xb8;
	[tilespmem:$0x2580] =	vst v63  }
0x316: {  	_ =	swait.ge [sflag:s29], $0x50  }
0x317: {  	[sflag:s29] =	ssyncset.done $0x0  }
0x318: {  	[sflag:s29] =	ssyncadd.s32 $0xFFFFFFB0  }
0x319: {  	_ =	swait.ge [sflag:s29], $0x50  }
0x31a: {  	[sflag:s29] =	ssyncset.done $0x0  }
0x31b: {  	[sflag:s29] =	ssyncadd.s32 $0xFFFFFFB0  }
0x31c: {  	_ =	swait.ge [sflag:s29], $0x50  }
0x31d: {  	[sflag:s29] =	ssyncset.done $0x0  }
0x31e: {  	[sflag:s29] =	ssyncadd.s32 $0xFFFFFFB0  }
0x31f: {  	_ =	swait.ge [sflag:s29], $0x50  }
0x320: {  	[sflag:s29] =	ssyncset.done $0x0  }
0x321: {  	[sflag:s29] =	ssyncadd.s32 $0xFFFFFFB0  }
0x322: {  	_ =	swait.ge [sflag:s29], $0x50  }
0x323: {  	[sflag:s29] =	ssyncset.done $0x0  }
0x324: {  	[sflag:s29] =	ssyncadd.s32 $0xFFFFFFB0  }
0x325: {  	_ =	swait.ge [sflag:s29], $0x50  }
0x326: {  	[sflag:s29] =	ssyncset.done $0x0  }
0x327: {  	[sflag:s29] =	ssyncadd.s32 $0xFFFFFFB0  }
0x328: {  	_ =	swait.ge [sflag:s29], $0x50  }
0x329: {  	[sflag:s29] =	ssyncset.done $0x0  }
0x32a: {  	[sflag:s29] =	ssyncadd.s32 $0xFFFFFFB0  }
0x32b: {  	_ =	swait.ge [sflag:s29], $0x50  }
0x32c: {  	[sflag:s29] =	ssyncset.done $0x0  }
0x32d: {  	[sflag:s29] =	ssyncadd.s32 $0xFFFFFFB0  }
0x32e: {  	_ =	swait.ge [sflag:s29], $0x50  }
0x32f: {  	[sflag:s29] =	ssyncset.done $0x0  }
0x330: {  	[sflag:s29] =	ssyncadd.s32 $0xFFFFFFB0  }
0x331: {  	_ =	swait.ge [sflag:s29], $0x50  }
0x332: {  	[sflag:s29] =	ssyncset.done $0x0  }
0x333: {  	[sflag:s29] =	ssyncadd.s32 $0xFFFFFFB0  }
0x334: {  	_ =	swait.ge [sflag:s29], $0x50  }
0x335: {  	[sflag:s29] =	ssyncset.done $0x0  }
0x336: {  	[sflag:s29] =	ssyncadd.s32 $0xFFFFFFB0  }
0x337: {  	_ =	swait.ge [sflag:s29], $0x50  }
0x338: {  	[sflag:s29] =	ssyncset.done $0x0  }
0x339: {  	[sflag:s29] =	ssyncadd.s32 $0xFFFFFFB0  }
0x33a: {  	_ =	swait.ge [sflag:s29], $0x50  }
0x33b: {  	[sflag:s29] =	ssyncset.done $0x0  }
0x33c: {  	[sflag:s29] =	ssyncadd.s32 $0xFFFFFFB0  }
0x33d: {  	_ =	swait.ge [sflag:s29], $0x50  }
0x33e: {  	[sflag:s29] =	ssyncset.done $0x0  }
0x33f: {  	[sflag:s29] =	ssyncadd.s32 $0xFFFFFFB0  }
0x340: {  	_ =	swait.ge [sflag:s29], $0x50  }
0x341: {  	[sflag:s29] =	ssyncset.done $0x0  }
0x342: {  	[sflag:s29] =	ssyncadd.s32 $0xFFFFFFB0  }
0x343: {  	_ =	swait.ge [sflag:s29], $0x50  }
0x344: {  	[sflag:s29] =	ssyncset.done $0x0  }
0x345: {  	[sflag:s29] =	ssyncadd.s32 $0xFFFFFFB0  }
0x346: {  	_ =	swait.ge [sflag:s29], $0x50  }
0x347: {  	[sflag:s29] =	ssyncset.done $0x0  }
0x348: {  	[sflag:s29] =	ssyncadd.s32 $0xFFFFFFB0  }
0x349: {  	_ =	swait.ge [sflag:s29], $0x50  }
0x34a: {  	[sflag:s29] =	ssyncset.done $0x0  }
0x34b: {  	[sflag:s29] =	ssyncadd.s32 $0xFFFFFFB0  }
0x34c: {  	_ =	swait.ge [sflag:s29], $0x50  }
0x34d: {  	[sflag:s29] =	ssyncset.done $0x0  }
0x34e: {  	[sflag:s29] =	ssyncadd.s32 $0xFFFFFFB0  }
0x34f: {  	_ =	swait.ge [sflag:s29], $0x50  }
0x350: {  	[sflag:s29] =	ssyncset.done $0x0  }
0x351: {  	[sflag:s29] =	ssyncadd.s32 $0xFFFFFFB0  }
0x352: {  	_ =	swait.ge [sflag:s29], $0x50  }
0x353: {  	[sflag:s29] =	ssyncset.done $0x0  }
0x354: {  	[sflag:s29] =	ssyncadd.s32 $0xFFFFFFB0  }
0x355: {  	_ =	swait.ge [sflag:s29], $0x50  }
0x356: {  	[sflag:s29] =	ssyncset.done $0x0  }
0x357: {  	[sflag:s29] =	ssyncadd.s32 $0xFFFFFFB0  }
0x358: {  	_ =	swait.ge [sflag:s29], $0x50  }
0x359: {  	[sflag:s29] =	ssyncset.done $0x0  }
0x35a: {  	[sflag:s29] =	ssyncadd.s32 $0xFFFFFFB0  }
0x35b: {  	_ =	swait.ge [sflag:s29], $0x50  }
0x35c: {  	[sflag:s29] =	ssyncset.done $0x0  }
0x35d: {  	[sflag:s29] =	ssyncadd.s32 $0xFFFFFFB0  }
0x35e: {  	_ =	swait.ge [sflag:s29], $0x50  }
0x35f: {  	[sflag:s29] =	ssyncset.done $0x0  }
0x360: {  	s7 =	simm.s32 $0x1000;
	s31 =	rddreg [dreg:$0xe];
	[sflag:s29] =	ssyncadd.s32 $0xFFFFFFB0  }
0x361: {  	[tilespmem:s7], [sflag:$0x2] =	stream.linear.gather [hbm4b:s31+s4], $0xC80, $0x38;
	[tilespmem:$0x2580] =	vst v63  }
0x362: {  	_ =	swait.ge [sflag:s22], $0xC80  }
0x363: {  	[sflag:s22] =	ssyncset.done $0x0  }
0x364: {  	[sflag:s22] =	ssyncadd.s32 $0xFFFFF380  }
0x365: {  	[spmem:s3] =	stream.indirect.scatter.add.f32 [tilespmem:s24], [sflag:$0x1], $0x1, s7, s25, $0xb8;
	[tilespmem:$0x2580] =	vst v63  }
0x366: {  	s8 =	simm.s32 $0x1080  }
0x367: {  	[spmem:s3] =	stream.indirect.scatter.add.f32 [tilespmem:s24], [sflag:$0x1], $0x1, s8, s25, $0xb8;
	[tilespmem:$0x2580] =	vst v63  }
0x368: {  	s9 =	simm.s32 $0x1100  }
0x369: {  	[spmem:s3] =	stream.indirect.scatter.add.f32 [tilespmem:s24], [sflag:$0x1], $0x1, s9, s25, $0xb8;
	[tilespmem:$0x2580] =	vst v63  }
0x36a: {  	s10 =	simm.s32 $0x1180  }
0x36b: {  	[spmem:s3] =	stream.indirect.scatter.add.f32 [tilespmem:s24], [sflag:$0x1], $0x1, s10, s25, $0xb8;
	[tilespmem:$0x2580] =	vst v63  }
0x36c: {  	s11 =	simm.s32 $0x1200  }
0x36d: {  	[spmem:s3] =	stream.indirect.scatter.add.f32 [tilespmem:s24], [sflag:$0x1], $0x1, s11, s25, $0xb8;
	[tilespmem:$0x2580] =	vst v63  }
0x36e: {  	s12 =	simm.s32 $0x1280  }
0x36f: {  	[spmem:s3] =	stream.indirect.scatter.add.f32 [tilespmem:s24], [sflag:$0x1], $0x1, s12, s25, $0xb8;
	[tilespmem:$0x2580] =	vst v63  }
0x370: {  	s13 =	simm.s32 $0x1300  }
0x371: {  	[spmem:s3] =	stream.indirect.scatter.add.f32 [tilespmem:s24], [sflag:$0x1], $0x1, s13, s25, $0xb8;
	[tilespmem:$0x2580] =	vst v63  }
0x372: {  	s14 =	simm.s32 $0x1380  }
0x373: {  	[spmem:s3] =	stream.indirect.scatter.add.f32 [tilespmem:s24], [sflag:$0x1], $0x1, s14, s25, $0xb8;
	[tilespmem:$0x2580] =	vst v63  }
0x374: {  	s15 =	simm.s32 $0x1400  }
0x375: {  	[spmem:s3] =	stream.indirect.scatter.add.f32 [tilespmem:s24], [sflag:$0x1], $0x1, s15, s25, $0xb8;
	[tilespmem:$0x2580] =	vst v63  }
0x376: {  	s16 =	simm.s32 $0x1480  }
0x377: {  	[spmem:s3] =	stream.indirect.scatter.add.f32 [tilespmem:s24], [sflag:$0x1], $0x1, s16, s25, $0xb8;
	[tilespmem:$0x2580] =	vst v63  }
0x378: {  	s17 =	simm.s32 $0x1500  }
0x379: {  	[spmem:s3] =	stream.indirect.scatter.add.f32 [tilespmem:s24], [sflag:$0x1], $0x1, s17, s25, $0xb8;
	[tilespmem:$0x2580] =	vst v63  }
0x37a: {  	s18 =	simm.s32 $0x1580  }
0x37b: {  	[spmem:s3] =	stream.indirect.scatter.add.f32 [tilespmem:s24], [sflag:$0x1], $0x1, s18, s25, $0xb8;
	[tilespmem:$0x2580] =	vst v63  }
0x37c: {  	s19 =	simm.s32 $0x1600  }
0x37d: {  	[spmem:s3] =	stream.indirect.scatter.add.f32 [tilespmem:s24], [sflag:$0x1], $0x1, s19, s25, $0xb8;
	[tilespmem:$0x2580] =	vst v63  }
0x37e: {  	s20 =	simm.s32 $0x1680  }
0x37f: {  	[spmem:s3] =	stream.indirect.scatter.add.f32 [tilespmem:s24], [sflag:$0x1], $0x1, s20, s25, $0xb8;
	[tilespmem:$0x2580] =	vst v63  }
0x380: {  	s21 =	simm.s32 $0x1700  }
0x381: {  	[spmem:s3] =	stream.indirect.scatter.add.f32 [tilespmem:s24], [sflag:$0x1], $0x1, s21, s25, $0xb8;
	[tilespmem:$0x2580] =	vst v63  }
0x382: {  	s23 =	simm.s32 $0x1780  }
0x383: {  	[spmem:s3] =	stream.indirect.scatter.add.f32 [tilespmem:s24], [sflag:$0x1], $0x1, s23, s25, $0xb8;
	[tilespmem:$0x2580] =	vst v63  }
0x384: {  	s26 =	simm.s32 $0x1800  }
0x385: {  	[spmem:s3] =	stream.indirect.scatter.add.f32 [tilespmem:s24], [sflag:$0x1], $0x1, s26, s25, $0xb8;
	[tilespmem:$0x2580] =	vst v63  }
0x386: {  	s28 =	simm.s32 $0x1880  }
0x387: {  	[spmem:s3] =	stream.indirect.scatter.add.f32 [tilespmem:s24], [sflag:$0x1], $0x1, s28, s25, $0xb8;
	[tilespmem:$0x2580] =	vst v63  }
0x388: {  	s1 =	simm.s32 $0x1900  }
0x389: {  	[spmem:s3] =	stream.indirect.scatter.add.f32 [tilespmem:s24], [sflag:$0x1], $0x1, s1, s25, $0xb8;
	[tilespmem:$0x2580] =	vst v63  }
0x38a: {  	s5 =	simm.s32 $0x1980  }
0x38b: {  	[spmem:s3] =	stream.indirect.scatter.add.f32 [tilespmem:s24], [sflag:$0x1], $0x1, s5, s25, $0xb8;
	[tilespmem:$0x2580] =	vst v63  }
0x38c: {  	s6 =	simm.s32 $0x1A00  }
0x38d: {  	[spmem:s3] =	stream.indirect.scatter.add.f32 [tilespmem:s24], [sflag:$0x1], $0x1, s6, s25, $0xb8;
	[tilespmem:$0x2580] =	vst v63  }
0x38e: {  	s5 =	simm.s32 $0x1A80  }
0x38f: {  	[spmem:s3] =	stream.indirect.scatter.add.f32 [tilespmem:s24], [sflag:$0x1], $0x1, s5, s25, $0xb8;
	[tilespmem:$0x2580] =	vst v63  }
0x390: {  	s31 =	simm.s32 $0x1B00  }
0x391: {  	[spmem:s3] =	stream.indirect.scatter.add.f32 [tilespmem:s24], [sflag:$0x1], $0x1, s31, s25, $0xb8;
	[tilespmem:$0x2580] =	vst v63  }
0x392: {  	s1 =	simm.s32 $0x1B80  }
0x393: {  	[spmem:s3] =	stream.indirect.scatter.add.f32 [tilespmem:s24], [sflag:$0x1], $0x1, s1, s25, $0xb8;
	[tilespmem:$0x2580] =	vst v63  }
0x394: {  	s6 =	simm.s32 $0x1C00  }
0x395: {  	[spmem:s3] =	stream.indirect.scatter.add.f32 [tilespmem:s24], [sflag:$0x1], $0x1, s6, s25, $0xb8;
	[tilespmem:$0x2580] =	vst v63  }
0x396: {  	_ =	swait.ge [sflag:s29], $0x50  }
0x397: {  	[sflag:s29] =	ssyncset.done $0x0  }
0x398: {  	[sflag:s29] =	ssyncadd.s32 $0xFFFFFFB0  }
0x399: {  	_ =	swait.ge [sflag:s29], $0x50  }
0x39a: {  	[sflag:s29] =	ssyncset.done $0x0  }
0x39b: {  	[sflag:s29] =	ssyncadd.s32 $0xFFFFFFB0  }
0x39c: {  	_ =	swait.ge [sflag:s29], $0x50  }
0x39d: {  	[sflag:s29] =	ssyncset.done $0x0  }
0x39e: {  	[sflag:s29] =	ssyncadd.s32 $0xFFFFFFB0  }
0x39f: {  	_ =	swait.ge [sflag:s29], $0x50  }
0x3a0: {  	[sflag:s29] =	ssyncset.done $0x0  }
0x3a1: {  	[sflag:s29] =	ssyncadd.s32 $0xFFFFFFB0  }
0x3a2: {  	_ =	swait.ge [sflag:s29], $0x50  }
0x3a3: {  	[sflag:s29] =	ssyncset.done $0x0  }
0x3a4: {  	[sflag:s29] =	ssyncadd.s32 $0xFFFFFFB0  }
0x3a5: {  	_ =	swait.ge [sflag:s29], $0x50  }
0x3a6: {  	[sflag:s29] =	ssyncset.done $0x0  }
0x3a7: {  	[sflag:s29] =	ssyncadd.s32 $0xFFFFFFB0  }
0x3a8: {  	_ =	swait.ge [sflag:s29], $0x50  }
0x3a9: {  	[sflag:s29] =	ssyncset.done $0x0  }
0x3aa: {  	[sflag:s29] =	ssyncadd.s32 $0xFFFFFFB0  }
0x3ab: {  	_ =	swait.ge [sflag:s29], $0x50  }
0x3ac: {  	[sflag:s29] =	ssyncset.done $0x0  }
0x3ad: {  	[sflag:s29] =	ssyncadd.s32 $0xFFFFFFB0  }
0x3ae: {  	_ =	swait.ge [sflag:s29], $0x50  }
0x3af: {  	[sflag:s29] =	ssyncset.done $0x0  }
0x3b0: {  	[sflag:s29] =	ssyncadd.s32 $0xFFFFFFB0  }
0x3b1: {  	_ =	swait.ge [sflag:s29], $0x50  }
0x3b2: {  	[sflag:s29] =	ssyncset.done $0x0  }
0x3b3: {  	[sflag:s29] =	ssyncadd.s32 $0xFFFFFFB0  }
0x3b4: {  	_ =	swait.ge [sflag:s29], $0x50  }
0x3b5: {  	[sflag:s29] =	ssyncset.done $0x0  }
0x3b6: {  	[sflag:s29] =	ssyncadd.s32 $0xFFFFFFB0  }
0x3b7: {  	_ =	swait.ge [sflag:s29], $0x50  }
0x3b8: {  	[sflag:s29] =	ssyncset.done $0x0  }
0x3b9: {  	[sflag:s29] =	ssyncadd.s32 $0xFFFFFFB0  }
0x3ba: {  	_ =	swait.ge [sflag:s29], $0x50  }
0x3bb: {  	[sflag:s29] =	ssyncset.done $0x0  }
0x3bc: {  	[sflag:s29] =	ssyncadd.s32 $0xFFFFFFB0  }
0x3bd: {  	_ =	swait.ge [sflag:s29], $0x50  }
0x3be: {  	[sflag:s29] =	ssyncset.done $0x0  }
0x3bf: {  	[sflag:s29] =	ssyncadd.s32 $0xFFFFFFB0  }
0x3c0: {  	_ =	swait.ge [sflag:s29], $0x50  }
0x3c1: {  	[sflag:s29] =	ssyncset.done $0x0  }
0x3c2: {  	[sflag:s29] =	ssyncadd.s32 $0xFFFFFFB0  }
0x3c3: {  	_ =	swait.ge [sflag:s29], $0x50  }
0x3c4: {  	[sflag:s29] =	ssyncset.done $0x0  }
0x3c5: {  	[sflag:s29] =	ssyncadd.s32 $0xFFFFFFB0  }
0x3c6: {  	_ =	swait.ge [sflag:s29], $0x50  }
0x3c7: {  	[sflag:s29] =	ssyncset.done $0x0  }
0x3c8: {  	[sflag:s29] =	ssyncadd.s32 $0xFFFFFFB0  }
0x3c9: {  	_ =	swait.ge [sflag:s29], $0x50  }
0x3ca: {  	[sflag:s29] =	ssyncset.done $0x0  }
0x3cb: {  	[sflag:s29] =	ssyncadd.s32 $0xFFFFFFB0  }
0x3cc: {  	_ =	swait.ge [sflag:s29], $0x50  }
0x3cd: {  	[sflag:s29] =	ssyncset.done $0x0  }
0x3ce: {  	[sflag:s29] =	ssyncadd.s32 $0xFFFFFFB0  }
0x3cf: {  	_ =	swait.ge [sflag:s29], $0x50  }
0x3d0: {  	[sflag:s29] =	ssyncset.done $0x0  }
0x3d1: {  	[sflag:s29] =	ssyncadd.s32 $0xFFFFFFB0  }
0x3d2: {  	_ =	swait.ge [sflag:s29], $0x50  }
0x3d3: {  	[sflag:s29] =	ssyncset.done $0x0  }
0x3d4: {  	[sflag:s29] =	ssyncadd.s32 $0xFFFFFFB0  }
0x3d5: {  	_ =	swait.ge [sflag:s29], $0x50  }
0x3d6: {  	[sflag:s29] =	ssyncset.done $0x0  }
0x3d7: {  	[sflag:s29] =	ssyncadd.s32 $0xFFFFFFB0  }
0x3d8: {  	_ =	swait.ge [sflag:s29], $0x50  }
0x3d9: {  	[sflag:s29] =	ssyncset.done $0x0  }
0x3da: {  	[sflag:s29] =	ssyncadd.s32 $0xFFFFFFB0  }
0x3db: {  	_ =	swait.ge [sflag:s29], $0x50  }
0x3dc: {  	[sflag:s29] =	ssyncset.done $0x0  }
0x3dd: {  	[sflag:s29] =	ssyncadd.s32 $0xFFFFFFB0  }
0x3de: {  	_ =	swait.ge [sflag:s29], $0x50  }
0x3df: {  	[sflag:s29] =	ssyncset.done $0x0  }
0x3e0: {  	s31 =	rddreg [dreg:$0x10];
	[sflag:s29] =	ssyncadd.s32 $0xFFFFFFB0  }
0x3e1: {  	[tilespmem:s4], [sflag:$0x2] =	stream.linear.gather [hbm4b:s31+s4], $0xC80, $0x38;
	[tilespmem:$0x2580] =	vst v63  }
0x3e2: {  	_ =	swait.ge [sflag:s22], $0xC80  }
0x3e3: {  	[sflag:s22] =	ssyncset.done $0x0  }
0x3e4: {  	[sflag:s22] =	ssyncadd.s32 $0xFFFFF380  }
0x3e5: {  	[spmem:s3] =	stream.indirect.scatter.add.f32 [tilespmem:s24], [sflag:$0x1], $0x1, s4, s25, $0xb8;
	[tilespmem:$0x2580] =	vst v63  }
0x3e6: {  	s31 =	simm.s32 $0x80  }
0x3e7: {  	[spmem:s3] =	stream.indirect.scatter.add.f32 [tilespmem:s24], [sflag:$0x1], $0x1, s31, s25, $0xb8;
	[tilespmem:$0x2580] =	vst v63  }
0x3e8: {  	s31 =	simm.s32 $0x100  }
0x3e9: {  	[spmem:s3] =	stream.indirect.scatter.add.f32 [tilespmem:s24], [sflag:$0x1], $0x1, s31, s25, $0xb8;
	[tilespmem:$0x2580] =	vst v63  }
0x3ea: {  	s31 =	simm.s32 $0x180  }
0x3eb: {  	[spmem:s3] =	stream.indirect.scatter.add.f32 [tilespmem:s24], [sflag:$0x1], $0x1, s31, s25, $0xb8;
	[tilespmem:$0x2580] =	vst v63  }
0x3ec: {  	s31 =	simm.s32 $0x200  }
0x3ed: {  	[spmem:s3] =	stream.indirect.scatter.add.f32 [tilespmem:s24], [sflag:$0x1], $0x1, s31, s25, $0xb8;
	[tilespmem:$0x2580] =	vst v63  }
0x3ee: {  	s31 =	simm.s32 $0x280  }
0x3ef: {  	[spmem:s3] =	stream.indirect.scatter.add.f32 [tilespmem:s24], [sflag:$0x1], $0x1, s31, s25, $0xb8;
	[tilespmem:$0x2580] =	vst v63  }
0x3f0: {  	s31 =	simm.s32 $0x300  }
0x3f1: {  	[spmem:s3] =	stream.indirect.scatter.add.f32 [tilespmem:s24], [sflag:$0x1], $0x1, s31, s25, $0xb8;
	[tilespmem:$0x2580] =	vst v63  }
0x3f2: {  	s31 =	simm.s32 $0x380  }
0x3f3: {  	[spmem:s3] =	stream.indirect.scatter.add.f32 [tilespmem:s24], [sflag:$0x1], $0x1, s31, s25, $0xb8;
	[tilespmem:$0x2580] =	vst v63  }
0x3f4: {  	s31 =	simm.s32 $0x400  }
0x3f5: {  	[spmem:s3] =	stream.indirect.scatter.add.f32 [tilespmem:s24], [sflag:$0x1], $0x1, s31, s25, $0xb8;
	[tilespmem:$0x2580] =	vst v63  }
0x3f6: {  	s31 =	simm.s32 $0x480  }
0x3f7: {  	[spmem:s3] =	stream.indirect.scatter.add.f32 [tilespmem:s24], [sflag:$0x1], $0x1, s31, s25, $0xb8;
	[tilespmem:$0x2580] =	vst v63  }
0x3f8: {  	s31 =	simm.s32 $0x500  }
0x3f9: {  	[spmem:s3] =	stream.indirect.scatter.add.f32 [tilespmem:s24], [sflag:$0x1], $0x1, s31, s25, $0xb8;
	[tilespmem:$0x2580] =	vst v63  }
0x3fa: {  	s31 =	simm.s32 $0x580  }
0x3fb: {  	[spmem:s3] =	stream.indirect.scatter.add.f32 [tilespmem:s24], [sflag:$0x1], $0x1, s31, s25, $0xb8;
	[tilespmem:$0x2580] =	vst v63  }
0x3fc: {  	s31 =	simm.s32 $0x600  }
0x3fd: {  	[spmem:s3] =	stream.indirect.scatter.add.f32 [tilespmem:s24], [sflag:$0x1], $0x1, s31, s25, $0xb8;
	[tilespmem:$0x2580] =	vst v63  }
0x3fe: {  	s31 =	simm.s32 $0x680  }
0x3ff: {  	[spmem:s3] =	stream.indirect.scatter.add.f32 [tilespmem:s24], [sflag:$0x1], $0x1, s31, s25, $0xb8;
	[tilespmem:$0x2580] =	vst v63  }
0x400: {  	s31 =	simm.s32 $0x700  }
0x401: {  	[spmem:s3] =	stream.indirect.scatter.add.f32 [tilespmem:s24], [sflag:$0x1], $0x1, s31, s25, $0xb8;
	[tilespmem:$0x2580] =	vst v63  }
0x402: {  	s31 =	simm.s32 $0x780  }
0x403: {  	[spmem:s3] =	stream.indirect.scatter.add.f32 [tilespmem:s24], [sflag:$0x1], $0x1, s31, s25, $0xb8;
	[tilespmem:$0x2580] =	vst v63  }
0x404: {  	s31 =	simm.s32 $0x800  }
0x405: {  	[spmem:s3] =	stream.indirect.scatter.add.f32 [tilespmem:s24], [sflag:$0x1], $0x1, s31, s25, $0xb8;
	[tilespmem:$0x2580] =	vst v63  }
0x406: {  	s31 =	simm.s32 $0x880  }
0x407: {  	[spmem:s3] =	stream.indirect.scatter.add.f32 [tilespmem:s24], [sflag:$0x1], $0x1, s31, s25, $0xb8;
	[tilespmem:$0x2580] =	vst v63  }
0x408: {  	s31 =	simm.s32 $0x900  }
0x409: {  	[spmem:s3] =	stream.indirect.scatter.add.f32 [tilespmem:s24], [sflag:$0x1], $0x1, s31, s25, $0xb8;
	[tilespmem:$0x2580] =	vst v63  }
0x40a: {  	s31 =	simm.s32 $0x980  }
0x40b: {  	[spmem:s3] =	stream.indirect.scatter.add.f32 [tilespmem:s24], [sflag:$0x1], $0x1, s31, s25, $0xb8;
	[tilespmem:$0x2580] =	vst v63  }
0x40c: {  	s31 =	simm.s32 $0xA00  }
0x40d: {  	[spmem:s3] =	stream.indirect.scatter.add.f32 [tilespmem:s24], [sflag:$0x1], $0x1, s31, s25, $0xb8;
	[tilespmem:$0x2580] =	vst v63  }
0x40e: {  	s31 =	simm.s32 $0xA80  }
0x40f: {  	[spmem:s3] =	stream.indirect.scatter.add.f32 [tilespmem:s24], [sflag:$0x1], $0x1, s31, s25, $0xb8;
	[tilespmem:$0x2580] =	vst v63  }
0x410: {  	s31 =	simm.s32 $0xB00  }
0x411: {  	[spmem:s3] =	stream.indirect.scatter.add.f32 [tilespmem:s24], [sflag:$0x1], $0x1, s31, s25, $0xb8;
	[tilespmem:$0x2580] =	vst v63  }
0x412: {  	s31 =	simm.s32 $0xB80  }
0x413: {  	[spmem:s3] =	stream.indirect.scatter.add.f32 [tilespmem:s24], [sflag:$0x1], $0x1, s31, s25, $0xb8;
	[tilespmem:$0x2580] =	vst v63  }
0x414: {  	s31 =	simm.s32 $0xC00  }
0x415: {  	[spmem:s3] =	stream.indirect.scatter.add.f32 [tilespmem:s24], [sflag:$0x1], $0x1, s31, s25, $0xb8;
	[tilespmem:$0x2580] =	vst v63  }
0x416: {  	_ =	swait.ge [sflag:s29], $0x50  }
0x417: {  	[sflag:s29] =	ssyncset.done $0x0  }
0x418: {  	[sflag:s29] =	ssyncadd.s32 $0xFFFFFFB0  }
0x419: {  	_ =	swait.ge [sflag:s29], $0x50  }
0x41a: {  	[sflag:s29] =	ssyncset.done $0x0  }
0x41b: {  	[sflag:s29] =	ssyncadd.s32 $0xFFFFFFB0  }
0x41c: {  	_ =	swait.ge [sflag:s29], $0x50  }
0x41d: {  	[sflag:s29] =	ssyncset.done $0x0  }
0x41e: {  	[sflag:s29] =	ssyncadd.s32 $0xFFFFFFB0  }
0x41f: {  	_ =	swait.ge [sflag:s29], $0x50  }
0x420: {  	[sflag:s29] =	ssyncset.done $0x0  }
0x421: {  	[sflag:s29] =	ssyncadd.s32 $0xFFFFFFB0  }
0x422: {  	_ =	swait.ge [sflag:s29], $0x50  }
0x423: {  	[sflag:s29] =	ssyncset.done $0x0  }
0x424: {  	[sflag:s29] =	ssyncadd.s32 $0xFFFFFFB0  }
0x425: {  	_ =	swait.ge [sflag:s29], $0x50  }
0x426: {  	[sflag:s29] =	ssyncset.done $0x0  }
0x427: {  	[sflag:s29] =	ssyncadd.s32 $0xFFFFFFB0  }
0x428: {  	_ =	swait.ge [sflag:s29], $0x50  }
0x429: {  	[sflag:s29] =	ssyncset.done $0x0  }
0x42a: {  	[sflag:s29] =	ssyncadd.s32 $0xFFFFFFB0  }
0x42b: {  	_ =	swait.ge [sflag:s29], $0x50  }
0x42c: {  	[sflag:s29] =	ssyncset.done $0x0  }
0x42d: {  	[sflag:s29] =	ssyncadd.s32 $0xFFFFFFB0  }
0x42e: {  	_ =	swait.ge [sflag:s29], $0x50  }
0x42f: {  	[sflag:s29] =	ssyncset.done $0x0  }
0x430: {  	[sflag:s29] =	ssyncadd.s32 $0xFFFFFFB0  }
0x431: {  	_ =	swait.ge [sflag:s29], $0x50  }
0x432: {  	[sflag:s29] =	ssyncset.done $0x0  }
0x433: {  	[sflag:s29] =	ssyncadd.s32 $0xFFFFFFB0  }
0x434: {  	_ =	swait.ge [sflag:s29], $0x50  }
0x435: {  	[sflag:s29] =	ssyncset.done $0x0  }
0x436: {  	[sflag:s29] =	ssyncadd.s32 $0xFFFFFFB0  }
0x437: {  	_ =	swait.ge [sflag:s29], $0x50  }
0x438: {  	[sflag:s29] =	ssyncset.done $0x0  }
0x439: {  	[sflag:s29] =	ssyncadd.s32 $0xFFFFFFB0  }
0x43a: {  	_ =	swait.ge [sflag:s29], $0x50  }
0x43b: {  	[sflag:s29] =	ssyncset.done $0x0  }
0x43c: {  	[sflag:s29] =	ssyncadd.s32 $0xFFFFFFB0  }
0x43d: {  	_ =	swait.ge [sflag:s29], $0x50  }
0x43e: {  	[sflag:s29] =	ssyncset.done $0x0  }
0x43f: {  	[sflag:s29] =	ssyncadd.s32 $0xFFFFFFB0  }
0x440: {  	_ =	swait.ge [sflag:s29], $0x50  }
0x441: {  	[sflag:s29] =	ssyncset.done $0x0  }
0x442: {  	[sflag:s29] =	ssyncadd.s32 $0xFFFFFFB0  }
0x443: {  	_ =	swait.ge [sflag:s29], $0x50  }
0x444: {  	[sflag:s29] =	ssyncset.done $0x0  }
0x445: {  	[sflag:s29] =	ssyncadd.s32 $0xFFFFFFB0  }
0x446: {  	_ =	swait.ge [sflag:s29], $0x50  }
0x447: {  	[sflag:s29] =	ssyncset.done $0x0  }
0x448: {  	[sflag:s29] =	ssyncadd.s32 $0xFFFFFFB0  }
0x449: {  	_ =	swait.ge [sflag:s29], $0x50  }
0x44a: {  	[sflag:s29] =	ssyncset.done $0x0  }
0x44b: {  	[sflag:s29] =	ssyncadd.s32 $0xFFFFFFB0  }
0x44c: {  	_ =	swait.ge [sflag:s29], $0x50  }
0x44d: {  	[sflag:s29] =	ssyncset.done $0x0  }
0x44e: {  	[sflag:s29] =	ssyncadd.s32 $0xFFFFFFB0  }
0x44f: {  	_ =	swait.ge [sflag:s29], $0x50  }
0x450: {  	[sflag:s29] =	ssyncset.done $0x0  }
0x451: {  	[sflag:s29] =	ssyncadd.s32 $0xFFFFFFB0  }
0x452: {  	_ =	swait.ge [sflag:s29], $0x50  }
0x453: {  	[sflag:s29] =	ssyncset.done $0x0  }
0x454: {  	[sflag:s29] =	ssyncadd.s32 $0xFFFFFFB0  }
0x455: {  	_ =	swait.ge [sflag:s29], $0x50  }
0x456: {  	[sflag:s29] =	ssyncset.done $0x0  }
0x457: {  	[sflag:s29] =	ssyncadd.s32 $0xFFFFFFB0  }
0x458: {  	_ =	swait.ge [sflag:s29], $0x50  }
0x459: {  	[sflag:s29] =	ssyncset.done $0x0  }
0x45a: {  	[sflag:s29] =	ssyncadd.s32 $0xFFFFFFB0  }
0x45b: {  	_ =	swait.ge [sflag:s29], $0x50  }
0x45c: {  	[sflag:s29] =	ssyncset.done $0x0  }
0x45d: {  	[sflag:s29] =	ssyncadd.s32 $0xFFFFFFB0  }
0x45e: {  	_ =	swait.ge [sflag:s29], $0x50  }
0x45f: {  	[sflag:s29] =	ssyncset.done $0x0  }
0x460: {  	s0 =	simm.s32 $0x1000;
	s31 =	rddreg [dreg:$0x11];
	[sflag:s29] =	ssyncadd.s32 $0xFFFFFFB0  }
0x461: {  	[tilespmem:s0], [sflag:$0x2] =	stream.linear.gather [hbm4b:s31+s4], $0xC80, $0x38;
	[tilespmem:$0x2580] =	vst v63  }
0x462: {  	_ =	swait.ge [sflag:s22], $0xC80  }
0x463: {  	[sflag:s22] =	ssyncset.done $0x0  }
0x464: {  	[sflag:s22] =	ssyncadd.s32 $0xFFFFF380  }
0x465: {  	[spmem:s3] =	stream.indirect.scatter.add.f32 [tilespmem:s24], [sflag:$0x1], $0x1, s0, s25, $0xb8;
	[tilespmem:$0x2580] =	vst v63  }
0x466: {  	s0 =	simm.s32 $0x1080  }
0x467: {  	[spmem:s3] =	stream.indirect.scatter.add.f32 [tilespmem:s24], [sflag:$0x1], $0x1, s0, s25, $0xb8;
	[tilespmem:$0x2580] =	vst v63  }
0x468: {  	s0 =	simm.s32 $0x1100  }
0x469: {  	[spmem:s3] =	stream.indirect.scatter.add.f32 [tilespmem:s24], [sflag:$0x1], $0x1, s0, s25, $0xb8;
	[tilespmem:$0x2580] =	vst v63  }
0x46a: {  	s7 =	simm.s32 $0x1180  }
0x46b: {  	[spmem:s3] =	stream.indirect.scatter.add.f32 [tilespmem:s24], [sflag:$0x1], $0x1, s7, s25, $0xb8;
	[tilespmem:$0x2580] =	vst v63  }
0x46c: {  	s8 =	simm.s32 $0x1200  }
0x46d: {  	[spmem:s3] =	stream.indirect.scatter.add.f32 [tilespmem:s24], [sflag:$0x1], $0x1, s8, s25, $0xb8;
	[tilespmem:$0x2580] =	vst v63  }
0x46e: {  	s9 =	simm.s32 $0x1280  }
0x46f: {  	[spmem:s3] =	stream.indirect.scatter.add.f32 [tilespmem:s24], [sflag:$0x1], $0x1, s9, s25, $0xb8;
	[tilespmem:$0x2580] =	vst v63  }
0x470: {  	s10 =	simm.s32 $0x1300  }
0x471: {  	[spmem:s3] =	stream.indirect.scatter.add.f32 [tilespmem:s24], [sflag:$0x1], $0x1, s10, s25, $0xb8;
	[tilespmem:$0x2580] =	vst v63  }
0x472: {  	s11 =	simm.s32 $0x1380  }
0x473: {  	[spmem:s3] =	stream.indirect.scatter.add.f32 [tilespmem:s24], [sflag:$0x1], $0x1, s11, s25, $0xb8;
	[tilespmem:$0x2580] =	vst v63  }
0x474: {  	s12 =	simm.s32 $0x1400  }
0x475: {  	[spmem:s3] =	stream.indirect.scatter.add.f32 [tilespmem:s24], [sflag:$0x1], $0x1, s12, s25, $0xb8;
	[tilespmem:$0x2580] =	vst v63  }
0x476: {  	s13 =	simm.s32 $0x1480  }
0x477: {  	[spmem:s3] =	stream.indirect.scatter.add.f32 [tilespmem:s24], [sflag:$0x1], $0x1, s13, s25, $0xb8;
	[tilespmem:$0x2580] =	vst v63  }
0x478: {  	s14 =	simm.s32 $0x1500  }
0x479: {  	[spmem:s3] =	stream.indirect.scatter.add.f32 [tilespmem:s24], [sflag:$0x1], $0x1, s14, s25, $0xb8;
	[tilespmem:$0x2580] =	vst v63  }
0x47a: {  	s15 =	simm.s32 $0x1580  }
0x47b: {  	[spmem:s3] =	stream.indirect.scatter.add.f32 [tilespmem:s24], [sflag:$0x1], $0x1, s15, s25, $0xb8;
	[tilespmem:$0x2580] =	vst v63  }
0x47c: {  	s16 =	simm.s32 $0x1600  }
0x47d: {  	[spmem:s3] =	stream.indirect.scatter.add.f32 [tilespmem:s24], [sflag:$0x1], $0x1, s16, s25, $0xb8;
	[tilespmem:$0x2580] =	vst v63  }
0x47e: {  	s17 =	simm.s32 $0x1680  }
0x47f: {  	[spmem:s3] =	stream.indirect.scatter.add.f32 [tilespmem:s24], [sflag:$0x1], $0x1, s17, s25, $0xb8;
	[tilespmem:$0x2580] =	vst v63  }
0x480: {  	s18 =	simm.s32 $0x1700  }
0x481: {  	[spmem:s3] =	stream.indirect.scatter.add.f32 [tilespmem:s24], [sflag:$0x1], $0x1, s18, s25, $0xb8;
	[tilespmem:$0x2580] =	vst v63  }
0x482: {  	s19 =	simm.s32 $0x1780  }
0x483: {  	[spmem:s3] =	stream.indirect.scatter.add.f32 [tilespmem:s24], [sflag:$0x1], $0x1, s19, s25, $0xb8;
	[tilespmem:$0x2580] =	vst v63  }
0x484: {  	s20 =	simm.s32 $0x1800  }
0x485: {  	[spmem:s3] =	stream.indirect.scatter.add.f32 [tilespmem:s24], [sflag:$0x1], $0x1, s20, s25, $0xb8;
	[tilespmem:$0x2580] =	vst v63  }
0x486: {  	s21 =	simm.s32 $0x1880  }
0x487: {  	[spmem:s3] =	stream.indirect.scatter.add.f32 [tilespmem:s24], [sflag:$0x1], $0x1, s21, s25, $0xb8;
	[tilespmem:$0x2580] =	vst v63  }
0x488: {  	s23 =	simm.s32 $0x1900  }
0x489: {  	[spmem:s3] =	stream.indirect.scatter.add.f32 [tilespmem:s24], [sflag:$0x1], $0x1, s23, s25, $0xb8;
	[tilespmem:$0x2580] =	vst v63  }
0x48a: {  	s26 =	simm.s32 $0x1980  }
0x48b: {  	[spmem:s3] =	stream.indirect.scatter.add.f32 [tilespmem:s24], [sflag:$0x1], $0x1, s26, s25, $0xb8;
	[tilespmem:$0x2580] =	vst v63  }
0x48c: {  	s28 =	simm.s32 $0x1A00  }
0x48d: {  	[spmem:s3] =	stream.indirect.scatter.add.f32 [tilespmem:s24], [sflag:$0x1], $0x1, s28, s25, $0xb8;
	[tilespmem:$0x2580] =	vst v63  }
0x48e: {  	_ = 	snop  }
0x48f: {  	[spmem:s3] =	stream.indirect.scatter.add.f32 [tilespmem:s24], [sflag:$0x1], $0x1, s5, s25, $0xb8;
	[tilespmem:$0x2580] =	vst v63  }
0x490: {  	s28 =	simm.s32 $0x1B00  }
0x491: {  	[spmem:s3] =	stream.indirect.scatter.add.f32 [tilespmem:s24], [sflag:$0x1], $0x1, s28, s25, $0xb8;
	[tilespmem:$0x2580] =	vst v63  }
0x492: {  	_ = 	snop  }
0x493: {  	[spmem:s3] =	stream.indirect.scatter.add.f32 [tilespmem:s24], [sflag:$0x1], $0x1, s1, s25, $0xb8;
	[tilespmem:$0x2580] =	vst v63  }
0x494: {  	_ = 	snop  }
0x495: {  	[spmem:s3] =	stream.indirect.scatter.add.f32 [tilespmem:s24], [sflag:$0x1], $0x1, s6, s25, $0xb8;
	[tilespmem:$0x2580] =	vst v63  }
0x496: {  	_ =	swait.ge [sflag:s29], $0x50  }
0x497: {  	s31 =	simm.s32 $0x31;
	[sflag:s29] =	ssyncset.done $0x0  }
.LBB2_2:
0x498: {  	p0 =	sne.s32 s31, $0x1;
	s31 =	sadd.s32 $0xFFFFFFFF, s31;
	[sflag:s29] =	ssyncadd.s32 $0xFFFFFFB0  }
.Ltmp0:
0x499: {  	(pc) =	sbr.rel @p0 .LBB2_2-.Ltmp0, $3  }
0x49a: {  	_ =	sdelay $0x1  }
0x49b: {  	_ =	swait.ge [sflag:s29], $0x50  }
0x49c: {  	[sflag:s29] =	ssyncset.done $0x0  }
0x49d: {  	[sflag:s29] =	ssyncadd.s32 $0xFFFFFFB0  }
0x49e: {  	[bflag:$0x0] =	sbarrier.arrive $0xFFFF  }
0x49f: {  	s31 =	rddreg [dreg:$0xf]  }
0x4a0: {  	s1 =	rddreg [dreg:$0x14]  }
0x4a1: {  	s12 =	rddreg [dreg:$0x16]  }
0x4a2: {  	[hbm:s31], [sflag:s12] =	dma.local [spmem:s1], $0x50  }
0x4a3: {  	_ =	swait.ge [sflag:s22], $0x50  }
0x4a4: {  	[sflag:s22] =	ssyncset.done $0x0;
	s26 =	rddreg [dreg:$0x12]  }
0x4a5: {  	s0 =	rddreg [dreg:$0x15];
	[sflag:s22] =	ssyncadd.s32 $0xFFFFFFB0  }
0x4a6: {  	[hbm:s26], [sflag:s12] =	dma.local [spmem:s0], $0x50  }
0x4a7: {  	_ =	swait.ge [sflag:s22], $0x50  }
0x4a8: {  	s30 =	sadd.s32 $0x1, s30;
	s28 =	rddreg [dreg:$0x13]  }
0x4a9: {  	p0 =	sne.s32 s30, s28  }
.Ltmp1:
0x4aa: {  	_ = 	snop;
	(pc) =	sbr.rel @p0 .LBB2_1-.Ltmp1, $3  }
0x4ab: {  	_ =	sdelay $0x1  }
0x4ac: {  	[sflag:s22] =	ssyncset.done $0x0  }
0x4ad: {  	[sflag:s22] =	ssyncadd.s32 $0xFFFFFFB0  }
0x4ae: {  	_ =	sfence.sel $0x180000  }
0x4af: {  	[bflag:$0x0] =	sbarrier.arrive $0xFFFF  }
0x4b0: {  	_ =	strace $0x90000047  }
0x4b1: {  	s0 =	stileid.u32;
	[bflag:$0x2] =	sbarrier.arrive $0xFFFF  }
0x4b2: {  	p0 =	sne.s32 s0, $0x0;
	s0 =	rddreg [dreg:$0x4]  }
0x4b3: {  	s0 =	sadd.s32 @!p0 $0x100000, s0  }
0x4b4: {  	[sflag:s0] =	ssyncadd.tile.s32 @!p0 $0x1;
	_ =	shalt  }
.Lfunc_end2:
_tile_overlayer_lowered:
.L_overlay_start_2:
0x4b5: {  	(tag) =	ssettag $0x2  }
0x4b6: {  	s0 =	rddreg [dreg:$0x0];
	s2 =	stileid.u32  }
0x4b7: {  	s1 =	rddreg [dreg:$0x1];
	p0 =	sne.s32 s2, $0x0  }
0x4b8: {  	s3 =	rddreg [dreg:$0x2];
	[bflag:$0x3] =	sbarrier.arrive $0xFFFF;
	s2 =	simm.s32 @!p0 $0x1C02  }
0x4b9: {  	[timem:s3], [sflag:s2] =	dma.local @!p0 [hbm:s0], s1  }
0x4ba: {  	s0 =	simm.s32 @!p0 $0x2  }
0x4bb: {  	_ =	swait.ge @!p0 [sflag:s0], s1  }
0x4bc: {  	s1 =	ssub.s32 @!p0 $0x0, s1;
	[sflag:s0] =	ssyncset.done @!p0 $0x0  }
0x4bd: {  	[sflag:s0] =	ssyncadd.s32 @!p0 s1  }
0x4be: {  	[bflag:$0x3] =	sbarrier.arrive $0xFFFF  }
0x4bf: {  	_ =	shalt  }

</sc_bundles>
